<compile_context>
chip_gen: v7x
topology: tpu7x:2x2x1
jax: 0.10.2.dev20260603
libtpu: 0.0.44.dev20260713+nightly
codegen_flags: <defaults>
</compile_context>

<pallas_src>
import functools

import jax
import jax.numpy as jnp
from jax import lax
from jax.experimental import pallas as pl
from jax.experimental.pallas import tpu as pltpu
from jax.experimental.pallas import tpu_sc as plsc

_N = 10000
_E = 320000
_D = 128
_LN_EPS = 1e-5

_NPAD = 10240
_B = 128
_CH = 80
_NW = 32
_EPAD = _NW * _CH * _B
_REAL_CHUNKS = _E // _B
_RPT = _NPAD // 16
_NB = pl.cdiv(_N, _B)
_HCOL = _NPAD // _B


def _deg_body(ep_hbm, out_hbm, e_pk, t_src, t_dst, upd, zbuf,
              dego_sh, degi_sh, semo, semi):
    c = lax.axis_index("c")
    s = lax.axis_index("s")
    w = c * 16 + s
    for k in range(_RPT // 16):
        zbuf[pl.ds(k * 16, 16)] = jnp.zeros((16,), jnp.float32)
    for k in range(_B // 16):
        upd[pl.ds(k * 16, 16)] = jnp.ones((16,), jnp.float32)
    pltpu.sync_copy(zbuf, dego_sh.at[pl.ds(s * _RPT, _RPT)])
    pltpu.sync_copy(zbuf, degi_sh.at[pl.ds(s * _RPT, _RPT)])
    pltpu.sync_copy(ep_hbm.at[w], e_pk)
    plsc.subcore_barrier()

    def chunk(j, carry):
        valid = w * _CH + j < _REAL_CHUNKS
        for k in range(_B // 16):
            v = e_pk[j, pl.ds(k * 16, 16)]
            sv = v & 16383
            dv = lax.shift_right_logical(v, 14)
            trash = (_NPAD + k * 16
                     + lax.broadcasted_iota(jnp.int32, (16,), 0))
            ts = (sv & 127) * _HCOL + lax.shift_right_logical(sv, 7)
            td = (dv & 127) * _HCOL + lax.shift_right_logical(dv, 7)
            t_src[j, pl.ds(k * 16, 16)] = jnp.where(valid, ts, trash)
            t_dst[j, pl.ds(k * 16, 16)] = jnp.where(valid, td, trash)
        pltpu.async_copy(upd, dego_sh.at[t_src.at[j]], semo, add=True)
        pltpu.async_copy(upd, degi_sh.at[t_dst.at[j]], semi, add=True)
        return carry

    lax.fori_loop(0, _CH, chunk, 0)

    def drain(j, carry):
        pltpu.make_async_copy(upd, dego_sh.at[t_src.at[j]], semo).wait()
        pltpu.make_async_copy(upd, degi_sh.at[t_dst.at[j]], semi).wait()
        return carry

    lax.fori_loop(0, _CH, drain, 0)
    plsc.subcore_barrier()
    pltpu.sync_copy(dego_sh.at[pl.ds(s * _RPT, _RPT)],
                    out_hbm.at[c, 0, pl.ds(s * _RPT, _RPT)])
    pltpu.sync_copy(degi_sh.at[pl.ds(s * _RPT, _RPT)],
                    out_hbm.at[c, 1, pl.ds(s * _RPT, _RPT)])


def _agg_body(xs_hbm, ep_hbm, out0_hbm, out1_hbm,
              e_pk, sidx, didx, eidx, rows0, rows1, agg_sh, sem0, sem1):
    c = lax.axis_index("c")
    s = lax.axis_index("s")
    w = c * 16 + s

    for k in range(_CH // 16):
        eidx[pl.ds(k * 16, 16)] = (
            w * _CH + k * 16 + lax.broadcasted_iota(jnp.int32, (16,), 0))
    pltpu.async_copy(ep_hbm.at[eidx], e_pk, sem0)

    def zrow(i, carry):
        for k in range(_D // 16):
            rows0[i, pl.ds(k * 16, 16)] = jnp.zeros((16,), jnp.float32)
        return carry

    lax.fori_loop(0, _B, zrow, 0)
    for t in range(_RPT // _B):
        pltpu.sync_copy(rows0, agg_sh.at[pl.ds(s * _RPT + t * _B, _B)])
    pltpu.make_async_copy(ep_hbm.at[eidx], e_pk, sem0).wait()
    plsc.subcore_barrier()

    def unpack(j, p):
        for k in range(_B // 16):
            v = e_pk[j, pl.ds(k * 16, 16)]
            sidx[p, pl.ds(k * 16, 16)] = v & 16383
            didx[p, pl.ds(k * 16, 16)] = lax.shift_right_logical(v, 14)

    unpack(0, 0)
    pltpu.async_copy(xs_hbm.at[sidx.at[0]], rows0, sem0)
    unpack(1, 1)

    def step(g, carry):
        j0 = 2 * g
        j1 = j0 + 1
        pltpu.async_copy(xs_hbm.at[sidx.at[1]], rows1, sem1)
        pltpu.make_async_copy(xs_hbm.at[sidx.at[0]], rows0, sem0).wait()
        pltpu.sync_copy(rows0, agg_sh.at[didx.at[0]], add=True)

        @pl.when(g < _CH // 2 - 1)
        def _():
            unpack(j0 + 2, 0)
            pltpu.async_copy(xs_hbm.at[sidx.at[0]], rows0, sem0)

        pltpu.make_async_copy(xs_hbm.at[sidx.at[1]], rows1, sem1).wait()
        pltpu.sync_copy(rows1, agg_sh.at[didx.at[1]], add=True)

        @pl.when(g < _CH // 2 - 1)
        def _():
            unpack(j1 + 2, 1)

        return carry

    lax.fori_loop(0, _CH // 2, step, 0)
    plsc.subcore_barrier()

    @pl.when(c == 0)
    def _():
        pltpu.sync_copy(agg_sh.at[pl.ds(s * _RPT, _RPT)],
                        out0_hbm.at[pl.ds(s * _RPT, _RPT)])

    @pl.when(c == 1)
    def _():
        pltpu.sync_copy(agg_sh.at[pl.ds(s * _RPT, _RPT)],
                        out1_hbm.at[pl.ds(s * _RPT, _RPT)])


@functools.cache
def _sc_kernels():
    mesh = plsc.VectorSubcoreMesh(core_axis_name="c", subcore_axis_name="s")
    deg = pl.kernel(
        _deg_body,
        out_type=jax.ShapeDtypeStruct((2, 2, _NPAD), jnp.float32),
        mesh=mesh,
        scratch_types=[
            pltpu.VMEM((_CH, _B), jnp.int32),
            pltpu.VMEM((_CH, _B), jnp.int32),
            pltpu.VMEM((_CH, _B), jnp.int32),
            pltpu.VMEM((_B,), jnp.float32),
            pltpu.VMEM((_RPT,), jnp.float32),
            pltpu.VMEM_SHARED((_NPAD + _B,), jnp.float32),
            pltpu.VMEM_SHARED((_NPAD + _B,), jnp.float32),
            pltpu.SemaphoreType.DMA,
            pltpu.SemaphoreType.DMA,
        ],
    )
    agg = pl.kernel(
        _agg_body,
        out_type=[jax.ShapeDtypeStruct((_NPAD, _D), jnp.float32),
                  jax.ShapeDtypeStruct((_NPAD, _D), jnp.float32)],
        mesh=mesh,
        scratch_types=[
            pltpu.VMEM((_CH, _B), jnp.int32),
            pltpu.VMEM((2, _B), jnp.int32),
            pltpu.VMEM((2, _B), jnp.int32),
            pltpu.VMEM((_CH,), jnp.int32),
            pltpu.VMEM((_B, _D), jnp.float32),
            pltpu.VMEM((_B, _D), jnp.float32),
            pltpu.VMEM_SHARED((_NPAD, _D), jnp.float32),
            pltpu.SemaphoreType.DMA,
            pltpu.SemaphoreType.DMA,
        ],
    )
    return deg, agg


def _deg_col(d_ref, i):
    d = d_ref[0, 0] + d_ref[1, 0]
    lane = lax.broadcasted_iota(jnp.int32, (_B, _HCOL), 1)
    col = jnp.sum(jnp.where(lane == i, d, 0.0), axis=1, keepdims=True)
    return lax.rsqrt(jnp.maximum(col, 1.0))


def _xs_call(x, degp4):
    def body(x_ref, d_ref, o_ref):
        ro = _deg_col(d_ref, pl.program_id(0))
        o_ref[...] = x_ref[...] * ro

    return pl.pallas_call(
        body,
        grid=(_NB,),
        in_specs=[
            pl.BlockSpec((_B, _D), lambda i: (i, 0)),
            pl.BlockSpec((2, 1, _B, _HCOL), lambda i: (0, 0, 0, 0)),
        ],
        out_specs=pl.BlockSpec((_B, _D), lambda i: (i, 0)),
        out_shape=jax.ShapeDtypeStruct((_N, _D), jnp.float32),
    )(x, degp4)


def _fin_call(aggp0, aggp1, degp4, W, b2, g2, be2, hb2):
    def body(p0_ref, p1_ref, d_ref, w_ref, b_ref, g_ref, be_ref, hb_ref,
             o_ref):
        a = p0_ref[...] + p1_ref[...]
        rin = _deg_col(d_ref, pl.program_id(0))
        t = jnp.dot(a, w_ref[...], preferred_element_type=jnp.float32)
        h = t * rin + b_ref[...]
        mu = jnp.mean(h, axis=1, keepdims=True)
        hc = h - mu
        var = jnp.mean(hc * hc, axis=1, keepdims=True)
        hn = hc * lax.rsqrt(var + _LN_EPS)
        o_ref[...] = hn * g_ref[...] + be_ref[...] + hb_ref[...]

    vec_spec = pl.BlockSpec((1, _D), lambda i: (0, 0))
    return pl.pallas_call(
        body,
        grid=(_NB,),
        in_specs=[
            pl.BlockSpec((_B, _D), lambda i: (i, 0)),
            pl.BlockSpec((_B, _D), lambda i: (i, 0)),
            pl.BlockSpec((2, 1, _B, _HCOL), lambda i: (0, 1, 0, 0)),
            pl.BlockSpec((_D, _D), lambda i: (0, 0)),
            vec_spec, vec_spec, vec_spec, vec_spec,
        ],
        out_specs=pl.BlockSpec((_B, _D), lambda i: (i, 0)),
        out_shape=jax.ShapeDtypeStruct((_N, _D), jnp.float32),
    )(aggp0, aggp1, degp4, W, b2, g2, be2, hb2)


def kernel(x, edge_index, W, b_conv, ln_gamma, ln_beta, h_bias):
    src = edge_index[0]
    dst = edge_index[1]
    npe = _EPAD - _E
    ar = jnp.arange(npe, dtype=jnp.int32)
    pad_src = (ar * 37) % _N
    pad_dst = _N + (ar % (_NPAD - _N))
    src_p = jnp.concatenate([src, pad_src])
    dst_p = jnp.concatenate([dst, pad_dst])
    ep = (dst_p * 16384 + src_p).reshape(_NW, _CH, _B)

    deg_k, agg_k = _sc_kernels()
    deg = deg_k(ep)
    degp4 = deg.reshape(2, 2, _B, _HCOL)
    xs = _xs_call(x, degp4)
    aggp0, aggp1 = agg_k(xs, ep.reshape(_NW * _CH, _B))
    b2 = b_conv.reshape(1, _D)
    g2 = ln_gamma.reshape(1, _D)
    be2 = ln_beta.reshape(1, _D)
    hb2 = h_bias.reshape(1, _D)
    return _fin_call(aggp0, aggp1, degp4, W, b2, g2, be2, hb2)

# --- scband reference (transcript-rebuilt; emitter-appended) ---
"""Pipeline reference for scband-emb-layer-10325101379594 (READ-ONLY COPY).

The authoritative reference and input builder live on the scoring server;
editing this copy changes nothing except your own understanding.
"""

import jax, jax.numpy as jnp
import numpy as np

N = 10000
E = 320000
D = 128
LN_EPS = 1e-5

def setup_inputs(seed: int = 0) -> dict:
    key = jax.random.key(seed)
    k1, k2, k3 = jax.random.split(key, 3)
    x = jax.random.normal(k1, (N, D), dtype=jnp.float32)
    edge_index = jax.random.randint(k2, (2, E), 0, N, dtype=jnp.int32)
    # GraphConv weight (xavier-like init) and bias
    W = jax.random.normal(k3, (D, D), dtype=jnp.float32) * (1.0 / np.sqrt(D))
    b_conv = jnp.zeros((D,), dtype=jnp.float32)
    # LayerNorm affine params (elementwise_affine=True)
    ln_gamma = jnp.ones((D,), dtype=jnp.float32)
    ln_beta = jnp.zeros((D,), dtype=jnp.float32)
    # EmbLayer per-ntype bias, initialized to zeros like the torch module
    h_bias = jnp.zeros((D,), dtype=jnp.float32)
    return {"x": x, "edge_index": edge_index, "W": W, "b_conv": b_conv,
            "ln_gamma": ln_gamma, "ln_beta": ln_beta, "h_bias": h_bias}

def reference(x, edge_index, W, b_conv, ln_gamma, ln_beta, h_bias):
    src = edge_index[0]
    dst = edge_index[1]
    ones_e = jnp.ones((E,), dtype=jnp.float32)
    # symmetric 'both' normalization of DGL GraphConv; clamp zero degrees
    deg_out = jnp.clip(jax.ops.segment_sum(ones_e, src, num_segments=N), 1.0, None)
    deg_in = jnp.clip(jax.ops.segment_sum(ones_e, dst, num_segments=N), 1.0, None)
    xs = x * jax.lax.rsqrt(deg_out)[:, None]
    msg = jnp.take(xs, src, axis=0)                       # gather (SparseCore)
    agg = jax.ops.segment_sum(msg, dst, num_segments=N)   # scatter-add (SparseCore)
    agg = agg * jax.lax.rsqrt(deg_in)[:, None]
    h = agg @ W + b_conv
    # HeteroGraphConv 'sum' aggregate over the single etype is identity here.
    # LayerNorm over last dim
    mu = jnp.mean(h, axis=-1, keepdims=True)
    var = jnp.mean((h - mu) ** 2, axis=-1, keepdims=True)
    hn = (h - mu) * jax.lax.rsqrt(var + LN_EPS) * ln_gamma + ln_beta
    # per-ntype bias; activation=None; dropout p=0.0 is identity
    out = hn + h_bias
    return out

if __name__ == "__main__":
    import jax
    _d = setup_inputs()
    print(jax.jit(kernel)(*tuple(_d.values())))

</pallas_src>

<mosaic_0001>
#map = affine_map<(d0, d1) -> (0, 0, 0)>
module attributes {stable_mosaic.version = 14 : i64} {
  func.func @_deg_body(%arg0: i32, %arg1: i32, %arg2: memref<32x80x128xi32, #tpu.memory_space<hbm>>, %arg3: memref<2x2x10240xf32, #tpu.memory_space<hbm>>, %arg4: memref<80x128xi32, #tpu.memory_space<vmem>>, %arg5: memref<80x128xi32, #tpu.memory_space<vmem>>, %arg6: memref<80x128xi32, #tpu.memory_space<vmem>>, %arg7: memref<128xf32, #tpu.memory_space<vmem>>, %arg8: memref<640xf32, #tpu.memory_space<vmem>>, %arg9: memref<10368xf32, #tpu.memory_space<vmem_shared>>, %arg10: memref<10368xf32, #tpu.memory_space<vmem_shared>>, %arg11: memref<!tpu.dma_semaphore, #tpu.memory_space<semaphore_mem>>, %arg12: memref<!tpu.dma_semaphore, #tpu.memory_space<semaphore_mem>>) attributes {dimension_semantics = [#tpu.dimension_semantics<core_parallel>, #tpu.dimension_semantics<subcore_parallel>], iteration_bounds = array<i64: 2, 16>, scalar_prefetch = 0 : i64, scratch_operands = 9 : i64, tpu.core_type = #tpu.core_type<sc_vector_subcore>, window_params = [{transform_indices = #map}, {transform_indices = #map}]} {
    %mul3A = arith.constant 16 : i32
    %mul3A_0 = arith.muli %arg0, %mul3A : i32
    %add3A = arith.addi %mul3A_0, %arg1 : i32
    %broadcast_in_dim3A = arith.constant 0.000000e+00 : f32
    %broadcast_in_dim3A_1 = vector.broadcast %broadcast_in_dim3A : f32 to vector<16xf32>
    %swap3A = arith.constant 0 : index
    %swap3A_2 = tpu.vector_load %arg8[%swap3A] {strides = array<i32>} : memref<640xf32, #tpu.memory_space<vmem>>, vector<16xf32>,
    %swap3A_3 = vector.shape_cast %swap3A_2 : vector<16xf32> to vector<16xf32>
    %swap3A_4 = vector.shape_cast %broadcast_in_dim3A_1 : vector<16xf32> to vector<16xf32>
    tpu.vector_store %arg8[%swap3A], %swap3A_4 {strides = array<i32>} : memref<640xf32, #tpu.memory_space<vmem>>, vector<16xf32>,
    %broadcast_in_dim3A_5 = arith.constant 0.000000e+00 : f32
    %broadcast_in_dim3A_6 = vector.broadcast %broadcast_in_dim3A_5 : f32 to vector<16xf32>
    %swap3A_7 = arith.constant 16 : index
    %swap3A_8 = tpu.vector_load %arg8[%swap3A_7] {strides = array<i32>} : memref<640xf32, #tpu.memory_space<vmem>>, vector<16xf32>,
    %swap3A_9 = vector.shape_cast %swap3A_8 : vector<16xf32> to vector<16xf32>
    %swap3A_10 = vector.shape_cast %broadcast_in_dim3A_6 : vector<16xf32> to vector<16xf32>
    tpu.vector_store %arg8[%swap3A_7], %swap3A_10 {strides = array<i32>} : memref<640xf32, #tpu.memory_space<vmem>>, vector<16xf32>,
    %broadcast_in_dim3A_11 = arith.constant 0.000000e+00 : f32
    %broadcast_in_dim3A_12 = vector.broadcast %broadcast_in_dim3A_11 : f32 to vector<16xf32>
    %swap3A_13 = arith.constant 32 : index
    %swap3A_14 = tpu.vector_load %arg8[%swap3A_13] {strides = array<i32>} : memref<640xf32, #tpu.memory_space<vmem>>, vector<16xf32>,
    %swap3A_15 = vector.shape_cast %swap3A_14 : vector<16xf32> to vector<16xf32>
    %swap3A_16 = vector.shape_cast %broadcast_in_dim3A_12 : vector<16xf32> to vector<16xf32>
    tpu.vector_store %arg8[%swap3A_13], %swap3A_16 {strides = array<i32>} : memref<640xf32, #tpu.memory_space<vmem>>, vector<16xf32>,
    %broadcast_in_dim3A_17 = arith.constant 0.000000e+00 : f32
    %broadcast_in_dim3A_18 = vector.broadcast %broadcast_in_dim3A_17 : f32 to vector<16xf32>
    %swap3A_19 = arith.constant 48 : index
    %swap3A_20 = tpu.vector_load %arg8[%swap3A_19] {strides = array<i32>} : memref<640xf32, #tpu.memory_space<vmem>>, vector<16xf32>,
    %swap3A_21 = vector.shape_cast %swap3A_20 : vector<16xf32> to vector<16xf32>
    %swap3A_22 = vector.shape_cast %broadcast_in_dim3A_18 : vector<16xf32> to vector<16xf32>
    tpu.vector_store %arg8[%swap3A_19], %swap3A_22 {strides = array<i32>} : memref<640xf32, #tpu.memory_space<vmem>>, vector<16xf32>,
    %broadcast_in_dim3A_23 = arith.constant 0.000000e+00 : f32
    %broadcast_in_dim3A_24 = vector.broadcast %broadcast_in_dim3A_23 : f32 to vector<16xf32>
    %swap3A_25 = arith.constant 64 : index
    %swap3A_26 = tpu.vector_load %arg8[%swap3A_25] {strides = array<i32>} : memref<640xf32, #tpu.memory_space<vmem>>, vector<16xf32>,
    %swap3A_27 = vector.shape_cast %swap3A_26 : vector<16xf32> to vector<16xf32>
    %swap3A_28 = vector.shape_cast %broadcast_in_dim3A_24 : vector<16xf32> to vector<16xf32>
    tpu.vector_store %arg8[%swap3A_25], %swap3A_28 {strides = array<i32>} : memref<640xf32, #tpu.memory_space<vmem>>, vector<16xf32>,
    %broadcast_in_dim3A_29 = arith.constant 0.000000e+00 : f32
    %broadcast_in_dim3A_30 = vector.broadcast %broadcast_in_dim3A_29 : f32 to vector<16xf32>
    %swap3A_31 = arith.constant 80 : index
    %swap3A_32 = tpu.vector_load %arg8[%swap3A_31] {strides = array<i32>} : memref<640xf32, #tpu.memory_space<vmem>>, vector<16xf32>,
    %swap3A_33 = vector.shape_cast %swap3A_32 : vector<16xf32> to vector<16xf32>
    %swap3A_34 = vector.shape_cast %broadcast_in_dim3A_30 : vector<16xf32> to vector<16xf32>
    tpu.vector_store %arg8[%swap3A_31], %swap3A_34 {strides = array<i32>} : memref<640xf32, #tpu.memory_space<vmem>>, vector<16xf32>,
    %broadcast_in_dim3A_35 = arith.constant 0.000000e+00 : f32
    %broadcast_in_dim3A_36 = vector.broadcast %broadcast_in_dim3A_35 : f32 to vector<16xf32>
    %swap3A_37 = arith.constant 96 : index
    %swap3A_38 = tpu.vector_load %arg8[%swap3A_37] {strides = array<i32>} : memref<640xf32, #tpu.memory_space<vmem>>, vector<16xf32>,
    %swap3A_39 = vector.shape_cast %swap3A_38 : vector<16xf32> to vector<16xf32>
    %swap3A_40 = vector.shape_cast %broadcast_in_dim3A_36 : vector<16xf32> to vector<16xf32>
    tpu.vector_store %arg8[%swap3A_37], %swap3A_40 {strides = array<i32>} : memref<640xf32, #tpu.memory_space<vmem>>, vector<16xf32>,
    %broadcast_in_dim3A_41 = arith.constant 0.000000e+00 : f32
    %broadcast_in_dim3A_42 = vector.broadcast %broadcast_in_dim3A_41 : f32 to vector<16xf32>
    %swap3A_43 = arith.constant 112 : index
    %swap3A_44 = tpu.vector_load %arg8[%swap3A_43] {strides = array<i32>} : memref<640xf32, #tpu.memory_space<vmem>>, vector<16xf32>,
    %swap3A_45 = vector.shape_cast %swap3A_44 : vector<16xf32> to vector<16xf32>
    %swap3A_46 = vector.shape_cast %broadcast_in_dim3A_42 : vector<16xf32> to vector<16xf32>
    tpu.vector_store %arg8[%swap3A_43], %swap3A_46 {strides = array<i32>} : memref<640xf32, #tpu.memory_space<vmem>>, vector<16xf32>,
    %broadcast_in_dim3A_47 = arith.constant 0.000000e+00 : f32
    %broadcast_in_dim3A_48 = vector.broadcast %broadcast_in_dim3A_47 : f32 to vector<16xf32>
    %swap3A_49 = arith.constant 128 : index
    %swap3A_50 = tpu.vector_load %arg8[%swap3A_49] {strides = array<i32>} : memref<640xf32, #tpu.memory_space<vmem>>, vector<16xf32>,
    %swap3A_51 = vector.shape_cast %swap3A_50 : vector<16xf32> to vector<16xf32>
    %swap3A_52 = vector.shape_cast %broadcast_in_dim3A_48 : vector<16xf32> to vector<16xf32>
    tpu.vector_store %arg8[%swap3A_49], %swap3A_52 {strides = array<i32>} : memref<640xf32, #tpu.memory_space<vmem>>, vector<16xf32>,
    %broadcast_in_dim3A_53 = arith.constant 0.000000e+00 : f32
    %broadcast_in_dim3A_54 = vector.broadcast %broadcast_in_dim3A_53 : f32 to vector<16xf32>
    %swap3A_55 = arith.constant 144 : index
    %swap3A_56 = tpu.vector_load %arg8[%swap3A_55] {strides = array<i32>} : memref<640xf32, #tpu.memory_space<vmem>>, vector<16xf32>,
    %swap3A_57 = vector.shape_cast %swap3A_56 : vector<16xf32> to vector<16xf32>
    %swap3A_58 = vector.shape_cast %broadcast_in_dim3A_54 : vector<16xf32> to vector<16xf32>
    tpu.vector_store %arg8[%swap3A_55], %swap3A_58 {strides = array<i32>} : memref<640xf32, #tpu.memory_space<vmem>>, vector<16xf32>,
    %broadcast_in_dim3A_59 = arith.constant 0.000000e+00 : f32
    %broadcast_in_dim3A_60 = vector.broadcast %broadcast_in_dim3A_59 : f32 to vector<16xf32>
    %swap3A_61 = arith.constant 160 : index
    %swap3A_62 = tpu.vector_load %arg8[%swap3A_61] {strides = array<i32>} : memref<640xf32, #tpu.memory_space<vmem>>, vector<16xf32>,
    %swap3A_63 = vector.shape_cast %swap3A_62 : vector<16xf32> to vector<16xf32>
    %swap3A_64 = vector.shape_cast %broadcast_in_dim3A_60 : vector<16xf32> to vector<16xf32>
    tpu.vector_store %arg8[%swap3A_61], %swap3A_64 {strides = array<i32>} : memref<640xf32, #tpu.memory_space<vmem>>, vector<16xf32>,
    %broadcast_in_dim3A_65 = arith.constant 0.000000e+00 : f32
    %broadcast_in_dim3A_66 = vector.broadcast %broadcast_in_dim3A_65 : f32 to vector<16xf32>
    %swap3A_67 = arith.constant 176 : index
    %swap3A_68 = tpu.vector_load %arg8[%swap3A_67] {strides = array<i32>} : memref<640xf32, #tpu.memory_space<vmem>>, vector<16xf32>,
    %swap3A_69 = vector.shape_cast %swap3A_68 : vector<16xf32> to vector<16xf32>
    %swap3A_70 = vector.shape_cast %broadcast_in_dim3A_66 : vector<16xf32> to vector<16xf32>
    tpu.vector_store %arg8[%swap3A_67], %swap3A_70 {strides = array<i32>} : memref<640xf32, #tpu.memory_space<vmem>>, vector<16xf32>,
    %broadcast_in_dim3A_71 = arith.constant 0.000000e+00 : f32
    %broadcast_in_dim3A_72 = vector.broadcast %broadcast_in_dim3A_71 : f32 to vector<16xf32>
    %swap3A_73 = arith.constant 192 : index
    %swap3A_74 = tpu.vector_load %arg8[%swap3A_73] {strides = array<i32>} : memref<640xf32, #tpu.memory_space<vmem>>, vector<16xf32>,
    %swap3A_75 = vector.shape_cast %swap3A_74 : vector<16xf32> to vector<16xf32>
    %swap3A_76 = vector.shape_cast %broadcast_in_dim3A_72 : vector<16xf32> to vector<16xf32>
    tpu.vector_store %arg8[%swap3A_73], %swap3A_76 {strides = array<i32>} : memref<640xf32, #tpu.memory_space<vmem>>, vector<16xf32>,
    %broadcast_in_dim3A_77 = arith.constant 0.000000e+00 : f32
    %broadcast_in_dim3A_78 = vector.broadcast %broadcast_in_dim3A_77 : f32 to vector<16xf32>
    %swap3A_79 = arith.constant 208 : index
    %swap3A_80 = tpu.vector_load %arg8[%swap3A_79] {strides = array<i32>} : memref<640xf32, #tpu.memory_space<vmem>>, vector<16xf32>,
    %swap3A_81 = vector.shape_cast %swap3A_80 : vector<16xf32> to vector<16xf32>
    %swap3A_82 = vector.shape_cast %broadcast_in_dim3A_78 : vector<16xf32> to vector<16xf32>
    tpu.vector_store %arg8[%swap3A_79], %swap3A_82 {strides = array<i32>} : memref<640xf32, #tpu.memory_space<vmem>>, vector<16xf32>,
    %broadcast_in_dim3A_83 = arith.constant 0.000000e+00 : f32
    %broadcast_in_dim3A_84 = vector.broadcast %broadcast_in_dim3A_83 : f32 to vector<16xf32>
    %swap3A_85 = arith.constant 224 : index
    %swap3A_86 = tpu.vector_load %arg8[%swap3A_85] {strides = array<i32>} : memref<640xf32, #tpu.memory_space<vmem>>, vector<16xf32>,
    %swap3A_87 = vector.shape_cast %swap3A_86 : vector<16xf32> to vector<16xf32>
    %swap3A_88 = vector.shape_cast %broadcast_in_dim3A_84 : vector<16xf32> to vector<16xf32>
    tpu.vector_store %arg8[%swap3A_85], %swap3A_88 {strides = array<i32>} : memref<640xf32, #tpu.memory_space<vmem>>, vector<16xf32>,
    %broadcast_in_dim3A_89 = arith.constant 0.000000e+00 : f32
    %broadcast_in_dim3A_90 = vector.broadcast %broadcast_in_dim3A_89 : f32 to vector<16xf32>
    %swap3A_91 = arith.constant 240 : index
    %swap3A_92 = tpu.vector_load %arg8[%swap3A_91] {strides = array<i32>} : memref<640xf32, #tpu.memory_space<vmem>>, vector<16xf32>,
    %swap3A_93 = vector.shape_cast %swap3A_92 : vector<16xf32> to vector<16xf32>
    %swap3A_94 = vector.shape_cast %broadcast_in_dim3A_90 : vector<16xf32> to vector<16xf32>
    tpu.vector_store %arg8[%swap3A_91], %swap3A_94 {strides = array<i32>} : memref<640xf32, #tpu.memory_space<vmem>>, vector<16xf32>,
    %broadcast_in_dim3A_95 = arith.constant 0.000000e+00 : f32
    %broadcast_in_dim3A_96 = vector.broadcast %broadcast_in_dim3A_95 : f32 to vector<16xf32>
    %swap3A_97 = arith.constant 256 : index
    %swap3A_98 = tpu.vector_load %arg8[%swap3A_97] {strides = array<i32>} : memref<640xf32, #tpu.memory_space<vmem>>, vector<16xf32>,
    %swap3A_99 = vector.shape_cast %swap3A_98 : vector<16xf32> to vector<16xf32>
    %swap3A_100 = vector.shape_cast %broadcast_in_dim3A_96 : vector<16xf32> to vector<16xf32>
    tpu.vector_store %arg8[%swap3A_97], %swap3A_100 {strides = array<i32>} : memref<640xf32, #tpu.memory_space<vmem>>, vector<16xf32>,
    %broadcast_in_dim3A_101 = arith.constant 0.000000e+00 : f32
    %broadcast_in_dim3A_102 = vector.broadcast %broadcast_in_dim3A_101 : f32 to vector<16xf32>
    %swap3A_103 = arith.constant 272 : index
    %swap3A_104 = tpu.vector_load %arg8[%swap3A_103] {strides = array<i32>} : memref<640xf32, #tpu.memory_space<vmem>>, vector<16xf32>,
    %swap3A_105 = vector.shape_cast %swap3A_104 : vector<16xf32> to vector<16xf32>
    %swap3A_106 = vector.shape_cast %broadcast_in_dim3A_102 : vector<16xf32> to vector<16xf32>
    tpu.vector_store %arg8[%swap3A_103], %swap3A_106 {strides = array<i32>} : memref<640xf32, #tpu.memory_space<vmem>>, vector<16xf32>,
    %broadcast_in_dim3A_107 = arith.constant 0.000000e+00 : f32
    %broadcast_in_dim3A_108 = vector.broadcast %broadcast_in_dim3A_107 : f32 to vector<16xf32>
    %swap3A_109 = arith.constant 288 : index
    %swap3A_110 = tpu.vector_load %arg8[%swap3A_109] {strides = array<i32>} : memref<640xf32, #tpu.memory_space<vmem>>, vector<16xf32>,
    %swap3A_111 = vector.shape_cast %swap3A_110 : vector<16xf32> to vector<16xf32>
    %swap3A_112 = vector.shape_cast %broadcast_in_dim3A_108 : vector<16xf32> to vector<16xf32>
    tpu.vector_store %arg8[%swap3A_109], %swap3A_112 {strides = array<i32>} : memref<640xf32, #tpu.memory_space<vmem>>, vector<16xf32>,
    %broadcast_in_dim3A_113 = arith.constant 0.000000e+00 : f32
    %broadcast_in_dim3A_114 = vector.broadcast %broadcast_in_dim3A_113 : f32 to vector<16xf32>
    %swap3A_115 = arith.constant 304 : index
    %swap3A_116 = tpu.vector_load %arg8[%swap3A_115] {strides = array<i32>} : memref<640xf32, #tpu.memory_space<vmem>>, vector<16xf32>,
    %swap3A_117 = vector.shape_cast %swap3A_116 : vector<16xf32> to vector<16xf32>
    %swap3A_118 = vector.shape_cast %broadcast_in_dim3A_114 : vector<16xf32> to vector<16xf32>
    tpu.vector_store %arg8[%swap3A_115], %swap3A_118 {strides = array<i32>} : memref<640xf32, #tpu.memory_space<vmem>>, vector<16xf32>,
    %broadcast_in_dim3A_119 = arith.constant 0.000000e+00 : f32
    %broadcast_in_dim3A_120 = vector.broadcast %broadcast_in_dim3A_119 : f32 to vector<16xf32>
    %swap3A_121 = arith.constant 320 : index
    %swap3A_122 = tpu.vector_load %arg8[%swap3A_121] {strides = array<i32>} : memref<640xf32, #tpu.memory_space<vmem>>, vector<16xf32>,
    %swap3A_123 = vector.shape_cast %swap3A_122 : vector<16xf32> to vector<16xf32>
    %swap3A_124 = vector.shape_cast %broadcast_in_dim3A_120 : vector<16xf32> to vector<16xf32>
    tpu.vector_store %arg8[%swap3A_121], %swap3A_124 {strides = array<i32>} : memref<640xf32, #tpu.memory_space<vmem>>, vector<16xf32>,
    %broadcast_in_dim3A_125 = arith.constant 0.000000e+00 : f32
    %broadcast_in_dim3A_126 = vector.broadcast %broadcast_in_dim3A_125 : f32 to vector<16xf32>
    %swap3A_127 = arith.constant 336 : index
    %swap3A_128 = tpu.vector_load %arg8[%swap3A_127] {strides = array<i32>} : memref<640xf32, #tpu.memory_space<vmem>>, vector<16xf32>,
    %swap3A_129 = vector.shape_cast %swap3A_128 : vector<16xf32> to vector<16xf32>
    %swap3A_130 = vector.shape_cast %broadcast_in_dim3A_126 : vector<16xf32> to vector<16xf32>
    tpu.vector_store %arg8[%swap3A_127], %swap3A_130 {strides = array<i32>} : memref<640xf32, #tpu.memory_space<vmem>>, vector<16xf32>,
    %broadcast_in_dim3A_131 = arith.constant 0.000000e+00 : f32
    %broadcast_in_dim3A_132 = vector.broadcast %broadcast_in_dim3A_131 : f32 to vector<16xf32>
    %swap3A_133 = arith.constant 352 : index
    %swap3A_134 = tpu.vector_load %arg8[%swap3A_133] {strides = array<i32>} : memref<640xf32, #tpu.memory_space<vmem>>, vector<16xf32>,
    %swap3A_135 = vector.shape_cast %swap3A_134 : vector<16xf32> to vector<16xf32>
    %swap3A_136 = vector.shape_cast %broadcast_in_dim3A_132 : vector<16xf32> to vector<16xf32>
    tpu.vector_store %arg8[%swap3A_133], %swap3A_136 {strides = array<i32>} : memref<640xf32, #tpu.memory_space<vmem>>, vector<16xf32>,
    %broadcast_in_dim3A_137 = arith.constant 0.000000e+00 : f32
    %broadcast_in_dim3A_138 = vector.broadcast %broadcast_in_dim3A_137 : f32 to vector<16xf32>
    %swap3A_139 = arith.constant 368 : index
    %swap3A_140 = tpu.vector_load %arg8[%swap3A_139] {strides = array<i32>} : memref<640xf32, #tpu.memory_space<vmem>>, vector<16xf32>,
    %swap3A_141 = vector.shape_cast %swap3A_140 : vector<16xf32> to vector<16xf32>
    %swap3A_142 = vector.shape_cast %broadcast_in_dim3A_138 : vector<16xf32> to vector<16xf32>
    tpu.vector_store %arg8[%swap3A_139], %swap3A_142 {strides = array<i32>} : memref<640xf32, #tpu.memory_space<vmem>>, vector<16xf32>,
    %broadcast_in_dim3A_143 = arith.constant 0.000000e+00 : f32
    %broadcast_in_dim3A_144 = vector.broadcast %broadcast_in_dim3A_143 : f32 to vector<16xf32>
    %swap3A_145 = arith.constant 384 : index
    %swap3A_146 = tpu.vector_load %arg8[%swap3A_145] {strides = array<i32>} : memref<640xf32, #tpu.memory_space<vmem>>, vector<16xf32>,
    %swap3A_147 = vector.shape_cast %swap3A_146 : vector<16xf32> to vector<16xf32>
    %swap3A_148 = vector.shape_cast %broadcast_in_dim3A_144 : vector<16xf32> to vector<16xf32>
    tpu.vector_store %arg8[%swap3A_145], %swap3A_148 {strides = array<i32>} : memref<640xf32, #tpu.memory_space<vmem>>, vector<16xf32>,
    %broadcast_in_dim3A_149 = arith.constant 0.000000e+00 : f32
    %broadcast_in_dim3A_150 = vector.broadcast %broadcast_in_dim3A_149 : f32 to vector<16xf32>
    %swap3A_151 = arith.constant 400 : index
    %swap3A_152 = tpu.vector_load %arg8[%swap3A_151] {strides = array<i32>} : memref<640xf32, #tpu.memory_space<vmem>>, vector<16xf32>,
    %swap3A_153 = vector.shape_cast %swap3A_152 : vector<16xf32> to vector<16xf32>
    %swap3A_154 = vector.shape_cast %broadcast_in_dim3A_150 : vector<16xf32> to vector<16xf32>
    tpu.vector_store %arg8[%swap3A_151], %swap3A_154 {strides = array<i32>} : memref<640xf32, #tpu.memory_space<vmem>>, vector<16xf32>,
    %broadcast_in_dim3A_155 = arith.constant 0.000000e+00 : f32
    %broadcast_in_dim3A_156 = vector.broadcast %broadcast_in_dim3A_155 : f32 to vector<16xf32>
    %swap3A_157 = arith.constant 416 : index
    %swap3A_158 = tpu.vector_load %arg8[%swap3A_157] {strides = array<i32>} : memref<640xf32, #tpu.memory_space<vmem>>, vector<16xf32>,
    %swap3A_159 = vector.shape_cast %swap3A_158 : vector<16xf32> to vector<16xf32>
    %swap3A_160 = vector.shape_cast %broadcast_in_dim3A_156 : vector<16xf32> to vector<16xf32>
    tpu.vector_store %arg8[%swap3A_157], %swap3A_160 {strides = array<i32>} : memref<640xf32, #tpu.memory_space<vmem>>, vector<16xf32>,
    %broadcast_in_dim3A_161 = arith.constant 0.000000e+00 : f32
    %broadcast_in_dim3A_162 = vector.broadcast %broadcast_in_dim3A_161 : f32 to vector<16xf32>
    %swap3A_163 = arith.constant 432 : index
    %swap3A_164 = tpu.vector_load %arg8[%swap3A_163] {strides = array<i32>} : memref<640xf32, #tpu.memory_space<vmem>>, vector<16xf32>,
    %swap3A_165 = vector.shape_cast %swap3A_164 : vector<16xf32> to vector<16xf32>
    %swap3A_166 = vector.shape_cast %broadcast_in_dim3A_162 : vector<16xf32> to vector<16xf32>
    tpu.vector_store %arg8[%swap3A_163], %swap3A_166 {strides = array<i32>} : memref<640xf32, #tpu.memory_space<vmem>>, vector<16xf32>,
    %broadcast_in_dim3A_167 = arith.constant 0.000000e+00 : f32
    %broadcast_in_dim3A_168 = vector.broadcast %broadcast_in_dim3A_167 : f32 to vector<16xf32>
    %swap3A_169 = arith.constant 448 : index
    %swap3A_170 = tpu.vector_load %arg8[%swap3A_169] {strides = array<i32>} : memref<640xf32, #tpu.memory_space<vmem>>, vector<16xf32>,
    %swap3A_171 = vector.shape_cast %swap3A_170 : vector<16xf32> to vector<16xf32>
    %swap3A_172 = vector.shape_cast %broadcast_in_dim3A_168 : vector<16xf32> to vector<16xf32>
    tpu.vector_store %arg8[%swap3A_169], %swap3A_172 {strides = array<i32>} : memref<640xf32, #tpu.memory_space<vmem>>, vector<16xf32>,
    %broadcast_in_dim3A_173 = arith.constant 0.000000e+00 : f32
    %broadcast_in_dim3A_174 = vector.broadcast %broadcast_in_dim3A_173 : f32 to vector<16xf32>
    %swap3A_175 = arith.constant 464 : index
    %swap3A_176 = tpu.vector_load %arg8[%swap3A_175] {strides = array<i32>} : memref<640xf32, #tpu.memory_space<vmem>>, vector<16xf32>,
    %swap3A_177 = vector.shape_cast %swap3A_176 : vector<16xf32> to vector<16xf32>
    %swap3A_178 = vector.shape_cast %broadcast_in_dim3A_174 : vector<16xf32> to vector<16xf32>
    tpu.vector_store %arg8[%swap3A_175], %swap3A_178 {strides = array<i32>} : memref<640xf32, #tpu.memory_space<vmem>>, vector<16xf32>,
    %broadcast_in_dim3A_179 = arith.constant 0.000000e+00 : f32
    %broadcast_in_dim3A_180 = vector.broadcast %broadcast_in_dim3A_179 : f32 to vector<16xf32>
    %swap3A_181 = arith.constant 480 : index
    %swap3A_182 = tpu.vector_load %arg8[%swap3A_181] {strides = array<i32>} : memref<640xf32, #tpu.memory_space<vmem>>, vector<16xf32>,
    %swap3A_183 = vector.shape_cast %swap3A_182 : vector<16xf32> to vector<16xf32>
    %swap3A_184 = vector.shape_cast %broadcast_in_dim3A_180 : vector<16xf32> to vector<16xf32>
    tpu.vector_store %arg8[%swap3A_181], %swap3A_184 {strides = array<i32>} : memref<640xf32, #tpu.memory_space<vmem>>, vector<16xf32>,
    %broadcast_in_dim3A_185 = arith.constant 0.000000e+00 : f32
    %broadcast_in_dim3A_186 = vector.broadcast %broadcast_in_dim3A_185 : f32 to vector<16xf32>
    %swap3A_187 = arith.constant 496 : index
    %swap3A_188 = tpu.vector_load %arg8[%swap3A_187] {strides = array<i32>} : memref<640xf32, #tpu.memory_space<vmem>>, vector<16xf32>,
    %swap3A_189 = vector.shape_cast %swap3A_188 : vector<16xf32> to vector<16xf32>
    %swap3A_190 = vector.shape_cast %broadcast_in_dim3A_186 : vector<16xf32> to vector<16xf32>
    tpu.vector_store %arg8[%swap3A_187], %swap3A_190 {strides = array<i32>} : memref<640xf32, #tpu.memory_space<vmem>>, vector<16xf32>,
    %broadcast_in_dim3A_191 = arith.constant 0.000000e+00 : f32
    %broadcast_in_dim3A_192 = vector.broadcast %broadcast_in_dim3A_191 : f32 to vector<16xf32>
    %swap3A_193 = arith.constant 512 : index
    %swap3A_194 = tpu.vector_load %arg8[%swap3A_193] {strides = array<i32>} : memref<640xf32, #tpu.memory_space<vmem>>, vector<16xf32>,
    %swap3A_195 = vector.shape_cast %swap3A_194 : vector<16xf32> to vector<16xf32>
    %swap3A_196 = vector.shape_cast %broadcast_in_dim3A_192 : vector<16xf32> to vector<16xf32>
    tpu.vector_store %arg8[%swap3A_193], %swap3A_196 {strides = array<i32>} : memref<640xf32, #tpu.memory_space<vmem>>, vector<16xf32>,
    %broadcast_in_dim3A_197 = arith.constant 0.000000e+00 : f32
    %broadcast_in_dim3A_198 = vector.broadcast %broadcast_in_dim3A_197 : f32 to vector<16xf32>
    %swap3A_199 = arith.constant 528 : index
    %swap3A_200 = tpu.vector_load %arg8[%swap3A_199] {strides = array<i32>} : memref<640xf32, #tpu.memory_space<vmem>>, vector<16xf32>,
    %swap3A_201 = vector.shape_cast %swap3A_200 : vector<16xf32> to vector<16xf32>
    %swap3A_202 = vector.shape_cast %broadcast_in_dim3A_198 : vector<16xf32> to vector<16xf32>
    tpu.vector_store %arg8[%swap3A_199], %swap3A_202 {strides = array<i32>} : memref<640xf32, #tpu.memory_space<vmem>>, vector<16xf32>,
    %broadcast_in_dim3A_203 = arith.constant 0.000000e+00 : f32
    %broadcast_in_dim3A_204 = vector.broadcast %broadcast_in_dim3A_203 : f32 to vector<16xf32>
    %swap3A_205 = arith.constant 544 : index
    %swap3A_206 = tpu.vector_load %arg8[%swap3A_205] {strides = array<i32>} : memref<640xf32, #tpu.memory_space<vmem>>, vector<16xf32>,
    %swap3A_207 = vector.shape_cast %swap3A_206 : vector<16xf32> to vector<16xf32>
    %swap3A_208 = vector.shape_cast %broadcast_in_dim3A_204 : vector<16xf32> to vector<16xf32>
    tpu.vector_store %arg8[%swap3A_205], %swap3A_208 {strides = array<i32>} : memref<640xf32, #tpu.memory_space<vmem>>, vector<16xf32>,
    %broadcast_in_dim3A_209 = arith.constant 0.000000e+00 : f32
    %broadcast_in_dim3A_210 = vector.broadcast %broadcast_in_dim3A_209 : f32 to vector<16xf32>
    %swap3A_211 = arith.constant 560 : index
    %swap3A_212 = tpu.vector_load %arg8[%swap3A_211] {strides = array<i32>} : memref<640xf32, #tpu.memory_space<vmem>>, vector<16xf32>,
    %swap3A_213 = vector.shape_cast %swap3A_212 : vector<16xf32> to vector<16xf32>
    %swap3A_214 = vector.shape_cast %broadcast_in_dim3A_210 : vector<16xf32> to vector<16xf32>
    tpu.vector_store %arg8[%swap3A_211], %swap3A_214 {strides = array<i32>} : memref<640xf32, #tpu.memory_space<vmem>>, vector<16xf32>,
    %broadcast_in_dim3A_215 = arith.constant 0.000000e+00 : f32
    %broadcast_in_dim3A_216 = vector.broadcast %broadcast_in_dim3A_215 : f32 to vector<16xf32>
    %swap3A_217 = arith.constant 576 : index
    %swap3A_218 = tpu.vector_load %arg8[%swap3A_217] {strides = array<i32>} : memref<640xf32, #tpu.memory_space<vmem>>, vector<16xf32>,
    %swap3A_219 = vector.shape_cast %swap3A_218 : vector<16xf32> to vector<16xf32>
    %swap3A_220 = vector.shape_cast %broadcast_in_dim3A_216 : vector<16xf32> to vector<16xf32>
    tpu.vector_store %arg8[%swap3A_217], %swap3A_220 {strides = array<i32>} : memref<640xf32, #tpu.memory_space<vmem>>, vector<16xf32>,
    %broadcast_in_dim3A_221 = arith.constant 0.000000e+00 : f32
    %broadcast_in_dim3A_222 = vector.broadcast %broadcast_in_dim3A_221 : f32 to vector<16xf32>
    %swap3A_223 = arith.constant 592 : index
    %swap3A_224 = tpu.vector_load %arg8[%swap3A_223] {strides = array<i32>} : memref<640xf32, #tpu.memory_space<vmem>>, vector<16xf32>,
    %swap3A_225 = vector.shape_cast %swap3A_224 : vector<16xf32> to vector<16xf32>
    %swap3A_226 = vector.shape_cast %broadcast_in_dim3A_222 : vector<16xf32> to vector<16xf32>
    tpu.vector_store %arg8[%swap3A_223], %swap3A_226 {strides = array<i32>} : memref<640xf32, #tpu.memory_space<vmem>>, vector<16xf32>,
    %broadcast_in_dim3A_227 = arith.constant 0.000000e+00 : f32
    %broadcast_in_dim3A_228 = vector.broadcast %broadcast_in_dim3A_227 : f32 to vector<16xf32>
    %swap3A_229 = arith.constant 608 : index
    %swap3A_230 = tpu.vector_load %arg8[%swap3A_229] {strides = array<i32>} : memref<640xf32, #tpu.memory_space<vmem>>, vector<16xf32>,
    %swap3A_231 = vector.shape_cast %swap3A_230 : vector<16xf32> to vector<16xf32>
    %swap3A_232 = vector.shape_cast %broadcast_in_dim3A_228 : vector<16xf32> to vector<16xf32>
    tpu.vector_store %arg8[%swap3A_229], %swap3A_232 {strides = array<i32>} : memref<640xf32, #tpu.memory_space<vmem>>, vector<16xf32>,
    %broadcast_in_dim3A_233 = arith.constant 0.000000e+00 : f32
    %broadcast_in_dim3A_234 = vector.broadcast %broadcast_in_dim3A_233 : f32 to vector<16xf32>
    %swap3A_235 = arith.constant 624 : index
    %swap3A_236 = tpu.vector_load %arg8[%swap3A_235] {strides = array<i32>} : memref<640xf32, #tpu.memory_space<vmem>>, vector<16xf32>,
    %swap3A_237 = vector.shape_cast %swap3A_236 : vector<16xf32> to vector<16xf32>
    %swap3A_238 = vector.shape_cast %broadcast_in_dim3A_234 : vector<16xf32> to vector<16xf32>
    tpu.vector_store %arg8[%swap3A_235], %swap3A_238 {strides = array<i32>} : memref<640xf32, #tpu.memory_space<vmem>>, vector<16xf32>,
    %broadcast_in_dim3A_239 = arith.constant 1.000000e+00 : f32
    %broadcast_in_dim3A_240 = vector.broadcast %broadcast_in_dim3A_239 : f32 to vector<16xf32>
    %swap3A_241 = arith.constant 0 : index
    %swap3A_242 = tpu.vector_load %arg7[%swap3A_241] {strides = array<i32>} : memref<128xf32, #tpu.memory_space<vmem>>, vector<16xf32>,
    %swap3A_243 = vector.shape_cast %swap3A_242 : vector<16xf32> to vector<16xf32>
    %swap3A_244 = vector.shape_cast %broadcast_in_dim3A_240 : vector<16xf32> to vector<16xf32>
    tpu.vector_store %arg7[%swap3A_241], %swap3A_244 {strides = array<i32>} : memref<128xf32, #tpu.memory_space<vmem>>, vector<16xf32>,
    %broadcast_in_dim3A_245 = arith.constant 1.000000e+00 : f32
    %broadcast_in_dim3A_246 = vector.broadcast %broadcast_in_dim3A_245 : f32 to vector<16xf32>
    %swap3A_247 = arith.constant 16 : index
    %swap3A_248 = tpu.vector_load %arg7[%swap3A_247] {strides = array<i32>} : memref<128xf32, #tpu.memory_space<vmem>>, vector<16xf32>,
    %swap3A_249 = vector.shape_cast %swap3A_248 : vector<16xf32> to vector<16xf32>
    %swap3A_250 = vector.shape_cast %broadcast_in_dim3A_246 : vector<16xf32> to vector<16xf32>
    tpu.vector_store %arg7[%swap3A_247], %swap3A_250 {strides = array<i32>} : memref<128xf32, #tpu.memory_space<vmem>>, vector<16xf32>,
    %broadcast_in_dim3A_251 = arith.constant 1.000000e+00 : f32
    %broadcast_in_dim3A_252 = vector.broadcast %broadcast_in_dim3A_251 : f32 to vector<16xf32>
    %swap3A_253 = arith.constant 32 : index
    %swap3A_254 = tpu.vector_load %arg7[%swap3A_253] {strides = array<i32>} : memref<128xf32, #tpu.memory_space<vmem>>, vector<16xf32>,
    %swap3A_255 = vector.shape_cast %swap3A_254 : vector<16xf32> to vector<16xf32>
    %swap3A_256 = vector.shape_cast %broadcast_in_dim3A_252 : vector<16xf32> to vector<16xf32>
    tpu.vector_store %arg7[%swap3A_253], %swap3A_256 {strides = array<i32>} : memref<128xf32, #tpu.memory_space<vmem>>, vector<16xf32>,
    %broadcast_in_dim3A_257 = arith.constant 1.000000e+00 : f32
    %broadcast_in_dim3A_258 = vector.broadcast %broadcast_in_dim3A_257 : f32 to vector<16xf32>
    %swap3A_259 = arith.constant 48 : index
    %swap3A_260 = tpu.vector_load %arg7[%swap3A_259] {strides = array<i32>} : memref<128xf32, #tpu.memory_space<vmem>>, vector<16xf32>,
    %swap3A_261 = vector.shape_cast %swap3A_260 : vector<16xf32> to vector<16xf32>
    %swap3A_262 = vector.shape_cast %broadcast_in_dim3A_258 : vector<16xf32> to vector<16xf32>
    tpu.vector_store %arg7[%swap3A_259], %swap3A_262 {strides = array<i32>} : memref<128xf32, #tpu.memory_space<vmem>>, vector<16xf32>,
    %broadcast_in_dim3A_263 = arith.constant 1.000000e+00 : f32
    %broadcast_in_dim3A_264 = vector.broadcast %broadcast_in_dim3A_263 : f32 to vector<16xf32>
    %swap3A_265 = arith.constant 64 : index
    %swap3A_266 = tpu.vector_load %arg7[%swap3A_265] {strides = array<i32>} : memref<128xf32, #tpu.memory_space<vmem>>, vector<16xf32>,
    %swap3A_267 = vector.shape_cast %swap3A_266 : vector<16xf32> to vector<16xf32>
    %swap3A_268 = vector.shape_cast %broadcast_in_dim3A_264 : vector<16xf32> to vector<16xf32>
    tpu.vector_store %arg7[%swap3A_265], %swap3A_268 {strides = array<i32>} : memref<128xf32, #tpu.memory_space<vmem>>, vector<16xf32>,
    %broadcast_in_dim3A_269 = arith.constant 1.000000e+00 : f32
    %broadcast_in_dim3A_270 = vector.broadcast %broadcast_in_dim3A_269 : f32 to vector<16xf32>
    %swap3A_271 = arith.constant 80 : index
    %swap3A_272 = tpu.vector_load %arg7[%swap3A_271] {strides = array<i32>} : memref<128xf32, #tpu.memory_space<vmem>>, vector<16xf32>,
    %swap3A_273 = vector.shape_cast %swap3A_272 : vector<16xf32> to vector<16xf32>
    %swap3A_274 = vector.shape_cast %broadcast_in_dim3A_270 : vector<16xf32> to vector<16xf32>
    tpu.vector_store %arg7[%swap3A_271], %swap3A_274 {strides = array<i32>} : memref<128xf32, #tpu.memory_space<vmem>>, vector<16xf32>,
    %broadcast_in_dim3A_275 = arith.constant 1.000000e+00 : f32
    %broadcast_in_dim3A_276 = vector.broadcast %broadcast_in_dim3A_275 : f32 to vector<16xf32>
    %swap3A_277 = arith.constant 96 : index
    %swap3A_278 = tpu.vector_load %arg7[%swap3A_277] {strides = array<i32>} : memref<128xf32, #tpu.memory_space<vmem>>, vector<16xf32>,
    %swap3A_279 = vector.shape_cast %swap3A_278 : vector<16xf32> to vector<16xf32>
    %swap3A_280 = vector.shape_cast %broadcast_in_dim3A_276 : vector<16xf32> to vector<16xf32>
    tpu.vector_store %arg7[%swap3A_277], %swap3A_280 {strides = array<i32>} : memref<128xf32, #tpu.memory_space<vmem>>, vector<16xf32>,
    %broadcast_in_dim3A_281 = arith.constant 1.000000e+00 : f32
    %broadcast_in_dim3A_282 = vector.broadcast %broadcast_in_dim3A_281 : f32 to vector<16xf32>
    %swap3A_283 = arith.constant 112 : index
    %swap3A_284 = tpu.vector_load %arg7[%swap3A_283] {strides = array<i32>} : memref<128xf32, #tpu.memory_space<vmem>>, vector<16xf32>,
    %swap3A_285 = vector.shape_cast %swap3A_284 : vector<16xf32> to vector<16xf32>
    %swap3A_286 = vector.shape_cast %broadcast_in_dim3A_282 : vector<16xf32> to vector<16xf32>
    tpu.vector_store %arg7[%swap3A_283], %swap3A_286 {strides = array<i32>} : memref<128xf32, #tpu.memory_space<vmem>>, vector<16xf32>,
    %mul3A_287 = arith.constant 640 : i32
    %mul3A_288 = arith.muli %arg1, %mul3A_287 : i32
    "tpu.region"() ({
      %run_scoped3A_312 = tpu.sem_alloc : memref<!tpu.dma_semaphore, #tpu.memory_space<semaphore_mem>>
      %dma_start3A = tpu.memref_slice %arg9[%mul3A_288] : memref<10368xf32, #tpu.memory_space<vmem_shared>> -> memref<640xf32, #tpu.memory_space<vmem_shared>>
      %dma_start3A_313 = tpu.memref_slice %arg9[%mul3A_288] : memref<10368xf32, #tpu.memory_space<vmem_shared>> -> memref<640xf32, #tpu.memory_space<vmem_shared>>
      tpu.enqueue_dma source(%arg8 : memref<640xf32, #tpu.memory_space<vmem>>) target(%dma_start3A_313 : memref<640xf32, #tpu.memory_space<vmem_shared>>) target_semaphore(%run_scoped3A_312 : memref<!tpu.dma_semaphore, #tpu.memory_space<semaphore_mem>>)
      %dma_wait3A = tpu.memref_slice %arg9[%mul3A_288] : memref<10368xf32, #tpu.memory_space<vmem_shared>> -> memref<640xf32, #tpu.memory_space<vmem_shared>>
      %dma_wait3A_314 = tpu.memref_slice %arg9[%mul3A_288] : memref<10368xf32, #tpu.memory_space<vmem_shared>> -> memref<640xf32, #tpu.memory_space<vmem_shared>>
      tpu.wait_dma2 semaphore(%run_scoped3A_312 : memref<!tpu.dma_semaphore, #tpu.memory_space<semaphore_mem>>) src(%arg8 : memref<640xf32, #tpu.memory_space<vmem>>) dst(%dma_wait3A_314 : memref<640xf32, #tpu.memory_space<vmem_shared>>)
      tpu.yield
    }) : () -> ()
    %mul3A_289 = arith.constant 640 : i32
    %mul3A_290 = arith.muli %arg1, %mul3A_289 : i32
    "tpu.region"() ({
      %run_scoped3A_312 = tpu.sem_alloc : memref<!tpu.dma_semaphore, #tpu.memory_space<semaphore_mem>>
      %dma_start3A = tpu.memref_slice %arg10[%mul3A_290] : memref<10368xf32, #tpu.memory_space<vmem_shared>> -> memref<640xf32, #tpu.memory_space<vmem_shared>>
      %dma_start3A_313 = tpu.memref_slice %arg10[%mul3A_290] : memref<10368xf32, #tpu.memory_space<vmem_shared>> -> memref<640xf32, #tpu.memory_space<vmem_shared>>
      tpu.enqueue_dma source(%arg8 : memref<640xf32, #tpu.memory_space<vmem>>) target(%dma_start3A_313 : memref<640xf32, #tpu.memory_space<vmem_shared>>) target_semaphore(%run_scoped3A_312 : memref<!tpu.dma_semaphore, #tpu.memory_space<semaphore_mem>>)
      %dma_wait3A = tpu.memref_slice %arg10[%mul3A_290] : memref<10368xf32, #tpu.memory_space<vmem_shared>> -> memref<640xf32, #tpu.memory_space<vmem_shared>>
      %dma_wait3A_314 = tpu.memref_slice %arg10[%mul3A_290] : memref<10368xf32, #tpu.memory_space<vmem_shared>> -> memref<640xf32, #tpu.memory_space<vmem_shared>>
      tpu.wait_dma2 semaphore(%run_scoped3A_312 : memref<!tpu.dma_semaphore, #tpu.memory_space<semaphore_mem>>) src(%arg8 : memref<640xf32, #tpu.memory_space<vmem>>) dst(%dma_wait3A_314 : memref<640xf32, #tpu.memory_space<vmem_shared>>)
      tpu.yield
    }) : () -> ()
    "tpu.region"() ({
      %run_scoped3A_312 = tpu.sem_alloc : memref<!tpu.dma_semaphore, #tpu.memory_space<semaphore_mem>>
      %dma_start3A = arith.constant 0 : i32
      %dma_start3A_313 = arith.constant 0 : i32
      %dma_start3A_314 = tpu.memref_slice %arg2[%add3A, %dma_start3A, %dma_start3A_313] : memref<32x80x128xi32, #tpu.memory_space<hbm>> -> memref<1x80x128xi32, #tpu.memory_space<hbm>>
      %dma_start3A_315 = tpu.memref_squeeze %dma_start3A_314 : memref<1x80x128xi32, #tpu.memory_space<hbm>> -> memref<80x128xi32, #tpu.memory_space<hbm>>
      %dma_start3A_316 = arith.constant 0 : i32
      %dma_start3A_317 = arith.constant 0 : i32
      %dma_start3A_318 = tpu.memref_slice %arg2[%add3A, %dma_start3A_316, %dma_start3A_317] : memref<32x80x128xi32, #tpu.memory_space<hbm>> -> memref<1x80x128xi32, #tpu.memory_space<hbm>>
      %dma_start3A_319 = tpu.memref_squeeze %dma_start3A_318 : memref<1x80x128xi32, #tpu.memory_space<hbm>> -> memref<80x128xi32, #tpu.memory_space<hbm>>
      tpu.enqueue_dma source(%dma_start3A_319 : memref<80x128xi32, #tpu.memory_space<hbm>>) target(%arg4 : memref<80x128xi32, #tpu.memory_space<vmem>>) target_semaphore(%run_scoped3A_312 : memref<!tpu.dma_semaphore, #tpu.memory_space<semaphore_mem>>)
      %dma_wait3A = arith.constant 0 : i32
      %dma_wait3A_320 = arith.constant 0 : i32
      %dma_wait3A_321 = tpu.memref_slice %arg2[%add3A, %dma_wait3A, %dma_wait3A_320] : memref<32x80x128xi32, #tpu.memory_space<hbm>> -> memref<1x80x128xi32, #tpu.memory_space<hbm>>
      %dma_wait3A_322 = tpu.memref_squeeze %dma_wait3A_321 : memref<1x80x128xi32, #tpu.memory_space<hbm>> -> memref<80x128xi32, #tpu.memory_space<hbm>>
      %dma_wait3A_323 = arith.constant 0 : i32
      %dma_wait3A_324 = arith.constant 0 : i32
      %dma_wait3A_325 = tpu.memref_slice %arg2[%add3A, %dma_wait3A_323, %dma_wait3A_324] : memref<32x80x128xi32, #tpu.memory_space<hbm>> -> memref<1x80x128xi32, #tpu.memory_space<hbm>>
      %dma_wait3A_326 = tpu.memref_squeeze %dma_wait3A_325 : memref<1x80x128xi32, #tpu.memory_space<hbm>> -> memref<80x128xi32, #tpu.memory_space<hbm>>
      tpu.wait_dma2 semaphore(%run_scoped3A_312 : memref<!tpu.dma_semaphore, #tpu.memory_space<semaphore_mem>>) src(%dma_wait3A_326 : memref<80x128xi32, #tpu.memory_space<hbm>>) dst(%arg4 : memref<80x128xi32, #tpu.memory_space<vmem>>)
      tpu.yield
    }) : () -> ()
    %barrier3A = arith.constant 0 : index
    tpu.barrier barrier_id(%barrier3A)
    %scan3A = arith.constant 0 : i32
    %scan3A_291 = arith.constant 0 : i32
    %scan3A_292 = arith.constant 80 : i32
    %scan3A_293 = arith.addi %scan3A_291, %scan3A_292 : i32
    %scan3A_294 = arith.constant 1 : i32
    scf.for %scan3A_312 = %scan3A_291 to %scan3A_293 step %scan3A_294  : i32 {
      %mul3A_313 = arith.constant 80 : i32
      %mul3A_314 = arith.muli %add3A, %mul3A_313 : i32
      %add3A_315 = arith.addi %mul3A_314, %scan3A_312 : i32
      %lt3A = arith.constant 2500 : i32
      %lt3A_316 = arith.cmpi slt, %add3A_315, %lt3A : i32
      %get3A = arith.index_cast %scan3A_312 : i32 to index
      %get3A_317 = arith.constant 0 : index
      %get3A_318 = tpu.vector_load %arg4[%get3A, %get3A_317] {strides = array<i32>} : memref<80x128xi32, #tpu.memory_space<vmem>>, vector<1x16xi32>,
      %get3A_319 = vector.shape_cast %get3A_318 : vector<1x16xi32> to vector<16xi32>
      %and3A = arith.constant 16383 : i32
      %and3A_320 = vector.broadcast %and3A : i32 to vector<16xi32>
      %and3A_321 = arith.andi %get3A_319, %and3A_320 : vector<16xi32>
      %shift_right_logical3A = arith.constant 14 : i32
      %shift_right_logical3A_322 = vector.broadcast %shift_right_logical3A : i32 to vector<16xi32>
      %shift_right_logical3A_323 = arith.shrui %get3A_319, %shift_right_logical3A_322 : vector<16xi32>
      %iota3A = tpu.iota {dimensions = array<i32: 0>} : vector<16xi32>
      %add3A_324 = arith.constant 10240 : i32
      %add3A_325 = vector.broadcast %add3A_324 : i32 to vector<16xi32>
      %add3A_326 = arith.addi %add3A_325, %iota3A : vector<16xi32>
      %and3A_327 = arith.constant 127 : i32
      %and3A_328 = vector.broadcast %and3A_327 : i32 to vector<16xi32>
      %and3A_329 = arith.andi %and3A_321, %and3A_328 : vector<16xi32>
      %mul3A_330 = arith.constant 80 : i32
      %mul3A_331 = vector.broadcast %mul3A_330 : i32 to vector<16xi32>
      %mul3A_332 = arith.muli %and3A_329, %mul3A_331 : vector<16xi32>
      %shift_right_logical3A_333 = arith.constant 7 : i32
      %shift_right_logical3A_334 = vector.broadcast %shift_right_logical3A_333 : i32 to vector<16xi32>
      %shift_right_logical3A_335 = arith.shrui %and3A_321, %shift_right_logical3A_334 : vector<16xi32>
      %add3A_336 = arith.addi %mul3A_332, %shift_right_logical3A_335 : vector<16xi32>
      %and3A_337 = arith.constant 127 : i32
      %and3A_338 = vector.broadcast %and3A_337 : i32 to vector<16xi32>
      %and3A_339 = arith.andi %shift_right_logical3A_323, %and3A_338 : vector<16xi32>
      %mul3A_340 = arith.constant 80 : i32
      %mul3A_341 = vector.broadcast %mul3A_340 : i32 to vector<16xi32>
      %mul3A_342 = arith.muli %and3A_339, %mul3A_341 : vector<16xi32>
      %shift_right_logical3A_343 = arith.constant 7 : i32
      %shift_right_logical3A_344 = vector.broadcast %shift_right_logical3A_343 : i32 to vector<16xi32>
      %shift_right_logical3A_345 = arith.shrui %shift_right_logical3A_323, %shift_right_logical3A_344 : vector<16xi32>
      %add3A_346 = arith.addi %mul3A_342, %shift_right_logical3A_345 : vector<16xi32>
      %select_n3A = arith.select %lt3A_316, %add3A_336, %add3A_326 : vector<16xi32>
      %swap3A_347 = arith.index_cast %scan3A_312 : i32 to index
      %swap3A_348 = arith.constant 0 : index
      %swap3A_349 = tpu.vector_load %arg5[%swap3A_347, %swap3A_348] {strides = array<i32>} : memref<80x128xi32, #tpu.memory_space<vmem>>, vector<1x16xi32>,
      %swap3A_350 = vector.shape_cast %swap3A_349 : vector<1x16xi32> to vector<16xi32>
      %swap3A_351 = vector.shape_cast %select_n3A : vector<16xi32> to vector<1x16xi32>
      tpu.vector_store %arg5[%swap3A_347, %swap3A_348], %swap3A_351 {strides = array<i32>} : memref<80x128xi32, #tpu.memory_space<vmem>>, vector<1x16xi32>,
      %select_n3A_352 = arith.select %lt3A_316, %add3A_346, %add3A_326 : vector<16xi32>
      %swap3A_353 = arith.index_cast %scan3A_312 : i32 to index
      %swap3A_354 = arith.constant 0 : index
      %swap3A_355 = tpu.vector_load %arg6[%swap3A_353, %swap3A_354] {strides = array<i32>} : memref<80x128xi32, #tpu.memory_space<vmem>>, vector<1x16xi32>,
      %swap3A_356 = vector.shape_cast %swap3A_355 : vector<1x16xi32> to vector<16xi32>
      %swap3A_357 = vector.shape_cast %select_n3A_352 : vector<16xi32> to vector<1x16xi32>
      tpu.vector_store %arg6[%swap3A_353, %swap3A_354], %swap3A_357 {strides = array<i32>} : memref<80x128xi32, #tpu.memory_space<vmem>>, vector<1x16xi32>,
      %get3A_358 = arith.index_cast %scan3A_312 : i32 to index
      %get3A_359 = arith.constant 16 : index
      %get3A_360 = tpu.vector_load %arg4[%get3A_358, %get3A_359] {strides = array<i32>} : memref<80x128xi32, #tpu.memory_space<vmem>>, vector<1x16xi32>,
      %get3A_361 = vector.shape_cast %get3A_360 : vector<1x16xi32> to vector<16xi32>
      %and3A_362 = arith.constant 16383 : i32
      %and3A_363 = vector.broadcast %and3A_362 : i32 to vector<16xi32>
      %and3A_364 = arith.andi %get3A_361, %and3A_363 : vector<16xi32>
      %shift_right_logical3A_365 = arith.constant 14 : i32
      %shift_right_logical3A_366 = vector.broadcast %shift_right_logical3A_365 : i32 to vector<16xi32>
      %shift_right_logical3A_367 = arith.shrui %get3A_361, %shift_right_logical3A_366 : vector<16xi32>
      %iota3A_368 = tpu.iota {dimensions = array<i32: 0>} : vector<16xi32>
      %add3A_369 = arith.constant 10256 : i32
      %add3A_370 = vector.broadcast %add3A_369 : i32 to vector<16xi32>
      %add3A_371 = arith.addi %add3A_370, %iota3A_368 : vector<16xi32>
      %and3A_372 = arith.constant 127 : i32
      %and3A_373 = vector.broadcast %and3A_372 : i32 to vector<16xi32>
      %and3A_374 = arith.andi %and3A_364, %and3A_373 : vector<16xi32>
      %mul3A_375 = arith.constant 80 : i32
      %mul3A_376 = vector.broadcast %mul3A_375 : i32 to vector<16xi32>
      %mul3A_377 = arith.muli %and3A_374, %mul3A_376 : vector<16xi32>
      %shift_right_logical3A_378 = arith.constant 7 : i32
      %shift_right_logical3A_379 = vector.broadcast %shift_right_logical3A_378 : i32 to vector<16xi32>
      %shift_right_logical3A_380 = arith.shrui %and3A_364, %shift_right_logical3A_379 : vector<16xi32>
      %add3A_381 = arith.addi %mul3A_377, %shift_right_logical3A_380 : vector<16xi32>
      %and3A_382 = arith.constant 127 : i32
      %and3A_383 = vector.broadcast %and3A_382 : i32 to vector<16xi32>
      %and3A_384 = arith.andi %shift_right_logical3A_367, %and3A_383 : vector<16xi32>
      %mul3A_385 = arith.constant 80 : i32
      %mul3A_386 = vector.broadcast %mul3A_385 : i32 to vector<16xi32>
      %mul3A_387 = arith.muli %and3A_384, %mul3A_386 : vector<16xi32>
      %shift_right_logical3A_388 = arith.constant 7 : i32
      %shift_right_logical3A_389 = vector.broadcast %shift_right_logical3A_388 : i32 to vector<16xi32>
      %shift_right_logical3A_390 = arith.shrui %shift_right_logical3A_367, %shift_right_logical3A_389 : vector<16xi32>
      %add3A_391 = arith.addi %mul3A_387, %shift_right_logical3A_390 : vector<16xi32>
      %select_n3A_392 = arith.select %lt3A_316, %add3A_381, %add3A_371 : vector<16xi32>
      %swap3A_393 = arith.index_cast %scan3A_312 : i32 to index
      %swap3A_394 = arith.constant 16 : index
      %swap3A_395 = tpu.vector_load %arg5[%swap3A_393, %swap3A_394] {strides = array<i32>} : memref<80x128xi32, #tpu.memory_space<vmem>>, vector<1x16xi32>,
      %swap3A_396 = vector.shape_cast %swap3A_395 : vector<1x16xi32> to vector<16xi32>
      %swap3A_397 = vector.shape_cast %select_n3A_392 : vector<16xi32> to vector<1x16xi32>
      tpu.vector_store %arg5[%swap3A_393, %swap3A_394], %swap3A_397 {strides = array<i32>} : memref<80x128xi32, #tpu.memory_space<vmem>>, vector<1x16xi32>,
      %select_n3A_398 = arith.select %lt3A_316, %add3A_391, %add3A_371 : vector<16xi32>
      %swap3A_399 = arith.index_cast %scan3A_312 : i32 to index
      %swap3A_400 = arith.constant 16 : index
      %swap3A_401 = tpu.vector_load %arg6[%swap3A_399, %swap3A_400] {strides = array<i32>} : memref<80x128xi32, #tpu.memory_space<vmem>>, vector<1x16xi32>,
      %swap3A_402 = vector.shape_cast %swap3A_401 : vector<1x16xi32> to vector<16xi32>
      %swap3A_403 = vector.shape_cast %select_n3A_398 : vector<16xi32> to vector<1x16xi32>
      tpu.vector_store %arg6[%swap3A_399, %swap3A_400], %swap3A_403 {strides = array<i32>} : memref<80x128xi32, #tpu.memory_space<vmem>>, vector<1x16xi32>,
      %get3A_404 = arith.index_cast %scan3A_312 : i32 to index
      %get3A_405 = arith.constant 32 : index
      %get3A_406 = tpu.vector_load %arg4[%get3A_404, %get3A_405] {strides = array<i32>} : memref<80x128xi32, #tpu.memory_space<vmem>>, vector<1x16xi32>,
      %get3A_407 = vector.shape_cast %get3A_406 : vector<1x16xi32> to vector<16xi32>
      %and3A_408 = arith.constant 16383 : i32
      %and3A_409 = vector.broadcast %and3A_408 : i32 to vector<16xi32>
      %and3A_410 = arith.andi %get3A_407, %and3A_409 : vector<16xi32>
      %shift_right_logical3A_411 = arith.constant 14 : i32
      %shift_right_logical3A_412 = vector.broadcast %shift_right_logical3A_411 : i32 to vector<16xi32>
      %shift_right_logical3A_413 = arith.shrui %get3A_407, %shift_right_logical3A_412 : vector<16xi32>
      %iota3A_414 = tpu.iota {dimensions = array<i32: 0>} : vector<16xi32>
      %add3A_415 = arith.constant 10272 : i32
      %add3A_416 = vector.broadcast %add3A_415 : i32 to vector<16xi32>
      %add3A_417 = arith.addi %add3A_416, %iota3A_414 : vector<16xi32>
      %and3A_418 = arith.constant 127 : i32
      %and3A_419 = vector.broadcast %and3A_418 : i32 to vector<16xi32>
      %and3A_420 = arith.andi %and3A_410, %and3A_419 : vector<16xi32>
      %mul3A_421 = arith.constant 80 : i32
      %mul3A_422 = vector.broadcast %mul3A_421 : i32 to vector<16xi32>
      %mul3A_423 = arith.muli %and3A_420, %mul3A_422 : vector<16xi32>
      %shift_right_logical3A_424 = arith.constant 7 : i32
      %shift_right_logical3A_425 = vector.broadcast %shift_right_logical3A_424 : i32 to vector<16xi32>
      %shift_right_logical3A_426 = arith.shrui %and3A_410, %shift_right_logical3A_425 : vector<16xi32>
      %add3A_427 = arith.addi %mul3A_423, %shift_right_logical3A_426 : vector<16xi32>
      %and3A_428 = arith.constant 127 : i32
      %and3A_429 = vector.broadcast %and3A_428 : i32 to vector<16xi32>
      %and3A_430 = arith.andi %shift_right_logical3A_413, %and3A_429 : vector<16xi32>
      %mul3A_431 = arith.constant 80 : i32
      %mul3A_432 = vector.broadcast %mul3A_431 : i32 to vector<16xi32>
      %mul3A_433 = arith.muli %and3A_430, %mul3A_432 : vector<16xi32>
      %shift_right_logical3A_434 = arith.constant 7 : i32
      %shift_right_logical3A_435 = vector.broadcast %shift_right_logical3A_434 : i32 to vector<16xi32>
      %shift_right_logical3A_436 = arith.shrui %shift_right_logical3A_413, %shift_right_logical3A_435 : vector<16xi32>
      %add3A_437 = arith.addi %mul3A_433, %shift_right_logical3A_436 : vector<16xi32>
      %select_n3A_438 = arith.select %lt3A_316, %add3A_427, %add3A_417 : vector<16xi32>
      %swap3A_439 = arith.index_cast %scan3A_312 : i32 to index
      %swap3A_440 = arith.constant 32 : index
      %swap3A_441 = tpu.vector_load %arg5[%swap3A_439, %swap3A_440] {strides = array<i32>} : memref<80x128xi32, #tpu.memory_space<vmem>>, vector<1x16xi32>,
      %swap3A_442 = vector.shape_cast %swap3A_441 : vector<1x16xi32> to vector<16xi32>
      %swap3A_443 = vector.shape_cast %select_n3A_438 : vector<16xi32> to vector<1x16xi32>
      tpu.vector_store %arg5[%swap3A_439, %swap3A_440], %swap3A_443 {strides = array<i32>} : memref<80x128xi32, #tpu.memory_space<vmem>>, vector<1x16xi32>,
      %select_n3A_444 = arith.select %lt3A_316, %add3A_437, %add3A_417 : vector<16xi32>
      %swap3A_445 = arith.index_cast %scan3A_312 : i32 to index
      %swap3A_446 = arith.constant 32 : index
      %swap3A_447 = tpu.vector_load %arg6[%swap3A_445, %swap3A_446] {strides = array<i32>} : memref<80x128xi32, #tpu.memory_space<vmem>>, vector<1x16xi32>,
      %swap3A_448 = vector.shape_cast %swap3A_447 : vector<1x16xi32> to vector<16xi32>
      %swap3A_449 = vector.shape_cast %select_n3A_444 : vector<16xi32> to vector<1x16xi32>
      tpu.vector_store %arg6[%swap3A_445, %swap3A_446], %swap3A_449 {strides = array<i32>} : memref<80x128xi32, #tpu.memory_space<vmem>>, vector<1x16xi32>,
      %get3A_450 = arith.index_cast %scan3A_312 : i32 to index
      %get3A_451 = arith.constant 48 : index
      %get3A_452 = tpu.vector_load %arg4[%get3A_450, %get3A_451] {strides = array<i32>} : memref<80x128xi32, #tpu.memory_space<vmem>>, vector<1x16xi32>,
      %get3A_453 = vector.shape_cast %get3A_452 : vector<1x16xi32> to vector<16xi32>
      %and3A_454 = arith.constant 16383 : i32
      %and3A_455 = vector.broadcast %and3A_454 : i32 to vector<16xi32>
      %and3A_456 = arith.andi %get3A_453, %and3A_455 : vector<16xi32>
      %shift_right_logical3A_457 = arith.constant 14 : i32
      %shift_right_logical3A_458 = vector.broadcast %shift_right_logical3A_457 : i32 to vector<16xi32>
      %shift_right_logical3A_459 = arith.shrui %get3A_453, %shift_right_logical3A_458 : vector<16xi32>
      %iota3A_460 = tpu.iota {dimensions = array<i32: 0>} : vector<16xi32>
      %add3A_461 = arith.constant 10288 : i32
      %add3A_462 = vector.broadcast %add3A_461 : i32 to vector<16xi32>
      %add3A_463 = arith.addi %add3A_462, %iota3A_460 : vector<16xi32>
      %and3A_464 = arith.constant 127 : i32
      %and3A_465 = vector.broadcast %and3A_464 : i32 to vector<16xi32>
      %and3A_466 = arith.andi %and3A_456, %and3A_465 : vector<16xi32>
      %mul3A_467 = arith.constant 80 : i32
      %mul3A_468 = vector.broadcast %mul3A_467 : i32 to vector<16xi32>
      %mul3A_469 = arith.muli %and3A_466, %mul3A_468 : vector<16xi32>
      %shift_right_logical3A_470 = arith.constant 7 : i32
      %shift_right_logical3A_471 = vector.broadcast %shift_right_logical3A_470 : i32 to vector<16xi32>
      %shift_right_logical3A_472 = arith.shrui %and3A_456, %shift_right_logical3A_471 : vector<16xi32>
      %add3A_473 = arith.addi %mul3A_469, %shift_right_logical3A_472 : vector<16xi32>
      %and3A_474 = arith.constant 127 : i32
      %and3A_475 = vector.broadcast %and3A_474 : i32 to vector<16xi32>
      %and3A_476 = arith.andi %shift_right_logical3A_459, %and3A_475 : vector<16xi32>
      %mul3A_477 = arith.constant 80 : i32
      %mul3A_478 = vector.broadcast %mul3A_477 : i32 to vector<16xi32>
      %mul3A_479 = arith.muli %and3A_476, %mul3A_478 : vector<16xi32>
      %shift_right_logical3A_480 = arith.constant 7 : i32
      %shift_right_logical3A_481 = vector.broadcast %shift_right_logical3A_480 : i32 to vector<16xi32>
      %shift_right_logical3A_482 = arith.shrui %shift_right_logical3A_459, %shift_right_logical3A_481 : vector<16xi32>
      %add3A_483 = arith.addi %mul3A_479, %shift_right_logical3A_482 : vector<16xi32>
      %select_n3A_484 = arith.select %lt3A_316, %add3A_473, %add3A_463 : vector<16xi32>
      %swap3A_485 = arith.index_cast %scan3A_312 : i32 to index
      %swap3A_486 = arith.constant 48 : index
      %swap3A_487 = tpu.vector_load %arg5[%swap3A_485, %swap3A_486] {strides = array<i32>} : memref<80x128xi32, #tpu.memory_space<vmem>>, vector<1x16xi32>,
      %swap3A_488 = vector.shape_cast %swap3A_487 : vector<1x16xi32> to vector<16xi32>
      %swap3A_489 = vector.shape_cast %select_n3A_484 : vector<16xi32> to vector<1x16xi32>
      tpu.vector_store %arg5[%swap3A_485, %swap3A_486], %swap3A_489 {strides = array<i32>} : memref<80x128xi32, #tpu.memory_space<vmem>>, vector<1x16xi32>,
      %select_n3A_490 = arith.select %lt3A_316, %add3A_483, %add3A_463 : vector<16xi32>
      %swap3A_491 = arith.index_cast %scan3A_312 : i32 to index
      %swap3A_492 = arith.constant 48 : index
      %swap3A_493 = tpu.vector_load %arg6[%swap3A_491, %swap3A_492] {strides = array<i32>} : memref<80x128xi32, #tpu.memory_space<vmem>>, vector<1x16xi32>,
      %swap3A_494 = vector.shape_cast %swap3A_493 : vector<1x16xi32> to vector<16xi32>
      %swap3A_495 = vector.shape_cast %select_n3A_490 : vector<16xi32> to vector<1x16xi32>
      tpu.vector_store %arg6[%swap3A_491, %swap3A_492], %swap3A_495 {strides = array<i32>} : memref<80x128xi32, #tpu.memory_space<vmem>>, vector<1x16xi32>,
      %get3A_496 = arith.index_cast %scan3A_312 : i32 to index
      %get3A_497 = arith.constant 64 : index
      %get3A_498 = tpu.vector_load %arg4[%get3A_496, %get3A_497] {strides = array<i32>} : memref<80x128xi32, #tpu.memory_space<vmem>>, vector<1x16xi32>,
      %get3A_499 = vector.shape_cast %get3A_498 : vector<1x16xi32> to vector<16xi32>
      %and3A_500 = arith.constant 16383 : i32
      %and3A_501 = vector.broadcast %and3A_500 : i32 to vector<16xi32>
      %and3A_502 = arith.andi %get3A_499, %and3A_501 : vector<16xi32>
      %shift_right_logical3A_503 = arith.constant 14 : i32
      %shift_right_logical3A_504 = vector.broadcast %shift_right_logical3A_503 : i32 to vector<16xi32>
      %shift_right_logical3A_505 = arith.shrui %get3A_499, %shift_right_logical3A_504 : vector<16xi32>
      %iota3A_506 = tpu.iota {dimensions = array<i32: 0>} : vector<16xi32>
      %add3A_507 = arith.constant 10304 : i32
      %add3A_508 = vector.broadcast %add3A_507 : i32 to vector<16xi32>
      %add3A_509 = arith.addi %add3A_508, %iota3A_506 : vector<16xi32>
      %and3A_510 = arith.constant 127 : i32
      %and3A_511 = vector.broadcast %and3A_510 : i32 to vector<16xi32>
      %and3A_512 = arith.andi %and3A_502, %and3A_511 : vector<16xi32>
      %mul3A_513 = arith.constant 80 : i32
      %mul3A_514 = vector.broadcast %mul3A_513 : i32 to vector<16xi32>
      %mul3A_515 = arith.muli %and3A_512, %mul3A_514 : vector<16xi32>
      %shift_right_logical3A_516 = arith.constant 7 : i32
      %shift_right_logical3A_517 = vector.broadcast %shift_right_logical3A_516 : i32 to vector<16xi32>
      %shift_right_logical3A_518 = arith.shrui %and3A_502, %shift_right_logical3A_517 : vector<16xi32>
      %add3A_519 = arith.addi %mul3A_515, %shift_right_logical3A_518 : vector<16xi32>
      %and3A_520 = arith.constant 127 : i32
      %and3A_521 = vector.broadcast %and3A_520 : i32 to vector<16xi32>
      %and3A_522 = arith.andi %shift_right_logical3A_505, %and3A_521 : vector<16xi32>
      %mul3A_523 = arith.constant 80 : i32
      %mul3A_524 = vector.broadcast %mul3A_523 : i32 to vector<16xi32>
      %mul3A_525 = arith.muli %and3A_522, %mul3A_524 : vector<16xi32>
      %shift_right_logical3A_526 = arith.constant 7 : i32
      %shift_right_logical3A_527 = vector.broadcast %shift_right_logical3A_526 : i32 to vector<16xi32>
      %shift_right_logical3A_528 = arith.shrui %shift_right_logical3A_505, %shift_right_logical3A_527 : vector<16xi32>
      %add3A_529 = arith.addi %mul3A_525, %shift_right_logical3A_528 : vector<16xi32>
      %select_n3A_530 = arith.select %lt3A_316, %add3A_519, %add3A_509 : vector<16xi32>
      %swap3A_531 = arith.index_cast %scan3A_312 : i32 to index
      %swap3A_532 = arith.constant 64 : index
      %swap3A_533 = tpu.vector_load %arg5[%swap3A_531, %swap3A_532] {strides = array<i32>} : memref<80x128xi32, #tpu.memory_space<vmem>>, vector<1x16xi32>,
      %swap3A_534 = vector.shape_cast %swap3A_533 : vector<1x16xi32> to vector<16xi32>
      %swap3A_535 = vector.shape_cast %select_n3A_530 : vector<16xi32> to vector<1x16xi32>
      tpu.vector_store %arg5[%swap3A_531, %swap3A_532], %swap3A_535 {strides = array<i32>} : memref<80x128xi32, #tpu.memory_space<vmem>>, vector<1x16xi32>,
      %select_n3A_536 = arith.select %lt3A_316, %add3A_529, %add3A_509 : vector<16xi32>
      %swap3A_537 = arith.index_cast %scan3A_312 : i32 to index
      %swap3A_538 = arith.constant 64 : index
      %swap3A_539 = tpu.vector_load %arg6[%swap3A_537, %swap3A_538] {strides = array<i32>} : memref<80x128xi32, #tpu.memory_space<vmem>>, vector<1x16xi32>,
      %swap3A_540 = vector.shape_cast %swap3A_539 : vector<1x16xi32> to vector<16xi32>
      %swap3A_541 = vector.shape_cast %select_n3A_536 : vector<16xi32> to vector<1x16xi32>
      tpu.vector_store %arg6[%swap3A_537, %swap3A_538], %swap3A_541 {strides = array<i32>} : memref<80x128xi32, #tpu.memory_space<vmem>>, vector<1x16xi32>,
      %get3A_542 = arith.index_cast %scan3A_312 : i32 to index
      %get3A_543 = arith.constant 80 : index
      %get3A_544 = tpu.vector_load %arg4[%get3A_542, %get3A_543] {strides = array<i32>} : memref<80x128xi32, #tpu.memory_space<vmem>>, vector<1x16xi32>,
      %get3A_545 = vector.shape_cast %get3A_544 : vector<1x16xi32> to vector<16xi32>
      %and3A_546 = arith.constant 16383 : i32
      %and3A_547 = vector.broadcast %and3A_546 : i32 to vector<16xi32>
      %and3A_548 = arith.andi %get3A_545, %and3A_547 : vector<16xi32>
      %shift_right_logical3A_549 = arith.constant 14 : i32
      %shift_right_logical3A_550 = vector.broadcast %shift_right_logical3A_549 : i32 to vector<16xi32>
      %shift_right_logical3A_551 = arith.shrui %get3A_545, %shift_right_logical3A_550 : vector<16xi32>
      %iota3A_552 = tpu.iota {dimensions = array<i32: 0>} : vector<16xi32>
      %add3A_553 = arith.constant 10320 : i32
      %add3A_554 = vector.broadcast %add3A_553 : i32 to vector<16xi32>
      %add3A_555 = arith.addi %add3A_554, %iota3A_552 : vector<16xi32>
      %and3A_556 = arith.constant 127 : i32
      %and3A_557 = vector.broadcast %and3A_556 : i32 to vector<16xi32>
      %and3A_558 = arith.andi %and3A_548, %and3A_557 : vector<16xi32>
      %mul3A_559 = arith.constant 80 : i32
      %mul3A_560 = vector.broadcast %mul3A_559 : i32 to vector<16xi32>
      %mul3A_561 = arith.muli %and3A_558, %mul3A_560 : vector<16xi32>
      %shift_right_logical3A_562 = arith.constant 7 : i32
      %shift_right_logical3A_563 = vector.broadcast %shift_right_logical3A_562 : i32 to vector<16xi32>
      %shift_right_logical3A_564 = arith.shrui %and3A_548, %shift_right_logical3A_563 : vector<16xi32>
      %add3A_565 = arith.addi %mul3A_561, %shift_right_logical3A_564 : vector<16xi32>
      %and3A_566 = arith.constant 127 : i32
      %and3A_567 = vector.broadcast %and3A_566 : i32 to vector<16xi32>
      %and3A_568 = arith.andi %shift_right_logical3A_551, %and3A_567 : vector<16xi32>
      %mul3A_569 = arith.constant 80 : i32
      %mul3A_570 = vector.broadcast %mul3A_569 : i32 to vector<16xi32>
      %mul3A_571 = arith.muli %and3A_568, %mul3A_570 : vector<16xi32>
      %shift_right_logical3A_572 = arith.constant 7 : i32
      %shift_right_logical3A_573 = vector.broadcast %shift_right_logical3A_572 : i32 to vector<16xi32>
      %shift_right_logical3A_574 = arith.shrui %shift_right_logical3A_551, %shift_right_logical3A_573 : vector<16xi32>
      %add3A_575 = arith.addi %mul3A_571, %shift_right_logical3A_574 : vector<16xi32>
      %select_n3A_576 = arith.select %lt3A_316, %add3A_565, %add3A_555 : vector<16xi32>
      %swap3A_577 = arith.index_cast %scan3A_312 : i32 to index
      %swap3A_578 = arith.constant 80 : index
      %swap3A_579 = tpu.vector_load %arg5[%swap3A_577, %swap3A_578] {strides = array<i32>} : memref<80x128xi32, #tpu.memory_space<vmem>>, vector<1x16xi32>,
      %swap3A_580 = vector.shape_cast %swap3A_579 : vector<1x16xi32> to vector<16xi32>
      %swap3A_581 = vector.shape_cast %select_n3A_576 : vector<16xi32> to vector<1x16xi32>
      tpu.vector_store %arg5[%swap3A_577, %swap3A_578], %swap3A_581 {strides = array<i32>} : memref<80x128xi32, #tpu.memory_space<vmem>>, vector<1x16xi32>,
      %select_n3A_582 = arith.select %lt3A_316, %add3A_575, %add3A_555 : vector<16xi32>
      %swap3A_583 = arith.index_cast %scan3A_312 : i32 to index
      %swap3A_584 = arith.constant 80 : index
      %swap3A_585 = tpu.vector_load %arg6[%swap3A_583, %swap3A_584] {strides = array<i32>} : memref<80x128xi32, #tpu.memory_space<vmem>>, vector<1x16xi32>,
      %swap3A_586 = vector.shape_cast %swap3A_585 : vector<1x16xi32> to vector<16xi32>
      %swap3A_587 = vector.shape_cast %select_n3A_582 : vector<16xi32> to vector<1x16xi32>
      tpu.vector_store %arg6[%swap3A_583, %swap3A_584], %swap3A_587 {strides = array<i32>} : memref<80x128xi32, #tpu.memory_space<vmem>>, vector<1x16xi32>,
      %get3A_588 = arith.index_cast %scan3A_312 : i32 to index
      %get3A_589 = arith.constant 96 : index
      %get3A_590 = tpu.vector_load %arg4[%get3A_588, %get3A_589] {strides = array<i32>} : memref<80x128xi32, #tpu.memory_space<vmem>>, vector<1x16xi32>,
      %get3A_591 = vector.shape_cast %get3A_590 : vector<1x16xi32> to vector<16xi32>
      %and3A_592 = arith.constant 16383 : i32
      %and3A_593 = vector.broadcast %and3A_592 : i32 to vector<16xi32>
      %and3A_594 = arith.andi %get3A_591, %and3A_593 : vector<16xi32>
      %shift_right_logical3A_595 = arith.constant 14 : i32
      %shift_right_logical3A_596 = vector.broadcast %shift_right_logical3A_595 : i32 to vector<16xi32>
      %shift_right_logical3A_597 = arith.shrui %get3A_591, %shift_right_logical3A_596 : vector<16xi32>
      %iota3A_598 = tpu.iota {dimensions = array<i32: 0>} : vector<16xi32>
      %add3A_599 = arith.constant 10336 : i32
      %add3A_600 = vector.broadcast %add3A_599 : i32 to vector<16xi32>
      %add3A_601 = arith.addi %add3A_600, %iota3A_598 : vector<16xi32>
      %and3A_602 = arith.constant 127 : i32
      %and3A_603 = vector.broadcast %and3A_602 : i32 to vector<16xi32>
      %and3A_604 = arith.andi %and3A_594, %and3A_603 : vector<16xi32>
      %mul3A_605 = arith.constant 80 : i32
      %mul3A_606 = vector.broadcast %mul3A_605 : i32 to vector<16xi32>
      %mul3A_607 = arith.muli %and3A_604, %mul3A_606 : vector<16xi32>
      %shift_right_logical3A_608 = arith.constant 7 : i32
      %shift_right_logical3A_609 = vector.broadcast %shift_right_logical3A_608 : i32 to vector<16xi32>
      %shift_right_logical3A_610 = arith.shrui %and3A_594, %shift_right_logical3A_609 : vector<16xi32>
      %add3A_611 = arith.addi %mul3A_607, %shift_right_logical3A_610 : vector<16xi32>
      %and3A_612 = arith.constant 127 : i32
      %and3A_613 = vector.broadcast %and3A_612 : i32 to vector<16xi32>
      %and3A_614 = arith.andi %shift_right_logical3A_597, %and3A_613 : vector<16xi32>
      %mul3A_615 = arith.constant 80 : i32
      %mul3A_616 = vector.broadcast %mul3A_615 : i32 to vector<16xi32>
      %mul3A_617 = arith.muli %and3A_614, %mul3A_616 : vector<16xi32>
      %shift_right_logical3A_618 = arith.constant 7 : i32
      %shift_right_logical3A_619 = vector.broadcast %shift_right_logical3A_618 : i32 to vector<16xi32>
      %shift_right_logical3A_620 = arith.shrui %shift_right_logical3A_597, %shift_right_logical3A_619 : vector<16xi32>
      %add3A_621 = arith.addi %mul3A_617, %shift_right_logical3A_620 : vector<16xi32>
      %select_n3A_622 = arith.select %lt3A_316, %add3A_611, %add3A_601 : vector<16xi32>
      %swap3A_623 = arith.index_cast %scan3A_312 : i32 to index
      %swap3A_624 = arith.constant 96 : index
      %swap3A_625 = tpu.vector_load %arg5[%swap3A_623, %swap3A_624] {strides = array<i32>} : memref<80x128xi32, #tpu.memory_space<vmem>>, vector<1x16xi32>,
      %swap3A_626 = vector.shape_cast %swap3A_625 : vector<1x16xi32> to vector<16xi32>
      %swap3A_627 = vector.shape_cast %select_n3A_622 : vector<16xi32> to vector<1x16xi32>
      tpu.vector_store %arg5[%swap3A_623, %swap3A_624], %swap3A_627 {strides = array<i32>} : memref<80x128xi32, #tpu.memory_space<vmem>>, vector<1x16xi32>,
      %select_n3A_628 = arith.select %lt3A_316, %add3A_621, %add3A_601 : vector<16xi32>
      %swap3A_629 = arith.index_cast %scan3A_312 : i32 to index
      %swap3A_630 = arith.constant 96 : index
      %swap3A_631 = tpu.vector_load %arg6[%swap3A_629, %swap3A_630] {strides = array<i32>} : memref<80x128xi32, #tpu.memory_space<vmem>>, vector<1x16xi32>,
      %swap3A_632 = vector.shape_cast %swap3A_631 : vector<1x16xi32> to vector<16xi32>
      %swap3A_633 = vector.shape_cast %select_n3A_628 : vector<16xi32> to vector<1x16xi32>
      tpu.vector_store %arg6[%swap3A_629, %swap3A_630], %swap3A_633 {strides = array<i32>} : memref<80x128xi32, #tpu.memory_space<vmem>>, vector<1x16xi32>,
      %get3A_634 = arith.index_cast %scan3A_312 : i32 to index
      %get3A_635 = arith.constant 112 : index
      %get3A_636 = tpu.vector_load %arg4[%get3A_634, %get3A_635] {strides = array<i32>} : memref<80x128xi32, #tpu.memory_space<vmem>>, vector<1x16xi32>,
      %get3A_637 = vector.shape_cast %get3A_636 : vector<1x16xi32> to vector<16xi32>
      %and3A_638 = arith.constant 16383 : i32
      %and3A_639 = vector.broadcast %and3A_638 : i32 to vector<16xi32>
      %and3A_640 = arith.andi %get3A_637, %and3A_639 : vector<16xi32>
      %shift_right_logical3A_641 = arith.constant 14 : i32
      %shift_right_logical3A_642 = vector.broadcast %shift_right_logical3A_641 : i32 to vector<16xi32>
      %shift_right_logical3A_643 = arith.shrui %get3A_637, %shift_right_logical3A_642 : vector<16xi32>
      %iota3A_644 = tpu.iota {dimensions = array<i32: 0>} : vector<16xi32>
      %add3A_645 = arith.constant 10352 : i32
      %add3A_646 = vector.broadcast %add3A_645 : i32 to vector<16xi32>
      %add3A_647 = arith.addi %add3A_646, %iota3A_644 : vector<16xi32>
      %and3A_648 = arith.constant 127 : i32
      %and3A_649 = vector.broadcast %and3A_648 : i32 to vector<16xi32>
      %and3A_650 = arith.andi %and3A_640, %and3A_649 : vector<16xi32>
      %mul3A_651 = arith.constant 80 : i32
      %mul3A_652 = vector.broadcast %mul3A_651 : i32 to vector<16xi32>
      %mul3A_653 = arith.muli %and3A_650, %mul3A_652 : vector<16xi32>
      %shift_right_logical3A_654 = arith.constant 7 : i32
      %shift_right_logical3A_655 = vector.broadcast %shift_right_logical3A_654 : i32 to vector<16xi32>
      %shift_right_logical3A_656 = arith.shrui %and3A_640, %shift_right_logical3A_655 : vector<16xi32>
      %add3A_657 = arith.addi %mul3A_653, %shift_right_logical3A_656 : vector<16xi32>
      %and3A_658 = arith.constant 127 : i32
      %and3A_659 = vector.broadcast %and3A_658 : i32 to vector<16xi32>
      %and3A_660 = arith.andi %shift_right_logical3A_643, %and3A_659 : vector<16xi32>
      %mul3A_661 = arith.constant 80 : i32
      %mul3A_662 = vector.broadcast %mul3A_661 : i32 to vector<16xi32>
      %mul3A_663 = arith.muli %and3A_660, %mul3A_662 : vector<16xi32>
      %shift_right_logical3A_664 = arith.constant 7 : i32
      %shift_right_logical3A_665 = vector.broadcast %shift_right_logical3A_664 : i32 to vector<16xi32>
      %shift_right_logical3A_666 = arith.shrui %shift_right_logical3A_643, %shift_right_logical3A_665 : vector<16xi32>
      %add3A_667 = arith.addi %mul3A_663, %shift_right_logical3A_666 : vector<16xi32>
      %select_n3A_668 = arith.select %lt3A_316, %add3A_657, %add3A_647 : vector<16xi32>
      %swap3A_669 = arith.index_cast %scan3A_312 : i32 to index
      %swap3A_670 = arith.constant 112 : index
      %swap3A_671 = tpu.vector_load %arg5[%swap3A_669, %swap3A_670] {strides = array<i32>} : memref<80x128xi32, #tpu.memory_space<vmem>>, vector<1x16xi32>,
      %swap3A_672 = vector.shape_cast %swap3A_671 : vector<1x16xi32> to vector<16xi32>
      %swap3A_673 = vector.shape_cast %select_n3A_668 : vector<16xi32> to vector<1x16xi32>
      tpu.vector_store %arg5[%swap3A_669, %swap3A_670], %swap3A_673 {strides = array<i32>} : memref<80x128xi32, #tpu.memory_space<vmem>>, vector<1x16xi32>,
      %select_n3A_674 = arith.select %lt3A_316, %add3A_667, %add3A_647 : vector<16xi32>
      %swap3A_675 = arith.index_cast %scan3A_312 : i32 to index
      %swap3A_676 = arith.constant 112 : index
      %swap3A_677 = tpu.vector_load %arg6[%swap3A_675, %swap3A_676] {strides = array<i32>} : memref<80x128xi32, #tpu.memory_space<vmem>>, vector<1x16xi32>,
      %swap3A_678 = vector.shape_cast %swap3A_677 : vector<1x16xi32> to vector<16xi32>
      %swap3A_679 = vector.shape_cast %select_n3A_674 : vector<16xi32> to vector<1x16xi32>
      tpu.vector_store %arg6[%swap3A_675, %swap3A_676], %swap3A_679 {strides = array<i32>} : memref<80x128xi32, #tpu.memory_space<vmem>>, vector<1x16xi32>,
      %dma_start3A = arith.constant 0 : i32
      %dma_start3A_680 = tpu.memref_slice %arg5[%scan3A_312, %dma_start3A] : memref<80x128xi32, #tpu.memory_space<vmem>> -> memref<1x128xi32, #tpu.memory_space<vmem>>
      %dma_start3A_681 = tpu.memref_squeeze %dma_start3A_680 : memref<1x128xi32, #tpu.memory_space<vmem>> -> memref<128xi32, #tpu.memory_space<vmem>>
      %dma_start3A_682 = arith.constant 0 : i32
      %dma_start3A_683 = tpu.memref_slice %arg9[%dma_start3A_682] : memref<10368xf32, #tpu.memory_space<vmem_shared>> -> memref<10368xf32, #tpu.memory_space<vmem_shared>>
      tpu.enqueue_indirect_dma source(%arg7 : memref<128xf32, #tpu.memory_space<vmem>>) target(%dma_start3A_683 : memref<10368xf32, #tpu.memory_space<vmem_shared>>) offsets(%dma_start3A_681 : memref<128xi32, #tpu.memory_space<vmem>>) semaphore(%arg11 : memref<!tpu.dma_semaphore, #tpu.memory_space<semaphore_mem>>) {add = true}
      %dma_start3A_684 = arith.constant 0 : i32
      %dma_start3A_685 = tpu.memref_slice %arg6[%scan3A_312, %dma_start3A_684] : memref<80x128xi32, #tpu.memory_space<vmem>> -> memref<1x128xi32, #tpu.memory_space<vmem>>
      %dma_start3A_686 = tpu.memref_squeeze %dma_start3A_685 : memref<1x128xi32, #tpu.memory_space<vmem>> -> memref<128xi32, #tpu.memory_space<vmem>>
      %dma_start3A_687 = arith.constant 0 : i32
      %dma_start3A_688 = tpu.memref_slice %arg10[%dma_start3A_687] : memref<10368xf32, #tpu.memory_space<vmem_shared>> -> memref<10368xf32, #tpu.memory_space<vmem_shared>>
      tpu.enqueue_indirect_dma source(%arg7 : memref<128xf32, #tpu.memory_space<vmem>>) target(%dma_start3A_688 : memref<10368xf32, #tpu.memory_space<vmem_shared>>) offsets(%dma_start3A_686 : memref<128xi32, #tpu.memory_space<vmem>>) semaphore(%arg12 : memref<!tpu.dma_semaphore, #tpu.memory_space<semaphore_mem>>) {add = true}
    }
    %scan3A_295 = arith.constant 80 : i32
    %scan3A_296 = arith.constant 0 : i32
    %scan3A_297 = arith.constant 0 : i32
    %scan3A_298 = arith.constant 80 : i32
    %scan3A_299 = arith.addi %scan3A_297, %scan3A_298 : i32
    %scan3A_300 = arith.constant 1 : i32
    scf.for %scan3A_312 = %scan3A_297 to %scan3A_299 step %scan3A_300  : i32 {
      %dma_wait3A = arith.constant 0 : i32
      %dma_wait3A_313 = tpu.memref_slice %arg5[%scan3A_312, %dma_wait3A] : memref<80x128xi32, #tpu.memory_space<vmem>> -> memref<1x128xi32, #tpu.memory_space<vmem>>
      %dma_wait3A_314 = tpu.memref_squeeze %dma_wait3A_313 : memref<1x128xi32, #tpu.memory_space<vmem>> -> memref<128xi32, #tpu.memory_space<vmem>>
      %dma_wait3A_315 = arith.constant 0 : i32
      %dma_wait3A_316 = tpu.memref_slice %arg9[%dma_wait3A_315] : memref<10368xf32, #tpu.memory_space<vmem_shared>> -> memref<10368xf32, #tpu.memory_space<vmem_shared>>
      tpu.wait_indirect_dma semaphore(%arg11 : memref<!tpu.dma_semaphore, #tpu.memory_space<semaphore_mem>>) src(%arg7 : memref<128xf32, #tpu.memory_space<vmem>>) dst(%dma_wait3A_316 : memref<10368xf32, #tpu.memory_space<vmem_shared>>)
      %dma_wait3A_317 = arith.constant 0 : i32
      %dma_wait3A_318 = tpu.memref_slice %arg6[%scan3A_312, %dma_wait3A_317] : memref<80x128xi32, #tpu.memory_space<vmem>> -> memref<1x128xi32, #tpu.memory_space<vmem>>
      %dma_wait3A_319 = tpu.memref_squeeze %dma_wait3A_318 : memref<1x128xi32, #tpu.memory_space<vmem>> -> memref<128xi32, #tpu.memory_space<vmem>>
      %dma_wait3A_320 = arith.constant 0 : i32
      %dma_wait3A_321 = tpu.memref_slice %arg10[%dma_wait3A_320] : memref<10368xf32, #tpu.memory_space<vmem_shared>> -> memref<10368xf32, #tpu.memory_space<vmem_shared>>
      tpu.wait_indirect_dma semaphore(%arg12 : memref<!tpu.dma_semaphore, #tpu.memory_space<semaphore_mem>>) src(%arg7 : memref<128xf32, #tpu.memory_space<vmem>>) dst(%dma_wait3A_321 : memref<10368xf32, #tpu.memory_space<vmem_shared>>)
    }
    %scan3A_301 = arith.constant 80 : i32
    %barrier3A_302 = arith.constant 0 : index
    tpu.barrier barrier_id(%barrier3A_302)
    %mul3A_303 = arith.constant 640 : i32
    %mul3A_304 = arith.muli %arg1, %mul3A_303 : i32
    %mul3A_305 = arith.constant 640 : i32
    %mul3A_306 = arith.muli %arg1, %mul3A_305 : i32
    %run_scoped3A = arith.constant 0 : i32
    "tpu.region"() ({
      %run_scoped3A_312 = tpu.sem_alloc : memref<!tpu.dma_semaphore, #tpu.memory_space<semaphore_mem>>
      %dma_start3A = tpu.memref_slice %arg3[%arg0, %run_scoped3A, %mul3A_306] : memref<2x2x10240xf32, #tpu.memory_space<hbm>> -> memref<1x1x640xf32, #tpu.memory_space<hbm>>
      %dma_start3A_313 = tpu.memref_squeeze %dma_start3A : memref<1x1x640xf32, #tpu.memory_space<hbm>> -> memref<640xf32, #tpu.memory_space<hbm>>
      %dma_start3A_314 = tpu.memref_slice %arg9[%mul3A_304] : memref<10368xf32, #tpu.memory_space<vmem_shared>> -> memref<640xf32, #tpu.memory_space<vmem_shared>>
      tpu.enqueue_dma source(%dma_start3A_314 : memref<640xf32, #tpu.memory_space<vmem_shared>>) target(%dma_start3A_313 : memref<640xf32, #tpu.memory_space<hbm>>) target_semaphore(%run_scoped3A_312 : memref<!tpu.dma_semaphore, #tpu.memory_space<semaphore_mem>>)
      %dma_wait3A = tpu.memref_slice %arg3[%arg0, %run_scoped3A, %mul3A_306] : memref<2x2x10240xf32, #tpu.memory_space<hbm>> -> memref<1x1x640xf32, #tpu.memory_space<hbm>>
      %dma_wait3A_315 = tpu.memref_squeeze %dma_wait3A : memref<1x1x640xf32, #tpu.memory_space<hbm>> -> memref<640xf32, #tpu.memory_space<hbm>>
      %dma_wait3A_316 = tpu.memref_slice %arg9[%mul3A_304] : memref<10368xf32, #tpu.memory_space<vmem_shared>> -> memref<640xf32, #tpu.memory_space<vmem_shared>>
      tpu.wait_dma2 semaphore(%run_scoped3A_312 : memref<!tpu.dma_semaphore, #tpu.memory_space<semaphore_mem>>) src(%dma_wait3A_316 : memref<640xf32, #tpu.memory_space<vmem_shared>>) dst(%dma_wait3A_315 : memref<640xf32, #tpu.memory_space<hbm>>)
      tpu.yield
    }) : () -> ()
    %mul3A_307 = arith.constant 640 : i32
    %mul3A_308 = arith.muli %arg1, %mul3A_307 : i32
    %mul3A_309 = arith.constant 640 : i32
    %mul3A_310 = arith.muli %arg1, %mul3A_309 : i32
    %run_scoped3A_311 = arith.constant 1 : i32
    "tpu.region"() ({
      %run_scoped3A_312 = tpu.sem_alloc : memref<!tpu.dma_semaphore, #tpu.memory_space<semaphore_mem>>
      %dma_start3A = tpu.memref_slice %arg3[%arg0, %run_scoped3A_311, %mul3A_310] : memref<2x2x10240xf32, #tpu.memory_space<hbm>> -> memref<1x1x640xf32, #tpu.memory_space<hbm>>
      %dma_start3A_313 = tpu.memref_squeeze %dma_start3A : memref<1x1x640xf32, #tpu.memory_space<hbm>> -> memref<640xf32, #tpu.memory_space<hbm>>
      %dma_start3A_314 = tpu.memref_slice %arg10[%mul3A_308] : memref<10368xf32, #tpu.memory_space<vmem_shared>> -> memref<640xf32, #tpu.memory_space<vmem_shared>>
      tpu.enqueue_dma source(%dma_start3A_314 : memref<640xf32, #tpu.memory_space<vmem_shared>>) target(%dma_start3A_313 : memref<640xf32, #tpu.memory_space<hbm>>) target_semaphore(%run_scoped3A_312 : memref<!tpu.dma_semaphore, #tpu.memory_space<semaphore_mem>>)
      %dma_wait3A = tpu.memref_slice %arg3[%arg0, %run_scoped3A_311, %mul3A_310] : memref<2x2x10240xf32, #tpu.memory_space<hbm>> -> memref<1x1x640xf32, #tpu.memory_space<hbm>>
      %dma_wait3A_315 = tpu.memref_squeeze %dma_wait3A : memref<1x1x640xf32, #tpu.memory_space<hbm>> -> memref<640xf32, #tpu.memory_space<hbm>>
      %dma_wait3A_316 = tpu.memref_slice %arg10[%mul3A_308] : memref<10368xf32, #tpu.memory_space<vmem_shared>> -> memref<640xf32, #tpu.memory_space<vmem_shared>>
      tpu.wait_dma2 semaphore(%run_scoped3A_312 : memref<!tpu.dma_semaphore, #tpu.memory_space<semaphore_mem>>) src(%dma_wait3A_316 : memref<640xf32, #tpu.memory_space<vmem_shared>>) dst(%dma_wait3A_315 : memref<640xf32, #tpu.memory_space<hbm>>)
      tpu.yield
    }) : () -> ()
    return
  }
}

#map = affine_map<(d0, d1) -> (0, 0)>
module attributes {stable_mosaic.version = 14 : i64} {
  func.func @_agg_body(%arg0: i32, %arg1: i32, %arg2: memref<10000x128xf32, #tpu.memory_space<hbm>>, %arg3: memref<2560x128xi32, #tpu.memory_space<hbm>>, %arg4: memref<10240x128xf32, #tpu.memory_space<hbm>>, %arg5: memref<10240x128xf32, #tpu.memory_space<hbm>>, %arg6: memref<80x128xi32, #tpu.memory_space<vmem>>, %arg7: memref<2x128xi32, #tpu.memory_space<vmem>>, %arg8: memref<2x128xi32, #tpu.memory_space<vmem>>, %arg9: memref<80xi32, #tpu.memory_space<vmem>>, %arg10: memref<128x128xf32, #tpu.memory_space<vmem>>, %arg11: memref<128x128xf32, #tpu.memory_space<vmem>>, %arg12: memref<10240x128xf32, #tpu.memory_space<vmem_shared>>, %arg13: memref<!tpu.dma_semaphore, #tpu.memory_space<semaphore_mem>>, %arg14: memref<!tpu.dma_semaphore, #tpu.memory_space<semaphore_mem>>) attributes {dimension_semantics = [#tpu.dimension_semantics<core_parallel>, #tpu.dimension_semantics<subcore_parallel>], iteration_bounds = array<i64: 2, 16>, scalar_prefetch = 0 : i64, scratch_operands = 9 : i64, tpu.core_type = #tpu.core_type<sc_vector_subcore>, window_params = [{transform_indices = #map}, {transform_indices = #map}, {transform_indices = #map}, {transform_indices = #map}]} {
    %mul3A = arith.constant 16 : i32
    %mul3A_0 = arith.muli %arg0, %mul3A : i32
    %add3A = arith.addi %mul3A_0, %arg1 : i32
    %mul3A_1 = arith.constant 80 : i32
    %mul3A_2 = arith.muli %add3A, %mul3A_1 : i32
    %add3A_3 = arith.constant 0 : i32
    %add3A_4 = arith.addi %mul3A_2, %add3A_3 : i32
    %iota3A = tpu.iota {dimensions = array<i32: 0>} : vector<16xi32>
    %add3A_5 = vector.broadcast %add3A_4 : i32 to vector<16xi32>
    %add3A_6 = arith.addi %add3A_5, %iota3A : vector<16xi32>
    %swap3A = arith.constant 0 : index
    %swap3A_7 = tpu.vector_load %arg9[%swap3A] {strides = array<i32>} : memref<80xi32, #tpu.memory_space<vmem>>, vector<16xi32>,
    %swap3A_8 = vector.shape_cast %swap3A_7 : vector<16xi32> to vector<16xi32>
    %swap3A_9 = vector.shape_cast %add3A_6 : vector<16xi32> to vector<16xi32>
    tpu.vector_store %arg9[%swap3A], %swap3A_9 {strides = array<i32>} : memref<80xi32, #tpu.memory_space<vmem>>, vector<16xi32>,
    %mul3A_10 = arith.constant 80 : i32
    %mul3A_11 = arith.muli %add3A, %mul3A_10 : i32
    %add3A_12 = arith.constant 16 : i32
    %add3A_13 = arith.addi %mul3A_11, %add3A_12 : i32
    %iota3A_14 = tpu.iota {dimensions = array<i32: 0>} : vector<16xi32>
    %add3A_15 = vector.broadcast %add3A_13 : i32 to vector<16xi32>
    %add3A_16 = arith.addi %add3A_15, %iota3A_14 : vector<16xi32>
    %swap3A_17 = arith.constant 16 : index
    %swap3A_18 = tpu.vector_load %arg9[%swap3A_17] {strides = array<i32>} : memref<80xi32, #tpu.memory_space<vmem>>, vector<16xi32>,
    %swap3A_19 = vector.shape_cast %swap3A_18 : vector<16xi32> to vector<16xi32>
    %swap3A_20 = vector.shape_cast %add3A_16 : vector<16xi32> to vector<16xi32>
    tpu.vector_store %arg9[%swap3A_17], %swap3A_20 {strides = array<i32>} : memref<80xi32, #tpu.memory_space<vmem>>, vector<16xi32>,
    %mul3A_21 = arith.constant 80 : i32
    %mul3A_22 = arith.muli %add3A, %mul3A_21 : i32
    %add3A_23 = arith.constant 32 : i32
    %add3A_24 = arith.addi %mul3A_22, %add3A_23 : i32
    %iota3A_25 = tpu.iota {dimensions = array<i32: 0>} : vector<16xi32>
    %add3A_26 = vector.broadcast %add3A_24 : i32 to vector<16xi32>
    %add3A_27 = arith.addi %add3A_26, %iota3A_25 : vector<16xi32>
    %swap3A_28 = arith.constant 32 : index
    %swap3A_29 = tpu.vector_load %arg9[%swap3A_28] {strides = array<i32>} : memref<80xi32, #tpu.memory_space<vmem>>, vector<16xi32>,
    %swap3A_30 = vector.shape_cast %swap3A_29 : vector<16xi32> to vector<16xi32>
    %swap3A_31 = vector.shape_cast %add3A_27 : vector<16xi32> to vector<16xi32>
    tpu.vector_store %arg9[%swap3A_28], %swap3A_31 {strides = array<i32>} : memref<80xi32, #tpu.memory_space<vmem>>, vector<16xi32>,
    %mul3A_32 = arith.constant 80 : i32
    %mul3A_33 = arith.muli %add3A, %mul3A_32 : i32
    %add3A_34 = arith.constant 48 : i32
    %add3A_35 = arith.addi %mul3A_33, %add3A_34 : i32
    %iota3A_36 = tpu.iota {dimensions = array<i32: 0>} : vector<16xi32>
    %add3A_37 = vector.broadcast %add3A_35 : i32 to vector<16xi32>
    %add3A_38 = arith.addi %add3A_37, %iota3A_36 : vector<16xi32>
    %swap3A_39 = arith.constant 48 : index
    %swap3A_40 = tpu.vector_load %arg9[%swap3A_39] {strides = array<i32>} : memref<80xi32, #tpu.memory_space<vmem>>, vector<16xi32>,
    %swap3A_41 = vector.shape_cast %swap3A_40 : vector<16xi32> to vector<16xi32>
    %swap3A_42 = vector.shape_cast %add3A_38 : vector<16xi32> to vector<16xi32>
    tpu.vector_store %arg9[%swap3A_39], %swap3A_42 {strides = array<i32>} : memref<80xi32, #tpu.memory_space<vmem>>, vector<16xi32>,
    %mul3A_43 = arith.constant 80 : i32
    %mul3A_44 = arith.muli %add3A, %mul3A_43 : i32
    %add3A_45 = arith.constant 64 : i32
    %add3A_46 = arith.addi %mul3A_44, %add3A_45 : i32
    %iota3A_47 = tpu.iota {dimensions = array<i32: 0>} : vector<16xi32>
    %add3A_48 = vector.broadcast %add3A_46 : i32 to vector<16xi32>
    %add3A_49 = arith.addi %add3A_48, %iota3A_47 : vector<16xi32>
    %swap3A_50 = arith.constant 64 : index
    %swap3A_51 = tpu.vector_load %arg9[%swap3A_50] {strides = array<i32>} : memref<80xi32, #tpu.memory_space<vmem>>, vector<16xi32>,
    %swap3A_52 = vector.shape_cast %swap3A_51 : vector<16xi32> to vector<16xi32>
    %swap3A_53 = vector.shape_cast %add3A_49 : vector<16xi32> to vector<16xi32>
    tpu.vector_store %arg9[%swap3A_50], %swap3A_53 {strides = array<i32>} : memref<80xi32, #tpu.memory_space<vmem>>, vector<16xi32>,
    %dma_start3A = arith.constant 0 : i32
    %dma_start3A_54 = arith.constant 0 : i32
    %dma_start3A_55 = tpu.memref_slice %arg3[%dma_start3A, %dma_start3A_54] : memref<2560x128xi32, #tpu.memory_space<hbm>> -> memref<2560x128xi32, #tpu.memory_space<hbm>>
    tpu.enqueue_indirect_dma source(%dma_start3A_55 : memref<2560x128xi32, #tpu.memory_space<hbm>>) target(%arg6 : memref<80x128xi32, #tpu.memory_space<vmem>>) offsets(%arg9 : memref<80xi32, #tpu.memory_space<vmem>>) semaphore(%arg13 : memref<!tpu.dma_semaphore, #tpu.memory_space<semaphore_mem>>)
    %scan3A = arith.constant 0 : i32
    %scan3A_56 = arith.constant 0 : i32
    %scan3A_57 = arith.constant 128 : i32
    %scan3A_58 = arith.addi %scan3A_56, %scan3A_57 : i32
    %scan3A_59 = arith.constant 1 : i32
    scf.for %scan3A_469 = %scan3A_56 to %scan3A_58 step %scan3A_59  : i32 {
      %broadcast_in_dim3A = arith.constant 0.000000e+00 : f32
      %broadcast_in_dim3A_470 = vector.broadcast %broadcast_in_dim3A : f32 to vector<16xf32>
      %swap3A_471 = arith.index_cast %scan3A_469 : i32 to index
      %swap3A_472 = arith.constant 0 : index
      %swap3A_473 = tpu.vector_load %arg10[%swap3A_471, %swap3A_472] {strides = array<i32>} : memref<128x128xf32, #tpu.memory_space<vmem>>, vector<1x16xf32>,
      %swap3A_474 = vector.shape_cast %swap3A_473 : vector<1x16xf32> to vector<16xf32>
      %swap3A_475 = vector.shape_cast %broadcast_in_dim3A_470 : vector<16xf32> to vector<1x16xf32>
      tpu.vector_store %arg10[%swap3A_471, %swap3A_472], %swap3A_475 {strides = array<i32>} : memref<128x128xf32, #tpu.memory_space<vmem>>, vector<1x16xf32>,
      %broadcast_in_dim3A_476 = arith.constant 0.000000e+00 : f32
      %broadcast_in_dim3A_477 = vector.broadcast %broadcast_in_dim3A_476 : f32 to vector<16xf32>
      %swap3A_478 = arith.index_cast %scan3A_469 : i32 to index
      %swap3A_479 = arith.constant 16 : index
      %swap3A_480 = tpu.vector_load %arg10[%swap3A_478, %swap3A_479] {strides = array<i32>} : memref<128x128xf32, #tpu.memory_space<vmem>>, vector<1x16xf32>,
      %swap3A_481 = vector.shape_cast %swap3A_480 : vector<1x16xf32> to vector<16xf32>
      %swap3A_482 = vector.shape_cast %broadcast_in_dim3A_477 : vector<16xf32> to vector<1x16xf32>
      tpu.vector_store %arg10[%swap3A_478, %swap3A_479], %swap3A_482 {strides = array<i32>} : memref<128x128xf32, #tpu.memory_space<vmem>>, vector<1x16xf32>,
      %broadcast_in_dim3A_483 = arith.constant 0.000000e+00 : f32
      %broadcast_in_dim3A_484 = vector.broadcast %broadcast_in_dim3A_483 : f32 to vector<16xf32>
      %swap3A_485 = arith.index_cast %scan3A_469 : i32 to index
      %swap3A_486 = arith.constant 32 : index
      %swap3A_487 = tpu.vector_load %arg10[%swap3A_485, %swap3A_486] {strides = array<i32>} : memref<128x128xf32, #tpu.memory_space<vmem>>, vector<1x16xf32>,
      %swap3A_488 = vector.shape_cast %swap3A_487 : vector<1x16xf32> to vector<16xf32>
      %swap3A_489 = vector.shape_cast %broadcast_in_dim3A_484 : vector<16xf32> to vector<1x16xf32>
      tpu.vector_store %arg10[%swap3A_485, %swap3A_486], %swap3A_489 {strides = array<i32>} : memref<128x128xf32, #tpu.memory_space<vmem>>, vector<1x16xf32>,
      %broadcast_in_dim3A_490 = arith.constant 0.000000e+00 : f32
      %broadcast_in_dim3A_491 = vector.broadcast %broadcast_in_dim3A_490 : f32 to vector<16xf32>
      %swap3A_492 = arith.index_cast %scan3A_469 : i32 to index
      %swap3A_493 = arith.constant 48 : index
      %swap3A_494 = tpu.vector_load %arg10[%swap3A_492, %swap3A_493] {strides = array<i32>} : memref<128x128xf32, #tpu.memory_space<vmem>>, vector<1x16xf32>,
      %swap3A_495 = vector.shape_cast %swap3A_494 : vector<1x16xf32> to vector<16xf32>
      %swap3A_496 = vector.shape_cast %broadcast_in_dim3A_491 : vector<16xf32> to vector<1x16xf32>
      tpu.vector_store %arg10[%swap3A_492, %swap3A_493], %swap3A_496 {strides = array<i32>} : memref<128x128xf32, #tpu.memory_space<vmem>>, vector<1x16xf32>,
      %broadcast_in_dim3A_497 = arith.constant 0.000000e+00 : f32
      %broadcast_in_dim3A_498 = vector.broadcast %broadcast_in_dim3A_497 : f32 to vector<16xf32>
      %swap3A_499 = arith.index_cast %scan3A_469 : i32 to index
      %swap3A_500 = arith.constant 64 : index
      %swap3A_501 = tpu.vector_load %arg10[%swap3A_499, %swap3A_500] {strides = array<i32>} : memref<128x128xf32, #tpu.memory_space<vmem>>, vector<1x16xf32>,
      %swap3A_502 = vector.shape_cast %swap3A_501 : vector<1x16xf32> to vector<16xf32>
      %swap3A_503 = vector.shape_cast %broadcast_in_dim3A_498 : vector<16xf32> to vector<1x16xf32>
      tpu.vector_store %arg10[%swap3A_499, %swap3A_500], %swap3A_503 {strides = array<i32>} : memref<128x128xf32, #tpu.memory_space<vmem>>, vector<1x16xf32>,
      %broadcast_in_dim3A_504 = arith.constant 0.000000e+00 : f32
      %broadcast_in_dim3A_505 = vector.broadcast %broadcast_in_dim3A_504 : f32 to vector<16xf32>
      %swap3A_506 = arith.index_cast %scan3A_469 : i32 to index
      %swap3A_507 = arith.constant 80 : index
      %swap3A_508 = tpu.vector_load %arg10[%swap3A_506, %swap3A_507] {strides = array<i32>} : memref<128x128xf32, #tpu.memory_space<vmem>>, vector<1x16xf32>,
      %swap3A_509 = vector.shape_cast %swap3A_508 : vector<1x16xf32> to vector<16xf32>
      %swap3A_510 = vector.shape_cast %broadcast_in_dim3A_505 : vector<16xf32> to vector<1x16xf32>
      tpu.vector_store %arg10[%swap3A_506, %swap3A_507], %swap3A_510 {strides = array<i32>} : memref<128x128xf32, #tpu.memory_space<vmem>>, vector<1x16xf32>,
      %broadcast_in_dim3A_511 = arith.constant 0.000000e+00 : f32
      %broadcast_in_dim3A_512 = vector.broadcast %broadcast_in_dim3A_511 : f32 to vector<16xf32>
      %swap3A_513 = arith.index_cast %scan3A_469 : i32 to index
      %swap3A_514 = arith.constant 96 : index
      %swap3A_515 = tpu.vector_load %arg10[%swap3A_513, %swap3A_514] {strides = array<i32>} : memref<128x128xf32, #tpu.memory_space<vmem>>, vector<1x16xf32>,
      %swap3A_516 = vector.shape_cast %swap3A_515 : vector<1x16xf32> to vector<16xf32>
      %swap3A_517 = vector.shape_cast %broadcast_in_dim3A_512 : vector<16xf32> to vector<1x16xf32>
      tpu.vector_store %arg10[%swap3A_513, %swap3A_514], %swap3A_517 {strides = array<i32>} : memref<128x128xf32, #tpu.memory_space<vmem>>, vector<1x16xf32>,
      %broadcast_in_dim3A_518 = arith.constant 0.000000e+00 : f32
      %broadcast_in_dim3A_519 = vector.broadcast %broadcast_in_dim3A_518 : f32 to vector<16xf32>
      %swap3A_520 = arith.index_cast %scan3A_469 : i32 to index
      %swap3A_521 = arith.constant 112 : index
      %swap3A_522 = tpu.vector_load %arg10[%swap3A_520, %swap3A_521] {strides = array<i32>} : memref<128x128xf32, #tpu.memory_space<vmem>>, vector<1x16xf32>,
      %swap3A_523 = vector.shape_cast %swap3A_522 : vector<1x16xf32> to vector<16xf32>
      %swap3A_524 = vector.shape_cast %broadcast_in_dim3A_519 : vector<16xf32> to vector<1x16xf32>
      tpu.vector_store %arg10[%swap3A_520, %swap3A_521], %swap3A_524 {strides = array<i32>} : memref<128x128xf32, #tpu.memory_space<vmem>>, vector<1x16xf32>,
    }
    %scan3A_60 = arith.constant 128 : i32
    %mul3A_61 = arith.constant 640 : i32
    %mul3A_62 = arith.muli %arg1, %mul3A_61 : i32
    %add3A_63 = arith.constant 0 : i32
    %add3A_64 = arith.addi %mul3A_62, %add3A_63 : i32
    "tpu.region"() ({
      %run_scoped3A = tpu.sem_alloc : memref<!tpu.dma_semaphore, #tpu.memory_space<semaphore_mem>>
      %dma_start3A_469 = arith.constant 0 : i32
      %dma_start3A_470 = tpu.memref_slice %arg12[%add3A_64, %dma_start3A_469] : memref<10240x128xf32, #tpu.memory_space<vmem_shared>> -> memref<128x128xf32, #tpu.memory_space<vmem_shared>>
      %dma_start3A_471 = arith.constant 0 : i32
      %dma_start3A_472 = tpu.memref_slice %arg12[%add3A_64, %dma_start3A_471] : memref<10240x128xf32, #tpu.memory_space<vmem_shared>> -> memref<128x128xf32, #tpu.memory_space<vmem_shared>>
      tpu.enqueue_dma source(%arg10 : memref<128x128xf32, #tpu.memory_space<vmem>>) target(%dma_start3A_472 : memref<128x128xf32, #tpu.memory_space<vmem_shared>>) target_semaphore(%run_scoped3A : memref<!tpu.dma_semaphore, #tpu.memory_space<semaphore_mem>>)
      %dma_wait3A_473 = arith.constant 0 : i32
      %dma_wait3A_474 = tpu.memref_slice %arg12[%add3A_64, %dma_wait3A_473] : memref<10240x128xf32, #tpu.memory_space<vmem_shared>> -> memref<128x128xf32, #tpu.memory_space<vmem_shared>>
      %dma_wait3A_475 = arith.constant 0 : i32
      %dma_wait3A_476 = tpu.memref_slice %arg12[%add3A_64, %dma_wait3A_475] : memref<10240x128xf32, #tpu.memory_space<vmem_shared>> -> memref<128x128xf32, #tpu.memory_space<vmem_shared>>
      tpu.wait_dma2 semaphore(%run_scoped3A : memref<!tpu.dma_semaphore, #tpu.memory_space<semaphore_mem>>) src(%arg10 : memref<128x128xf32, #tpu.memory_space<vmem>>) dst(%dma_wait3A_476 : memref<128x128xf32, #tpu.memory_space<vmem_shared>>)
      tpu.yield
    }) : () -> ()
    %mul3A_65 = arith.constant 640 : i32
    %mul3A_66 = arith.muli %arg1, %mul3A_65 : i32
    %add3A_67 = arith.constant 128 : i32
    %add3A_68 = arith.addi %mul3A_66, %add3A_67 : i32
    "tpu.region"() ({
      %run_scoped3A = tpu.sem_alloc : memref<!tpu.dma_semaphore, #tpu.memory_space<semaphore_mem>>
      %dma_start3A_469 = arith.constant 0 : i32
      %dma_start3A_470 = tpu.memref_slice %arg12[%add3A_68, %dma_start3A_469] : memref<10240x128xf32, #tpu.memory_space<vmem_shared>> -> memref<128x128xf32, #tpu.memory_space<vmem_shared>>
      %dma_start3A_471 = arith.constant 0 : i32
      %dma_start3A_472 = tpu.memref_slice %arg12[%add3A_68, %dma_start3A_471] : memref<10240x128xf32, #tpu.memory_space<vmem_shared>> -> memref<128x128xf32, #tpu.memory_space<vmem_shared>>
      tpu.enqueue_dma source(%arg10 : memref<128x128xf32, #tpu.memory_space<vmem>>) target(%dma_start3A_472 : memref<128x128xf32, #tpu.memory_space<vmem_shared>>) target_semaphore(%run_scoped3A : memref<!tpu.dma_semaphore, #tpu.memory_space<semaphore_mem>>)
      %dma_wait3A_473 = arith.constant 0 : i32
      %dma_wait3A_474 = tpu.memref_slice %arg12[%add3A_68, %dma_wait3A_473] : memref<10240x128xf32, #tpu.memory_space<vmem_shared>> -> memref<128x128xf32, #tpu.memory_space<vmem_shared>>
      %dma_wait3A_475 = arith.constant 0 : i32
      %dma_wait3A_476 = tpu.memref_slice %arg12[%add3A_68, %dma_wait3A_475] : memref<10240x128xf32, #tpu.memory_space<vmem_shared>> -> memref<128x128xf32, #tpu.memory_space<vmem_shared>>
      tpu.wait_dma2 semaphore(%run_scoped3A : memref<!tpu.dma_semaphore, #tpu.memory_space<semaphore_mem>>) src(%arg10 : memref<128x128xf32, #tpu.memory_space<vmem>>) dst(%dma_wait3A_476 : memref<128x128xf32, #tpu.memory_space<vmem_shared>>)
      tpu.yield
    }) : () -> ()
    %mul3A_69 = arith.constant 640 : i32
    %mul3A_70 = arith.muli %arg1, %mul3A_69 : i32
    %add3A_71 = arith.constant 256 : i32
    %add3A_72 = arith.addi %mul3A_70, %add3A_71 : i32
    "tpu.region"() ({
      %run_scoped3A = tpu.sem_alloc : memref<!tpu.dma_semaphore, #tpu.memory_space<semaphore_mem>>
      %dma_start3A_469 = arith.constant 0 : i32
      %dma_start3A_470 = tpu.memref_slice %arg12[%add3A_72, %dma_start3A_469] : memref<10240x128xf32, #tpu.memory_space<vmem_shared>> -> memref<128x128xf32, #tpu.memory_space<vmem_shared>>
      %dma_start3A_471 = arith.constant 0 : i32
      %dma_start3A_472 = tpu.memref_slice %arg12[%add3A_72, %dma_start3A_471] : memref<10240x128xf32, #tpu.memory_space<vmem_shared>> -> memref<128x128xf32, #tpu.memory_space<vmem_shared>>
      tpu.enqueue_dma source(%arg10 : memref<128x128xf32, #tpu.memory_space<vmem>>) target(%dma_start3A_472 : memref<128x128xf32, #tpu.memory_space<vmem_shared>>) target_semaphore(%run_scoped3A : memref<!tpu.dma_semaphore, #tpu.memory_space<semaphore_mem>>)
      %dma_wait3A_473 = arith.constant 0 : i32
      %dma_wait3A_474 = tpu.memref_slice %arg12[%add3A_72, %dma_wait3A_473] : memref<10240x128xf32, #tpu.memory_space<vmem_shared>> -> memref<128x128xf32, #tpu.memory_space<vmem_shared>>
      %dma_wait3A_475 = arith.constant 0 : i32
      %dma_wait3A_476 = tpu.memref_slice %arg12[%add3A_72, %dma_wait3A_475] : memref<10240x128xf32, #tpu.memory_space<vmem_shared>> -> memref<128x128xf32, #tpu.memory_space<vmem_shared>>
      tpu.wait_dma2 semaphore(%run_scoped3A : memref<!tpu.dma_semaphore, #tpu.memory_space<semaphore_mem>>) src(%arg10 : memref<128x128xf32, #tpu.memory_space<vmem>>) dst(%dma_wait3A_476 : memref<128x128xf32, #tpu.memory_space<vmem_shared>>)
      tpu.yield
    }) : () -> ()
    %mul3A_73 = arith.constant 640 : i32
    %mul3A_74 = arith.muli %arg1, %mul3A_73 : i32
    %add3A_75 = arith.constant 384 : i32
    %add3A_76 = arith.addi %mul3A_74, %add3A_75 : i32
    "tpu.region"() ({
      %run_scoped3A = tpu.sem_alloc : memref<!tpu.dma_semaphore, #tpu.memory_space<semaphore_mem>>
      %dma_start3A_469 = arith.constant 0 : i32
      %dma_start3A_470 = tpu.memref_slice %arg12[%add3A_76, %dma_start3A_469] : memref<10240x128xf32, #tpu.memory_space<vmem_shared>> -> memref<128x128xf32, #tpu.memory_space<vmem_shared>>
      %dma_start3A_471 = arith.constant 0 : i32
      %dma_start3A_472 = tpu.memref_slice %arg12[%add3A_76, %dma_start3A_471] : memref<10240x128xf32, #tpu.memory_space<vmem_shared>> -> memref<128x128xf32, #tpu.memory_space<vmem_shared>>
      tpu.enqueue_dma source(%arg10 : memref<128x128xf32, #tpu.memory_space<vmem>>) target(%dma_start3A_472 : memref<128x128xf32, #tpu.memory_space<vmem_shared>>) target_semaphore(%run_scoped3A : memref<!tpu.dma_semaphore, #tpu.memory_space<semaphore_mem>>)
      %dma_wait3A_473 = arith.constant 0 : i32
      %dma_wait3A_474 = tpu.memref_slice %arg12[%add3A_76, %dma_wait3A_473] : memref<10240x128xf32, #tpu.memory_space<vmem_shared>> -> memref<128x128xf32, #tpu.memory_space<vmem_shared>>
      %dma_wait3A_475 = arith.constant 0 : i32
      %dma_wait3A_476 = tpu.memref_slice %arg12[%add3A_76, %dma_wait3A_475] : memref<10240x128xf32, #tpu.memory_space<vmem_shared>> -> memref<128x128xf32, #tpu.memory_space<vmem_shared>>
      tpu.wait_dma2 semaphore(%run_scoped3A : memref<!tpu.dma_semaphore, #tpu.memory_space<semaphore_mem>>) src(%arg10 : memref<128x128xf32, #tpu.memory_space<vmem>>) dst(%dma_wait3A_476 : memref<128x128xf32, #tpu.memory_space<vmem_shared>>)
      tpu.yield
    }) : () -> ()
    %mul3A_77 = arith.constant 640 : i32
    %mul3A_78 = arith.muli %arg1, %mul3A_77 : i32
    %add3A_79 = arith.constant 512 : i32
    %add3A_80 = arith.addi %mul3A_78, %add3A_79 : i32
    "tpu.region"() ({
      %run_scoped3A = tpu.sem_alloc : memref<!tpu.dma_semaphore, #tpu.memory_space<semaphore_mem>>
      %dma_start3A_469 = arith.constant 0 : i32
      %dma_start3A_470 = tpu.memref_slice %arg12[%add3A_80, %dma_start3A_469] : memref<10240x128xf32, #tpu.memory_space<vmem_shared>> -> memref<128x128xf32, #tpu.memory_space<vmem_shared>>
      %dma_start3A_471 = arith.constant 0 : i32
      %dma_start3A_472 = tpu.memref_slice %arg12[%add3A_80, %dma_start3A_471] : memref<10240x128xf32, #tpu.memory_space<vmem_shared>> -> memref<128x128xf32, #tpu.memory_space<vmem_shared>>
      tpu.enqueue_dma source(%arg10 : memref<128x128xf32, #tpu.memory_space<vmem>>) target(%dma_start3A_472 : memref<128x128xf32, #tpu.memory_space<vmem_shared>>) target_semaphore(%run_scoped3A : memref<!tpu.dma_semaphore, #tpu.memory_space<semaphore_mem>>)
      %dma_wait3A_473 = arith.constant 0 : i32
      %dma_wait3A_474 = tpu.memref_slice %arg12[%add3A_80, %dma_wait3A_473] : memref<10240x128xf32, #tpu.memory_space<vmem_shared>> -> memref<128x128xf32, #tpu.memory_space<vmem_shared>>
      %dma_wait3A_475 = arith.constant 0 : i32
      %dma_wait3A_476 = tpu.memref_slice %arg12[%add3A_80, %dma_wait3A_475] : memref<10240x128xf32, #tpu.memory_space<vmem_shared>> -> memref<128x128xf32, #tpu.memory_space<vmem_shared>>
      tpu.wait_dma2 semaphore(%run_scoped3A : memref<!tpu.dma_semaphore, #tpu.memory_space<semaphore_mem>>) src(%arg10 : memref<128x128xf32, #tpu.memory_space<vmem>>) dst(%dma_wait3A_476 : memref<128x128xf32, #tpu.memory_space<vmem_shared>>)
      tpu.yield
    }) : () -> ()
    %dma_wait3A = arith.constant 0 : i32
    %dma_wait3A_81 = arith.constant 0 : i32
    %dma_wait3A_82 = tpu.memref_slice %arg3[%dma_wait3A, %dma_wait3A_81] : memref<2560x128xi32, #tpu.memory_space<hbm>> -> memref<2560x128xi32, #tpu.memory_space<hbm>>
    tpu.wait_indirect_dma semaphore(%arg13 : memref<!tpu.dma_semaphore, #tpu.memory_space<semaphore_mem>>) src(%dma_wait3A_82 : memref<2560x128xi32, #tpu.memory_space<hbm>>) dst(%arg6 : memref<80x128xi32, #tpu.memory_space<vmem>>)
    %barrier3A = arith.constant 0 : index
    tpu.barrier barrier_id(%barrier3A)
    %get3A = arith.constant 0 : i32
    %get3A_83 = arith.index_cast %get3A : i32 to index
    %get3A_84 = arith.constant 0 : index
    %get3A_85 = tpu.vector_load %arg6[%get3A_83, %get3A_84] {strides = array<i32>} : memref<80x128xi32, #tpu.memory_space<vmem>>, vector<1x16xi32>,
    %get3A_86 = vector.shape_cast %get3A_85 : vector<1x16xi32> to vector<16xi32>
    %and3A = arith.constant 16383 : i32
    %and3A_87 = vector.broadcast %and3A : i32 to vector<16xi32>
    %and3A_88 = arith.andi %get3A_86, %and3A_87 : vector<16xi32>
    %swap3A_89 = arith.constant 0 : i32
    %swap3A_90 = arith.index_cast %swap3A_89 : i32 to index
    %swap3A_91 = arith.constant 0 : index
    %swap3A_92 = tpu.vector_load %arg7[%swap3A_90, %swap3A_91] {strides = array<i32>} : memref<2x128xi32, #tpu.memory_space<vmem>>, vector<1x16xi32>,
    %swap3A_93 = vector.shape_cast %swap3A_92 : vector<1x16xi32> to vector<16xi32>
    %swap3A_94 = vector.shape_cast %and3A_88 : vector<16xi32> to vector<1x16xi32>
    tpu.vector_store %arg7[%swap3A_90, %swap3A_91], %swap3A_94 {strides = array<i32>} : memref<2x128xi32, #tpu.memory_space<vmem>>, vector<1x16xi32>,
    %shift_right_logical3A = arith.constant 14 : i32
    %shift_right_logical3A_95 = vector.broadcast %shift_right_logical3A : i32 to vector<16xi32>
    %shift_right_logical3A_96 = arith.shrui %get3A_86, %shift_right_logical3A_95 : vector<16xi32>
    %swap3A_97 = arith.constant 0 : i32
    %swap3A_98 = arith.index_cast %swap3A_97 : i32 to index
    %swap3A_99 = arith.constant 0 : index
    %swap3A_100 = tpu.vector_load %arg8[%swap3A_98, %swap3A_99] {strides = array<i32>} : memref<2x128xi32, #tpu.memory_space<vmem>>, vector<1x16xi32>,
    %swap3A_101 = vector.shape_cast %swap3A_100 : vector<1x16xi32> to vector<16xi32>
    %swap3A_102 = vector.shape_cast %shift_right_logical3A_96 : vector<16xi32> to vector<1x16xi32>
    tpu.vector_store %arg8[%swap3A_98, %swap3A_99], %swap3A_102 {strides = array<i32>} : memref<2x128xi32, #tpu.memory_space<vmem>>, vector<1x16xi32>,
    %get3A_103 = arith.constant 0 : i32
    %get3A_104 = arith.index_cast %get3A_103 : i32 to index
    %get3A_105 = arith.constant 16 : index
    %get3A_106 = tpu.vector_load %arg6[%get3A_104, %get3A_105] {strides = array<i32>} : memref<80x128xi32, #tpu.memory_space<vmem>>, vector<1x16xi32>,
    %get3A_107 = vector.shape_cast %get3A_106 : vector<1x16xi32> to vector<16xi32>
    %and3A_108 = arith.constant 16383 : i32
    %and3A_109 = vector.broadcast %and3A_108 : i32 to vector<16xi32>
    %and3A_110 = arith.andi %get3A_107, %and3A_109 : vector<16xi32>
    %swap3A_111 = arith.constant 0 : i32
    %swap3A_112 = arith.index_cast %swap3A_111 : i32 to index
    %swap3A_113 = arith.constant 16 : index
    %swap3A_114 = tpu.vector_load %arg7[%swap3A_112, %swap3A_113] {strides = array<i32>} : memref<2x128xi32, #tpu.memory_space<vmem>>, vector<1x16xi32>,
    %swap3A_115 = vector.shape_cast %swap3A_114 : vector<1x16xi32> to vector<16xi32>
    %swap3A_116 = vector.shape_cast %and3A_110 : vector<16xi32> to vector<1x16xi32>
    tpu.vector_store %arg7[%swap3A_112, %swap3A_113], %swap3A_116 {strides = array<i32>} : memref<2x128xi32, #tpu.memory_space<vmem>>, vector<1x16xi32>,
    %shift_right_logical3A_117 = arith.constant 14 : i32
    %shift_right_logical3A_118 = vector.broadcast %shift_right_logical3A_117 : i32 to vector<16xi32>
    %shift_right_logical3A_119 = arith.shrui %get3A_107, %shift_right_logical3A_118 : vector<16xi32>
    %swap3A_120 = arith.constant 0 : i32
    %swap3A_121 = arith.index_cast %swap3A_120 : i32 to index
    %swap3A_122 = arith.constant 16 : index
    %swap3A_123 = tpu.vector_load %arg8[%swap3A_121, %swap3A_122] {strides = array<i32>} : memref<2x128xi32, #tpu.memory_space<vmem>>, vector<1x16xi32>,
    %swap3A_124 = vector.shape_cast %swap3A_123 : vector<1x16xi32> to vector<16xi32>
    %swap3A_125 = vector.shape_cast %shift_right_logical3A_119 : vector<16xi32> to vector<1x16xi32>
    tpu.vector_store %arg8[%swap3A_121, %swap3A_122], %swap3A_125 {strides = array<i32>} : memref<2x128xi32, #tpu.memory_space<vmem>>, vector<1x16xi32>,
    %get3A_126 = arith.constant 0 : i32
    %get3A_127 = arith.index_cast %get3A_126 : i32 to index
    %get3A_128 = arith.constant 32 : index
    %get3A_129 = tpu.vector_load %arg6[%get3A_127, %get3A_128] {strides = array<i32>} : memref<80x128xi32, #tpu.memory_space<vmem>>, vector<1x16xi32>,
    %get3A_130 = vector.shape_cast %get3A_129 : vector<1x16xi32> to vector<16xi32>
    %and3A_131 = arith.constant 16383 : i32
    %and3A_132 = vector.broadcast %and3A_131 : i32 to vector<16xi32>
    %and3A_133 = arith.andi %get3A_130, %and3A_132 : vector<16xi32>
    %swap3A_134 = arith.constant 0 : i32
    %swap3A_135 = arith.index_cast %swap3A_134 : i32 to index
    %swap3A_136 = arith.constant 32 : index
    %swap3A_137 = tpu.vector_load %arg7[%swap3A_135, %swap3A_136] {strides = array<i32>} : memref<2x128xi32, #tpu.memory_space<vmem>>, vector<1x16xi32>,
    %swap3A_138 = vector.shape_cast %swap3A_137 : vector<1x16xi32> to vector<16xi32>
    %swap3A_139 = vector.shape_cast %and3A_133 : vector<16xi32> to vector<1x16xi32>
    tpu.vector_store %arg7[%swap3A_135, %swap3A_136], %swap3A_139 {strides = array<i32>} : memref<2x128xi32, #tpu.memory_space<vmem>>, vector<1x16xi32>,
    %shift_right_logical3A_140 = arith.constant 14 : i32
    %shift_right_logical3A_141 = vector.broadcast %shift_right_logical3A_140 : i32 to vector<16xi32>
    %shift_right_logical3A_142 = arith.shrui %get3A_130, %shift_right_logical3A_141 : vector<16xi32>
    %swap3A_143 = arith.constant 0 : i32
    %swap3A_144 = arith.index_cast %swap3A_143 : i32 to index
    %swap3A_145 = arith.constant 32 : index
    %swap3A_146 = tpu.vector_load %arg8[%swap3A_144, %swap3A_145] {strides = array<i32>} : memref<2x128xi32, #tpu.memory_space<vmem>>, vector<1x16xi32>,
    %swap3A_147 = vector.shape_cast %swap3A_146 : vector<1x16xi32> to vector<16xi32>
    %swap3A_148 = vector.shape_cast %shift_right_logical3A_142 : vector<16xi32> to vector<1x16xi32>
    tpu.vector_store %arg8[%swap3A_144, %swap3A_145], %swap3A_148 {strides = array<i32>} : memref<2x128xi32, #tpu.memory_space<vmem>>, vector<1x16xi32>,
    %get3A_149 = arith.constant 0 : i32
    %get3A_150 = arith.index_cast %get3A_149 : i32 to index
    %get3A_151 = arith.constant 48 : index
    %get3A_152 = tpu.vector_load %arg6[%get3A_150, %get3A_151] {strides = array<i32>} : memref<80x128xi32, #tpu.memory_space<vmem>>, vector<1x16xi32>,
    %get3A_153 = vector.shape_cast %get3A_152 : vector<1x16xi32> to vector<16xi32>
    %and3A_154 = arith.constant 16383 : i32
    %and3A_155 = vector.broadcast %and3A_154 : i32 to vector<16xi32>
    %and3A_156 = arith.andi %get3A_153, %and3A_155 : vector<16xi32>
    %swap3A_157 = arith.constant 0 : i32
    %swap3A_158 = arith.index_cast %swap3A_157 : i32 to index
    %swap3A_159 = arith.constant 48 : index
    %swap3A_160 = tpu.vector_load %arg7[%swap3A_158, %swap3A_159] {strides = array<i32>} : memref<2x128xi32, #tpu.memory_space<vmem>>, vector<1x16xi32>,
    %swap3A_161 = vector.shape_cast %swap3A_160 : vector<1x16xi32> to vector<16xi32>
    %swap3A_162 = vector.shape_cast %and3A_156 : vector<16xi32> to vector<1x16xi32>
    tpu.vector_store %arg7[%swap3A_158, %swap3A_159], %swap3A_162 {strides = array<i32>} : memref<2x128xi32, #tpu.memory_space<vmem>>, vector<1x16xi32>,
    %shift_right_logical3A_163 = arith.constant 14 : i32
    %shift_right_logical3A_164 = vector.broadcast %shift_right_logical3A_163 : i32 to vector<16xi32>
    %shift_right_logical3A_165 = arith.shrui %get3A_153, %shift_right_logical3A_164 : vector<16xi32>
    %swap3A_166 = arith.constant 0 : i32
    %swap3A_167 = arith.index_cast %swap3A_166 : i32 to index
    %swap3A_168 = arith.constant 48 : index
    %swap3A_169 = tpu.vector_load %arg8[%swap3A_167, %swap3A_168] {strides = array<i32>} : memref<2x128xi32, #tpu.memory_space<vmem>>, vector<1x16xi32>,
    %swap3A_170 = vector.shape_cast %swap3A_169 : vector<1x16xi32> to vector<16xi32>
    %swap3A_171 = vector.shape_cast %shift_right_logical3A_165 : vector<16xi32> to vector<1x16xi32>
    tpu.vector_store %arg8[%swap3A_167, %swap3A_168], %swap3A_171 {strides = array<i32>} : memref<2x128xi32, #tpu.memory_space<vmem>>, vector<1x16xi32>,
    %get3A_172 = arith.constant 0 : i32
    %get3A_173 = arith.index_cast %get3A_172 : i32 to index
    %get3A_174 = arith.constant 64 : index
    %get3A_175 = tpu.vector_load %arg6[%get3A_173, %get3A_174] {strides = array<i32>} : memref<80x128xi32, #tpu.memory_space<vmem>>, vector<1x16xi32>,
    %get3A_176 = vector.shape_cast %get3A_175 : vector<1x16xi32> to vector<16xi32>
    %and3A_177 = arith.constant 16383 : i32
    %and3A_178 = vector.broadcast %and3A_177 : i32 to vector<16xi32>
    %and3A_179 = arith.andi %get3A_176, %and3A_178 : vector<16xi32>
    %swap3A_180 = arith.constant 0 : i32
    %swap3A_181 = arith.index_cast %swap3A_180 : i32 to index
    %swap3A_182 = arith.constant 64 : index
    %swap3A_183 = tpu.vector_load %arg7[%swap3A_181, %swap3A_182] {strides = array<i32>} : memref<2x128xi32, #tpu.memory_space<vmem>>, vector<1x16xi32>,
    %swap3A_184 = vector.shape_cast %swap3A_183 : vector<1x16xi32> to vector<16xi32>
    %swap3A_185 = vector.shape_cast %and3A_179 : vector<16xi32> to vector<1x16xi32>
    tpu.vector_store %arg7[%swap3A_181, %swap3A_182], %swap3A_185 {strides = array<i32>} : memref<2x128xi32, #tpu.memory_space<vmem>>, vector<1x16xi32>,
    %shift_right_logical3A_186 = arith.constant 14 : i32
    %shift_right_logical3A_187 = vector.broadcast %shift_right_logical3A_186 : i32 to vector<16xi32>
    %shift_right_logical3A_188 = arith.shrui %get3A_176, %shift_right_logical3A_187 : vector<16xi32>
    %swap3A_189 = arith.constant 0 : i32
    %swap3A_190 = arith.index_cast %swap3A_189 : i32 to index
    %swap3A_191 = arith.constant 64 : index
    %swap3A_192 = tpu.vector_load %arg8[%swap3A_190, %swap3A_191] {strides = array<i32>} : memref<2x128xi32, #tpu.memory_space<vmem>>, vector<1x16xi32>,
    %swap3A_193 = vector.shape_cast %swap3A_192 : vector<1x16xi32> to vector<16xi32>
    %swap3A_194 = vector.shape_cast %shift_right_logical3A_188 : vector<16xi32> to vector<1x16xi32>
    tpu.vector_store %arg8[%swap3A_190, %swap3A_191], %swap3A_194 {strides = array<i32>} : memref<2x128xi32, #tpu.memory_space<vmem>>, vector<1x16xi32>,
    %get3A_195 = arith.constant 0 : i32
    %get3A_196 = arith.index_cast %get3A_195 : i32 to index
    %get3A_197 = arith.constant 80 : index
    %get3A_198 = tpu.vector_load %arg6[%get3A_196, %get3A_197] {strides = array<i32>} : memref<80x128xi32, #tpu.memory_space<vmem>>, vector<1x16xi32>,
    %get3A_199 = vector.shape_cast %get3A_198 : vector<1x16xi32> to vector<16xi32>
    %and3A_200 = arith.constant 16383 : i32
    %and3A_201 = vector.broadcast %and3A_200 : i32 to vector<16xi32>
    %and3A_202 = arith.andi %get3A_199, %and3A_201 : vector<16xi32>
    %swap3A_203 = arith.constant 0 : i32
    %swap3A_204 = arith.index_cast %swap3A_203 : i32 to index
    %swap3A_205 = arith.constant 80 : index
    %swap3A_206 = tpu.vector_load %arg7[%swap3A_204, %swap3A_205] {strides = array<i32>} : memref<2x128xi32, #tpu.memory_space<vmem>>, vector<1x16xi32>,
    %swap3A_207 = vector.shape_cast %swap3A_206 : vector<1x16xi32> to vector<16xi32>
    %swap3A_208 = vector.shape_cast %and3A_202 : vector<16xi32> to vector<1x16xi32>
    tpu.vector_store %arg7[%swap3A_204, %swap3A_205], %swap3A_208 {strides = array<i32>} : memref<2x128xi32, #tpu.memory_space<vmem>>, vector<1x16xi32>,
    %shift_right_logical3A_209 = arith.constant 14 : i32
    %shift_right_logical3A_210 = vector.broadcast %shift_right_logical3A_209 : i32 to vector<16xi32>
    %shift_right_logical3A_211 = arith.shrui %get3A_199, %shift_right_logical3A_210 : vector<16xi32>
    %swap3A_212 = arith.constant 0 : i32
    %swap3A_213 = arith.index_cast %swap3A_212 : i32 to index
    %swap3A_214 = arith.constant 80 : index
    %swap3A_215 = tpu.vector_load %arg8[%swap3A_213, %swap3A_214] {strides = array<i32>} : memref<2x128xi32, #tpu.memory_space<vmem>>, vector<1x16xi32>,
    %swap3A_216 = vector.shape_cast %swap3A_215 : vector<1x16xi32> to vector<16xi32>
    %swap3A_217 = vector.shape_cast %shift_right_logical3A_211 : vector<16xi32> to vector<1x16xi32>
    tpu.vector_store %arg8[%swap3A_213, %swap3A_214], %swap3A_217 {strides = array<i32>} : memref<2x128xi32, #tpu.memory_space<vmem>>, vector<1x16xi32>,
    %get3A_218 = arith.constant 0 : i32
    %get3A_219 = arith.index_cast %get3A_218 : i32 to index
    %get3A_220 = arith.constant 96 : index
    %get3A_221 = tpu.vector_load %arg6[%get3A_219, %get3A_220] {strides = array<i32>} : memref<80x128xi32, #tpu.memory_space<vmem>>, vector<1x16xi32>,
    %get3A_222 = vector.shape_cast %get3A_221 : vector<1x16xi32> to vector<16xi32>
    %and3A_223 = arith.constant 16383 : i32
    %and3A_224 = vector.broadcast %and3A_223 : i32 to vector<16xi32>
    %and3A_225 = arith.andi %get3A_222, %and3A_224 : vector<16xi32>
    %swap3A_226 = arith.constant 0 : i32
    %swap3A_227 = arith.index_cast %swap3A_226 : i32 to index
    %swap3A_228 = arith.constant 96 : index
    %swap3A_229 = tpu.vector_load %arg7[%swap3A_227, %swap3A_228] {strides = array<i32>} : memref<2x128xi32, #tpu.memory_space<vmem>>, vector<1x16xi32>,
    %swap3A_230 = vector.shape_cast %swap3A_229 : vector<1x16xi32> to vector<16xi32>
    %swap3A_231 = vector.shape_cast %and3A_225 : vector<16xi32> to vector<1x16xi32>
    tpu.vector_store %arg7[%swap3A_227, %swap3A_228], %swap3A_231 {strides = array<i32>} : memref<2x128xi32, #tpu.memory_space<vmem>>, vector<1x16xi32>,
    %shift_right_logical3A_232 = arith.constant 14 : i32
    %shift_right_logical3A_233 = vector.broadcast %shift_right_logical3A_232 : i32 to vector<16xi32>
    %shift_right_logical3A_234 = arith.shrui %get3A_222, %shift_right_logical3A_233 : vector<16xi32>
    %swap3A_235 = arith.constant 0 : i32
    %swap3A_236 = arith.index_cast %swap3A_235 : i32 to index
    %swap3A_237 = arith.constant 96 : index
    %swap3A_238 = tpu.vector_load %arg8[%swap3A_236, %swap3A_237] {strides = array<i32>} : memref<2x128xi32, #tpu.memory_space<vmem>>, vector<1x16xi32>,
    %swap3A_239 = vector.shape_cast %swap3A_238 : vector<1x16xi32> to vector<16xi32>
    %swap3A_240 = vector.shape_cast %shift_right_logical3A_234 : vector<16xi32> to vector<1x16xi32>
    tpu.vector_store %arg8[%swap3A_236, %swap3A_237], %swap3A_240 {strides = array<i32>} : memref<2x128xi32, #tpu.memory_space<vmem>>, vector<1x16xi32>,
    %get3A_241 = arith.constant 0 : i32
    %get3A_242 = arith.index_cast %get3A_241 : i32 to index
    %get3A_243 = arith.constant 112 : index
    %get3A_244 = tpu.vector_load %arg6[%get3A_242, %get3A_243] {strides = array<i32>} : memref<80x128xi32, #tpu.memory_space<vmem>>, vector<1x16xi32>,
    %get3A_245 = vector.shape_cast %get3A_244 : vector<1x16xi32> to vector<16xi32>
    %and3A_246 = arith.constant 16383 : i32
    %and3A_247 = vector.broadcast %and3A_246 : i32 to vector<16xi32>
    %and3A_248 = arith.andi %get3A_245, %and3A_247 : vector<16xi32>
    %swap3A_249 = arith.constant 0 : i32
    %swap3A_250 = arith.index_cast %swap3A_249 : i32 to index
    %swap3A_251 = arith.constant 112 : index
    %swap3A_252 = tpu.vector_load %arg7[%swap3A_250, %swap3A_251] {strides = array<i32>} : memref<2x128xi32, #tpu.memory_space<vmem>>, vector<1x16xi32>,
    %swap3A_253 = vector.shape_cast %swap3A_252 : vector<1x16xi32> to vector<16xi32>
    %swap3A_254 = vector.shape_cast %and3A_248 : vector<16xi32> to vector<1x16xi32>
    tpu.vector_store %arg7[%swap3A_250, %swap3A_251], %swap3A_254 {strides = array<i32>} : memref<2x128xi32, #tpu.memory_space<vmem>>, vector<1x16xi32>,
    %shift_right_logical3A_255 = arith.constant 14 : i32
    %shift_right_logical3A_256 = vector.broadcast %shift_right_logical3A_255 : i32 to vector<16xi32>
    %shift_right_logical3A_257 = arith.shrui %get3A_245, %shift_right_logical3A_256 : vector<16xi32>
    %swap3A_258 = arith.constant 0 : i32
    %swap3A_259 = arith.index_cast %swap3A_258 : i32 to index
    %swap3A_260 = arith.constant 112 : index
    %swap3A_261 = tpu.vector_load %arg8[%swap3A_259, %swap3A_260] {strides = array<i32>} : memref<2x128xi32, #tpu.memory_space<vmem>>, vector<1x16xi32>,
    %swap3A_262 = vector.shape_cast %swap3A_261 : vector<1x16xi32> to vector<16xi32>
    %swap3A_263 = vector.shape_cast %shift_right_logical3A_257 : vector<16xi32> to vector<1x16xi32>
    tpu.vector_store %arg8[%swap3A_259, %swap3A_260], %swap3A_263 {strides = array<i32>} : memref<2x128xi32, #tpu.memory_space<vmem>>, vector<1x16xi32>,
    %dma_start3A_264 = arith.constant 0 : i32
    %dma_start3A_265 = arith.constant 0 : i32
    %dma_start3A_266 = tpu.memref_slice %arg7[%dma_start3A_264, %dma_start3A_265] : memref<2x128xi32, #tpu.memory_space<vmem>> -> memref<1x128xi32, #tpu.memory_space<vmem>>
    %dma_start3A_267 = tpu.memref_squeeze %dma_start3A_266 : memref<1x128xi32, #tpu.memory_space<vmem>> -> memref<128xi32, #tpu.memory_space<vmem>>
    %dma_start3A_268 = arith.constant 0 : i32
    %dma_start3A_269 = arith.constant 0 : i32
    %dma_start3A_270 = tpu.memref_slice %arg2[%dma_start3A_268, %dma_start3A_269] : memref<10000x128xf32, #tpu.memory_space<hbm>> -> memref<10000x128xf32, #tpu.memory_space<hbm>>
    tpu.enqueue_indirect_dma source(%dma_start3A_270 : memref<10000x128xf32, #tpu.memory_space<hbm>>) target(%arg10 : memref<128x128xf32, #tpu.memory_space<vmem>>) offsets(%dma_start3A_267 : memref<128xi32, #tpu.memory_space<vmem>>) semaphore(%arg13 : memref<!tpu.dma_semaphore, #tpu.memory_space<semaphore_mem>>)
    %get3A_271 = arith.constant 1 : i32
    %get3A_272 = arith.index_cast %get3A_271 : i32 to index
    %get3A_273 = arith.constant 0 : index
    %get3A_274 = tpu.vector_load %arg6[%get3A_272, %get3A_273] {strides = array<i32>} : memref<80x128xi32, #tpu.memory_space<vmem>>, vector<1x16xi32>,
    %get3A_275 = vector.shape_cast %get3A_274 : vector<1x16xi32> to vector<16xi32>
    %and3A_276 = arith.constant 16383 : i32
    %and3A_277 = vector.broadcast %and3A_276 : i32 to vector<16xi32>
    %and3A_278 = arith.andi %get3A_275, %and3A_277 : vector<16xi32>
    %swap3A_279 = arith.constant 1 : i32
    %swap3A_280 = arith.index_cast %swap3A_279 : i32 to index
    %swap3A_281 = arith.constant 0 : index
    %swap3A_282 = tpu.vector_load %arg7[%swap3A_280, %swap3A_281] {strides = array<i32>} : memref<2x128xi32, #tpu.memory_space<vmem>>, vector<1x16xi32>,
    %swap3A_283 = vector.shape_cast %swap3A_282 : vector<1x16xi32> to vector<16xi32>
    %swap3A_284 = vector.shape_cast %and3A_278 : vector<16xi32> to vector<1x16xi32>
    tpu.vector_store %arg7[%swap3A_280, %swap3A_281], %swap3A_284 {strides = array<i32>} : memref<2x128xi32, #tpu.memory_space<vmem>>, vector<1x16xi32>,
    %shift_right_logical3A_285 = arith.constant 14 : i32
    %shift_right_logical3A_286 = vector.broadcast %shift_right_logical3A_285 : i32 to vector<16xi32>
    %shift_right_logical3A_287 = arith.shrui %get3A_275, %shift_right_logical3A_286 : vector<16xi32>
    %swap3A_288 = arith.constant 1 : i32
    %swap3A_289 = arith.index_cast %swap3A_288 : i32 to index
    %swap3A_290 = arith.constant 0 : index
    %swap3A_291 = tpu.vector_load %arg8[%swap3A_289, %swap3A_290] {strides = array<i32>} : memref<2x128xi32, #tpu.memory_space<vmem>>, vector<1x16xi32>,
    %swap3A_292 = vector.shape_cast %swap3A_291 : vector<1x16xi32> to vector<16xi32>
    %swap3A_293 = vector.shape_cast %shift_right_logical3A_287 : vector<16xi32> to vector<1x16xi32>
    tpu.vector_store %arg8[%swap3A_289, %swap3A_290], %swap3A_293 {strides = array<i32>} : memref<2x128xi32, #tpu.memory_space<vmem>>, vector<1x16xi32>,
    %get3A_294 = arith.constant 1 : i32
    %get3A_295 = arith.index_cast %get3A_294 : i32 to index
    %get3A_296 = arith.constant 16 : index
    %get3A_297 = tpu.vector_load %arg6[%get3A_295, %get3A_296] {strides = array<i32>} : memref<80x128xi32, #tpu.memory_space<vmem>>, vector<1x16xi32>,
    %get3A_298 = vector.shape_cast %get3A_297 : vector<1x16xi32> to vector<16xi32>
    %and3A_299 = arith.constant 16383 : i32
    %and3A_300 = vector.broadcast %and3A_299 : i32 to vector<16xi32>
    %and3A_301 = arith.andi %get3A_298, %and3A_300 : vector<16xi32>
    %swap3A_302 = arith.constant 1 : i32
    %swap3A_303 = arith.index_cast %swap3A_302 : i32 to index
    %swap3A_304 = arith.constant 16 : index
    %swap3A_305 = tpu.vector_load %arg7[%swap3A_303, %swap3A_304] {strides = array<i32>} : memref<2x128xi32, #tpu.memory_space<vmem>>, vector<1x16xi32>,
    %swap3A_306 = vector.shape_cast %swap3A_305 : vector<1x16xi32> to vector<16xi32>
    %swap3A_307 = vector.shape_cast %and3A_301 : vector<16xi32> to vector<1x16xi32>
    tpu.vector_store %arg7[%swap3A_303, %swap3A_304], %swap3A_307 {strides = array<i32>} : memref<2x128xi32, #tpu.memory_space<vmem>>, vector<1x16xi32>,
    %shift_right_logical3A_308 = arith.constant 14 : i32
    %shift_right_logical3A_309 = vector.broadcast %shift_right_logical3A_308 : i32 to vector<16xi32>
    %shift_right_logical3A_310 = arith.shrui %get3A_298, %shift_right_logical3A_309 : vector<16xi32>
    %swap3A_311 = arith.constant 1 : i32
    %swap3A_312 = arith.index_cast %swap3A_311 : i32 to index
    %swap3A_313 = arith.constant 16 : index
    %swap3A_314 = tpu.vector_load %arg8[%swap3A_312, %swap3A_313] {strides = array<i32>} : memref<2x128xi32, #tpu.memory_space<vmem>>, vector<1x16xi32>,
    %swap3A_315 = vector.shape_cast %swap3A_314 : vector<1x16xi32> to vector<16xi32>
    %swap3A_316 = vector.shape_cast %shift_right_logical3A_310 : vector<16xi32> to vector<1x16xi32>
    tpu.vector_store %arg8[%swap3A_312, %swap3A_313], %swap3A_316 {strides = array<i32>} : memref<2x128xi32, #tpu.memory_space<vmem>>, vector<1x16xi32>,
    %get3A_317 = arith.constant 1 : i32
    %get3A_318 = arith.index_cast %get3A_317 : i32 to index
    %get3A_319 = arith.constant 32 : index
    %get3A_320 = tpu.vector_load %arg6[%get3A_318, %get3A_319] {strides = array<i32>} : memref<80x128xi32, #tpu.memory_space<vmem>>, vector<1x16xi32>,
    %get3A_321 = vector.shape_cast %get3A_320 : vector<1x16xi32> to vector<16xi32>
    %and3A_322 = arith.constant 16383 : i32
    %and3A_323 = vector.broadcast %and3A_322 : i32 to vector<16xi32>
    %and3A_324 = arith.andi %get3A_321, %and3A_323 : vector<16xi32>
    %swap3A_325 = arith.constant 1 : i32
    %swap3A_326 = arith.index_cast %swap3A_325 : i32 to index
    %swap3A_327 = arith.constant 32 : index
    %swap3A_328 = tpu.vector_load %arg7[%swap3A_326, %swap3A_327] {strides = array<i32>} : memref<2x128xi32, #tpu.memory_space<vmem>>, vector<1x16xi32>,
    %swap3A_329 = vector.shape_cast %swap3A_328 : vector<1x16xi32> to vector<16xi32>
    %swap3A_330 = vector.shape_cast %and3A_324 : vector<16xi32> to vector<1x16xi32>
    tpu.vector_store %arg7[%swap3A_326, %swap3A_327], %swap3A_330 {strides = array<i32>} : memref<2x128xi32, #tpu.memory_space<vmem>>, vector<1x16xi32>,
    %shift_right_logical3A_331 = arith.constant 14 : i32
    %shift_right_logical3A_332 = vector.broadcast %shift_right_logical3A_331 : i32 to vector<16xi32>
    %shift_right_logical3A_333 = arith.shrui %get3A_321, %shift_right_logical3A_332 : vector<16xi32>
    %swap3A_334 = arith.constant 1 : i32
    %swap3A_335 = arith.index_cast %swap3A_334 : i32 to index
    %swap3A_336 = arith.constant 32 : index
    %swap3A_337 = tpu.vector_load %arg8[%swap3A_335, %swap3A_336] {strides = array<i32>} : memref<2x128xi32, #tpu.memory_space<vmem>>, vector<1x16xi32>,
    %swap3A_338 = vector.shape_cast %swap3A_337 : vector<1x16xi32> to vector<16xi32>
    %swap3A_339 = vector.shape_cast %shift_right_logical3A_333 : vector<16xi32> to vector<1x16xi32>
    tpu.vector_store %arg8[%swap3A_335, %swap3A_336], %swap3A_339 {strides = array<i32>} : memref<2x128xi32, #tpu.memory_space<vmem>>, vector<1x16xi32>,
    %get3A_340 = arith.constant 1 : i32
    %get3A_341 = arith.index_cast %get3A_340 : i32 to index
    %get3A_342 = arith.constant 48 : index
    %get3A_343 = tpu.vector_load %arg6[%get3A_341, %get3A_342] {strides = array<i32>} : memref<80x128xi32, #tpu.memory_space<vmem>>, vector<1x16xi32>,
    %get3A_344 = vector.shape_cast %get3A_343 : vector<1x16xi32> to vector<16xi32>
    %and3A_345 = arith.constant 16383 : i32
    %and3A_346 = vector.broadcast %and3A_345 : i32 to vector<16xi32>
    %and3A_347 = arith.andi %get3A_344, %and3A_346 : vector<16xi32>
    %swap3A_348 = arith.constant 1 : i32
    %swap3A_349 = arith.index_cast %swap3A_348 : i32 to index
    %swap3A_350 = arith.constant 48 : index
    %swap3A_351 = tpu.vector_load %arg7[%swap3A_349, %swap3A_350] {strides = array<i32>} : memref<2x128xi32, #tpu.memory_space<vmem>>, vector<1x16xi32>,
    %swap3A_352 = vector.shape_cast %swap3A_351 : vector<1x16xi32> to vector<16xi32>
    %swap3A_353 = vector.shape_cast %and3A_347 : vector<16xi32> to vector<1x16xi32>
    tpu.vector_store %arg7[%swap3A_349, %swap3A_350], %swap3A_353 {strides = array<i32>} : memref<2x128xi32, #tpu.memory_space<vmem>>, vector<1x16xi32>,
    %shift_right_logical3A_354 = arith.constant 14 : i32
    %shift_right_logical3A_355 = vector.broadcast %shift_right_logical3A_354 : i32 to vector<16xi32>
    %shift_right_logical3A_356 = arith.shrui %get3A_344, %shift_right_logical3A_355 : vector<16xi32>
    %swap3A_357 = arith.constant 1 : i32
    %swap3A_358 = arith.index_cast %swap3A_357 : i32 to index
    %swap3A_359 = arith.constant 48 : index
    %swap3A_360 = tpu.vector_load %arg8[%swap3A_358, %swap3A_359] {strides = array<i32>} : memref<2x128xi32, #tpu.memory_space<vmem>>, vector<1x16xi32>,
    %swap3A_361 = vector.shape_cast %swap3A_360 : vector<1x16xi32> to vector<16xi32>
    %swap3A_362 = vector.shape_cast %shift_right_logical3A_356 : vector<16xi32> to vector<1x16xi32>
    tpu.vector_store %arg8[%swap3A_358, %swap3A_359], %swap3A_362 {strides = array<i32>} : memref<2x128xi32, #tpu.memory_space<vmem>>, vector<1x16xi32>,
    %get3A_363 = arith.constant 1 : i32
    %get3A_364 = arith.index_cast %get3A_363 : i32 to index
    %get3A_365 = arith.constant 64 : index
    %get3A_366 = tpu.vector_load %arg6[%get3A_364, %get3A_365] {strides = array<i32>} : memref<80x128xi32, #tpu.memory_space<vmem>>, vector<1x16xi32>,
    %get3A_367 = vector.shape_cast %get3A_366 : vector<1x16xi32> to vector<16xi32>
    %and3A_368 = arith.constant 16383 : i32
    %and3A_369 = vector.broadcast %and3A_368 : i32 to vector<16xi32>
    %and3A_370 = arith.andi %get3A_367, %and3A_369 : vector<16xi32>
    %swap3A_371 = arith.constant 1 : i32
    %swap3A_372 = arith.index_cast %swap3A_371 : i32 to index
    %swap3A_373 = arith.constant 64 : index
    %swap3A_374 = tpu.vector_load %arg7[%swap3A_372, %swap3A_373] {strides = array<i32>} : memref<2x128xi32, #tpu.memory_space<vmem>>, vector<1x16xi32>,
    %swap3A_375 = vector.shape_cast %swap3A_374 : vector<1x16xi32> to vector<16xi32>
    %swap3A_376 = vector.shape_cast %and3A_370 : vector<16xi32> to vector<1x16xi32>
    tpu.vector_store %arg7[%swap3A_372, %swap3A_373], %swap3A_376 {strides = array<i32>} : memref<2x128xi32, #tpu.memory_space<vmem>>, vector<1x16xi32>,
    %shift_right_logical3A_377 = arith.constant 14 : i32
    %shift_right_logical3A_378 = vector.broadcast %shift_right_logical3A_377 : i32 to vector<16xi32>
    %shift_right_logical3A_379 = arith.shrui %get3A_367, %shift_right_logical3A_378 : vector<16xi32>
    %swap3A_380 = arith.constant 1 : i32
    %swap3A_381 = arith.index_cast %swap3A_380 : i32 to index
    %swap3A_382 = arith.constant 64 : index
    %swap3A_383 = tpu.vector_load %arg8[%swap3A_381, %swap3A_382] {strides = array<i32>} : memref<2x128xi32, #tpu.memory_space<vmem>>, vector<1x16xi32>,
    %swap3A_384 = vector.shape_cast %swap3A_383 : vector<1x16xi32> to vector<16xi32>
    %swap3A_385 = vector.shape_cast %shift_right_logical3A_379 : vector<16xi32> to vector<1x16xi32>
    tpu.vector_store %arg8[%swap3A_381, %swap3A_382], %swap3A_385 {strides = array<i32>} : memref<2x128xi32, #tpu.memory_space<vmem>>, vector<1x16xi32>,
    %get3A_386 = arith.constant 1 : i32
    %get3A_387 = arith.index_cast %get3A_386 : i32 to index
    %get3A_388 = arith.constant 80 : index
    %get3A_389 = tpu.vector_load %arg6[%get3A_387, %get3A_388] {strides = array<i32>} : memref<80x128xi32, #tpu.memory_space<vmem>>, vector<1x16xi32>,
    %get3A_390 = vector.shape_cast %get3A_389 : vector<1x16xi32> to vector<16xi32>
    %and3A_391 = arith.constant 16383 : i32
    %and3A_392 = vector.broadcast %and3A_391 : i32 to vector<16xi32>
    %and3A_393 = arith.andi %get3A_390, %and3A_392 : vector<16xi32>
    %swap3A_394 = arith.constant 1 : i32
    %swap3A_395 = arith.index_cast %swap3A_394 : i32 to index
    %swap3A_396 = arith.constant 80 : index
    %swap3A_397 = tpu.vector_load %arg7[%swap3A_395, %swap3A_396] {strides = array<i32>} : memref<2x128xi32, #tpu.memory_space<vmem>>, vector<1x16xi32>,
    %swap3A_398 = vector.shape_cast %swap3A_397 : vector<1x16xi32> to vector<16xi32>
    %swap3A_399 = vector.shape_cast %and3A_393 : vector<16xi32> to vector<1x16xi32>
    tpu.vector_store %arg7[%swap3A_395, %swap3A_396], %swap3A_399 {strides = array<i32>} : memref<2x128xi32, #tpu.memory_space<vmem>>, vector<1x16xi32>,
    %shift_right_logical3A_400 = arith.constant 14 : i32
    %shift_right_logical3A_401 = vector.broadcast %shift_right_logical3A_400 : i32 to vector<16xi32>
    %shift_right_logical3A_402 = arith.shrui %get3A_390, %shift_right_logical3A_401 : vector<16xi32>
    %swap3A_403 = arith.constant 1 : i32
    %swap3A_404 = arith.index_cast %swap3A_403 : i32 to index
    %swap3A_405 = arith.constant 80 : index
    %swap3A_406 = tpu.vector_load %arg8[%swap3A_404, %swap3A_405] {strides = array<i32>} : memref<2x128xi32, #tpu.memory_space<vmem>>, vector<1x16xi32>,
    %swap3A_407 = vector.shape_cast %swap3A_406 : vector<1x16xi32> to vector<16xi32>
    %swap3A_408 = vector.shape_cast %shift_right_logical3A_402 : vector<16xi32> to vector<1x16xi32>
    tpu.vector_store %arg8[%swap3A_404, %swap3A_405], %swap3A_408 {strides = array<i32>} : memref<2x128xi32, #tpu.memory_space<vmem>>, vector<1x16xi32>,
    %get3A_409 = arith.constant 1 : i32
    %get3A_410 = arith.index_cast %get3A_409 : i32 to index
    %get3A_411 = arith.constant 96 : index
    %get3A_412 = tpu.vector_load %arg6[%get3A_410, %get3A_411] {strides = array<i32>} : memref<80x128xi32, #tpu.memory_space<vmem>>, vector<1x16xi32>,
    %get3A_413 = vector.shape_cast %get3A_412 : vector<1x16xi32> to vector<16xi32>
    %and3A_414 = arith.constant 16383 : i32
    %and3A_415 = vector.broadcast %and3A_414 : i32 to vector<16xi32>
    %and3A_416 = arith.andi %get3A_413, %and3A_415 : vector<16xi32>
    %swap3A_417 = arith.constant 1 : i32
    %swap3A_418 = arith.index_cast %swap3A_417 : i32 to index
    %swap3A_419 = arith.constant 96 : index
    %swap3A_420 = tpu.vector_load %arg7[%swap3A_418, %swap3A_419] {strides = array<i32>} : memref<2x128xi32, #tpu.memory_space<vmem>>, vector<1x16xi32>,
    %swap3A_421 = vector.shape_cast %swap3A_420 : vector<1x16xi32> to vector<16xi32>
    %swap3A_422 = vector.shape_cast %and3A_416 : vector<16xi32> to vector<1x16xi32>
    tpu.vector_store %arg7[%swap3A_418, %swap3A_419], %swap3A_422 {strides = array<i32>} : memref<2x128xi32, #tpu.memory_space<vmem>>, vector<1x16xi32>,
    %shift_right_logical3A_423 = arith.constant 14 : i32
    %shift_right_logical3A_424 = vector.broadcast %shift_right_logical3A_423 : i32 to vector<16xi32>
    %shift_right_logical3A_425 = arith.shrui %get3A_413, %shift_right_logical3A_424 : vector<16xi32>
    %swap3A_426 = arith.constant 1 : i32
    %swap3A_427 = arith.index_cast %swap3A_426 : i32 to index
    %swap3A_428 = arith.constant 96 : index
    %swap3A_429 = tpu.vector_load %arg8[%swap3A_427, %swap3A_428] {strides = array<i32>} : memref<2x128xi32, #tpu.memory_space<vmem>>, vector<1x16xi32>,
    %swap3A_430 = vector.shape_cast %swap3A_429 : vector<1x16xi32> to vector<16xi32>
    %swap3A_431 = vector.shape_cast %shift_right_logical3A_425 : vector<16xi32> to vector<1x16xi32>
    tpu.vector_store %arg8[%swap3A_427, %swap3A_428], %swap3A_431 {strides = array<i32>} : memref<2x128xi32, #tpu.memory_space<vmem>>, vector<1x16xi32>,
    %get3A_432 = arith.constant 1 : i32
    %get3A_433 = arith.index_cast %get3A_432 : i32 to index
    %get3A_434 = arith.constant 112 : index
    %get3A_435 = tpu.vector_load %arg6[%get3A_433, %get3A_434] {strides = array<i32>} : memref<80x128xi32, #tpu.memory_space<vmem>>, vector<1x16xi32>,
    %get3A_436 = vector.shape_cast %get3A_435 : vector<1x16xi32> to vector<16xi32>
    %and3A_437 = arith.constant 16383 : i32
    %and3A_438 = vector.broadcast %and3A_437 : i32 to vector<16xi32>
    %and3A_439 = arith.andi %get3A_436, %and3A_438 : vector<16xi32>
    %swap3A_440 = arith.constant 1 : i32
    %swap3A_441 = arith.index_cast %swap3A_440 : i32 to index
    %swap3A_442 = arith.constant 112 : index
    %swap3A_443 = tpu.vector_load %arg7[%swap3A_441, %swap3A_442] {strides = array<i32>} : memref<2x128xi32, #tpu.memory_space<vmem>>, vector<1x16xi32>,
    %swap3A_444 = vector.shape_cast %swap3A_443 : vector<1x16xi32> to vector<16xi32>
    %swap3A_445 = vector.shape_cast %and3A_439 : vector<16xi32> to vector<1x16xi32>
    tpu.vector_store %arg7[%swap3A_441, %swap3A_442], %swap3A_445 {strides = array<i32>} : memref<2x128xi32, #tpu.memory_space<vmem>>, vector<1x16xi32>,
    %shift_right_logical3A_446 = arith.constant 14 : i32
    %shift_right_logical3A_447 = vector.broadcast %shift_right_logical3A_446 : i32 to vector<16xi32>
    %shift_right_logical3A_448 = arith.shrui %get3A_436, %shift_right_logical3A_447 : vector<16xi32>
    %swap3A_449 = arith.constant 1 : i32
    %swap3A_450 = arith.index_cast %swap3A_449 : i32 to index
    %swap3A_451 = arith.constant 112 : index
    %swap3A_452 = tpu.vector_load %arg8[%swap3A_450, %swap3A_451] {strides = array<i32>} : memref<2x128xi32, #tpu.memory_space<vmem>>, vector<1x16xi32>,
    %swap3A_453 = vector.shape_cast %swap3A_452 : vector<1x16xi32> to vector<16xi32>
    %swap3A_454 = vector.shape_cast %shift_right_logical3A_448 : vector<16xi32> to vector<1x16xi32>
    tpu.vector_store %arg8[%swap3A_450, %swap3A_451], %swap3A_454 {strides = array<i32>} : memref<2x128xi32, #tpu.memory_space<vmem>>, vector<1x16xi32>,
    %scan3A_455 = arith.constant 0 : i32
    %scan3A_456 = arith.constant 0 : i32
    %scan3A_457 = arith.constant 40 : i32
    %scan3A_458 = arith.addi %scan3A_456, %scan3A_457 : i32
    %scan3A_459 = arith.constant 1 : i32
    scf.for %scan3A_469 = %scan3A_456 to %scan3A_458 step %scan3A_459  : i32 {
      %mul3A_470 = arith.constant 2 : i32
      %mul3A_471 = arith.muli %mul3A_470, %scan3A_469 : i32
      %add3A_472 = arith.constant 1 : i32
      %add3A_473 = arith.addi %mul3A_471, %add3A_472 : i32
      %dma_start3A_474 = arith.constant 1 : i32
      %dma_start3A_475 = arith.constant 0 : i32
      %dma_start3A_476 = tpu.memref_slice %arg7[%dma_start3A_474, %dma_start3A_475] : memref<2x128xi32, #tpu.memory_space<vmem>> -> memref<1x128xi32, #tpu.memory_space<vmem>>
      %dma_start3A_477 = tpu.memref_squeeze %dma_start3A_476 : memref<1x128xi32, #tpu.memory_space<vmem>> -> memref<128xi32, #tpu.memory_space<vmem>>
      %dma_start3A_478 = arith.constant 0 : i32
      %dma_start3A_479 = arith.constant 0 : i32
      %dma_start3A_480 = tpu.memref_slice %arg2[%dma_start3A_478, %dma_start3A_479] : memref<10000x128xf32, #tpu.memory_space<hbm>> -> memref<10000x128xf32, #tpu.memory_space<hbm>>
      tpu.enqueue_indirect_dma source(%dma_start3A_480 : memref<10000x128xf32, #tpu.memory_space<hbm>>) target(%arg11 : memref<128x128xf32, #tpu.memory_space<vmem>>) offsets(%dma_start3A_477 : memref<128xi32, #tpu.memory_space<vmem>>) semaphore(%arg14 : memref<!tpu.dma_semaphore, #tpu.memory_space<semaphore_mem>>)
      %dma_wait3A_481 = arith.constant 0 : i32
      %dma_wait3A_482 = arith.constant 0 : i32
      %dma_wait3A_483 = tpu.memref_slice %arg7[%dma_wait3A_481, %dma_wait3A_482] : memref<2x128xi32, #tpu.memory_space<vmem>> -> memref<1x128xi32, #tpu.memory_space<vmem>>
      %dma_wait3A_484 = tpu.memref_squeeze %dma_wait3A_483 : memref<1x128xi32, #tpu.memory_space<vmem>> -> memref<128xi32, #tpu.memory_space<vmem>>
      %dma_wait3A_485 = arith.constant 0 : i32
      %dma_wait3A_486 = arith.constant 0 : i32
      %dma_wait3A_487 = tpu.memref_slice %arg2[%dma_wait3A_485, %dma_wait3A_486] : memref<10000x128xf32, #tpu.memory_space<hbm>> -> memref<10000x128xf32, #tpu.memory_space<hbm>>
      tpu.wait_indirect_dma semaphore(%arg13 : memref<!tpu.dma_semaphore, #tpu.memory_space<semaphore_mem>>) src(%dma_wait3A_487 : memref<10000x128xf32, #tpu.memory_space<hbm>>) dst(%arg10 : memref<128x128xf32, #tpu.memory_space<vmem>>)
      %run_scoped3A = arith.constant 0 : i32
      "tpu.region"() ({
        %run_scoped3A_505 = tpu.sem_alloc : memref<!tpu.dma_semaphore, #tpu.memory_space<semaphore_mem>>
        %dma_start3A_506 = arith.constant 0 : i32
        %dma_start3A_507 = tpu.memref_slice %arg8[%run_scoped3A, %dma_start3A_506] : memref<2x128xi32, #tpu.memory_space<vmem>> -> memref<1x128xi32, #tpu.memory_space<vmem>>
        %dma_start3A_508 = tpu.memref_squeeze %dma_start3A_507 : memref<1x128xi32, #tpu.memory_space<vmem>> -> memref<128xi32, #tpu.memory_space<vmem>>
        %dma_start3A_509 = arith.constant 0 : i32
        %dma_start3A_510 = arith.constant 0 : i32
        %dma_start3A_511 = tpu.memref_slice %arg12[%dma_start3A_509, %dma_start3A_510] : memref<10240x128xf32, #tpu.memory_space<vmem_shared>> -> memref<10240x128xf32, #tpu.memory_space<vmem_shared>>
        tpu.enqueue_indirect_dma source(%arg10 : memref<128x128xf32, #tpu.memory_space<vmem>>) target(%dma_start3A_511 : memref<10240x128xf32, #tpu.memory_space<vmem_shared>>) offsets(%dma_start3A_508 : memref<128xi32, #tpu.memory_space<vmem>>) semaphore(%run_scoped3A_505 : memref<!tpu.dma_semaphore, #tpu.memory_space<semaphore_mem>>) {add = true}
        %dma_wait3A_512 = arith.constant 0 : i32
        %dma_wait3A_513 = tpu.memref_slice %arg8[%run_scoped3A, %dma_wait3A_512] : memref<2x128xi32, #tpu.memory_space<vmem>> -> memref<1x128xi32, #tpu.memory_space<vmem>>
        %dma_wait3A_514 = tpu.memref_squeeze %dma_wait3A_513 : memref<1x128xi32, #tpu.memory_space<vmem>> -> memref<128xi32, #tpu.memory_space<vmem>>
        %dma_wait3A_515 = arith.constant 0 : i32
        %dma_wait3A_516 = arith.constant 0 : i32
        %dma_wait3A_517 = tpu.memref_slice %arg12[%dma_wait3A_515, %dma_wait3A_516] : memref<10240x128xf32, #tpu.memory_space<vmem_shared>> -> memref<10240x128xf32, #tpu.memory_space<vmem_shared>>
        tpu.wait_indirect_dma semaphore(%run_scoped3A_505 : memref<!tpu.dma_semaphore, #tpu.memory_space<semaphore_mem>>) src(%arg10 : memref<128x128xf32, #tpu.memory_space<vmem>>) dst(%dma_wait3A_517 : memref<10240x128xf32, #tpu.memory_space<vmem_shared>>)
        tpu.yield
      }) : () -> ()
      %lt3A = arith.constant 39 : i32
      %lt3A_488 = arith.cmpi slt, %scan3A_469, %lt3A : i32
      %convert_element_type3A_489 = arith.extui %lt3A_488 : i1 to i32
      %cond3A_490 = arith.constant 0 : i32
      %cond3A_491 = arith.cmpi ne, %convert_element_type3A_489, %cond3A_490 : i32
      scf.if %cond3A_491 {
        %add3A_505 = arith.constant 2 : i32
        %add3A_506 = arith.addi %mul3A_471, %add3A_505 : i32
        %get3A_507 = arith.index_cast %add3A_506 : i32 to index
        %get3A_508 = arith.constant 0 : index
        %get3A_509 = tpu.vector_load %arg6[%get3A_507, %get3A_508] {strides = array<i32>} : memref<80x128xi32, #tpu.memory_space<vmem>>, vector<1x16xi32>,
        %get3A_510 = vector.shape_cast %get3A_509 : vector<1x16xi32> to vector<16xi32>
        %and3A_511 = arith.constant 16383 : i32
        %and3A_512 = vector.broadcast %and3A_511 : i32 to vector<16xi32>
        %and3A_513 = arith.andi %get3A_510, %and3A_512 : vector<16xi32>
        %swap3A_514 = arith.constant 0 : i32
        %swap3A_515 = arith.index_cast %swap3A_514 : i32 to index
        %swap3A_516 = arith.constant 0 : index
        %swap3A_517 = tpu.vector_load %arg7[%swap3A_515, %swap3A_516] {strides = array<i32>} : memref<2x128xi32, #tpu.memory_space<vmem>>, vector<1x16xi32>,
        %swap3A_518 = vector.shape_cast %swap3A_517 : vector<1x16xi32> to vector<16xi32>
        %swap3A_519 = vector.shape_cast %and3A_513 : vector<16xi32> to vector<1x16xi32>
        tpu.vector_store %arg7[%swap3A_515, %swap3A_516], %swap3A_519 {strides = array<i32>} : memref<2x128xi32, #tpu.memory_space<vmem>>, vector<1x16xi32>,
        %shift_right_logical3A_520 = arith.constant 14 : i32
        %shift_right_logical3A_521 = vector.broadcast %shift_right_logical3A_520 : i32 to vector<16xi32>
        %shift_right_logical3A_522 = arith.shrui %get3A_510, %shift_right_logical3A_521 : vector<16xi32>
        %swap3A_523 = arith.constant 0 : i32
        %swap3A_524 = arith.index_cast %swap3A_523 : i32 to index
        %swap3A_525 = arith.constant 0 : index
        %swap3A_526 = tpu.vector_load %arg8[%swap3A_524, %swap3A_525] {strides = array<i32>} : memref<2x128xi32, #tpu.memory_space<vmem>>, vector<1x16xi32>,
        %swap3A_527 = vector.shape_cast %swap3A_526 : vector<1x16xi32> to vector<16xi32>
        %swap3A_528 = vector.shape_cast %shift_right_logical3A_522 : vector<16xi32> to vector<1x16xi32>
        tpu.vector_store %arg8[%swap3A_524, %swap3A_525], %swap3A_528 {strides = array<i32>} : memref<2x128xi32, #tpu.memory_space<vmem>>, vector<1x16xi32>,
        %get3A_529 = arith.index_cast %add3A_506 : i32 to index
        %get3A_530 = arith.constant 16 : index
        %get3A_531 = tpu.vector_load %arg6[%get3A_529, %get3A_530] {strides = array<i32>} : memref<80x128xi32, #tpu.memory_space<vmem>>, vector<1x16xi32>,
        %get3A_532 = vector.shape_cast %get3A_531 : vector<1x16xi32> to vector<16xi32>
        %and3A_533 = arith.constant 16383 : i32
        %and3A_534 = vector.broadcast %and3A_533 : i32 to vector<16xi32>
        %and3A_535 = arith.andi %get3A_532, %and3A_534 : vector<16xi32>
        %swap3A_536 = arith.constant 0 : i32
        %swap3A_537 = arith.index_cast %swap3A_536 : i32 to index
        %swap3A_538 = arith.constant 16 : index
        %swap3A_539 = tpu.vector_load %arg7[%swap3A_537, %swap3A_538] {strides = array<i32>} : memref<2x128xi32, #tpu.memory_space<vmem>>, vector<1x16xi32>,
        %swap3A_540 = vector.shape_cast %swap3A_539 : vector<1x16xi32> to vector<16xi32>
        %swap3A_541 = vector.shape_cast %and3A_535 : vector<16xi32> to vector<1x16xi32>
        tpu.vector_store %arg7[%swap3A_537, %swap3A_538], %swap3A_541 {strides = array<i32>} : memref<2x128xi32, #tpu.memory_space<vmem>>, vector<1x16xi32>,
        %shift_right_logical3A_542 = arith.constant 14 : i32
        %shift_right_logical3A_543 = vector.broadcast %shift_right_logical3A_542 : i32 to vector<16xi32>
        %shift_right_logical3A_544 = arith.shrui %get3A_532, %shift_right_logical3A_543 : vector<16xi32>
        %swap3A_545 = arith.constant 0 : i32
        %swap3A_546 = arith.index_cast %swap3A_545 : i32 to index
        %swap3A_547 = arith.constant 16 : index
        %swap3A_548 = tpu.vector_load %arg8[%swap3A_546, %swap3A_547] {strides = array<i32>} : memref<2x128xi32, #tpu.memory_space<vmem>>, vector<1x16xi32>,
        %swap3A_549 = vector.shape_cast %swap3A_548 : vector<1x16xi32> to vector<16xi32>
        %swap3A_550 = vector.shape_cast %shift_right_logical3A_544 : vector<16xi32> to vector<1x16xi32>
        tpu.vector_store %arg8[%swap3A_546, %swap3A_547], %swap3A_550 {strides = array<i32>} : memref<2x128xi32, #tpu.memory_space<vmem>>, vector<1x16xi32>,
        %get3A_551 = arith.index_cast %add3A_506 : i32 to index
        %get3A_552 = arith.constant 32 : index
        %get3A_553 = tpu.vector_load %arg6[%get3A_551, %get3A_552] {strides = array<i32>} : memref<80x128xi32, #tpu.memory_space<vmem>>, vector<1x16xi32>,
        %get3A_554 = vector.shape_cast %get3A_553 : vector<1x16xi32> to vector<16xi32>
        %and3A_555 = arith.constant 16383 : i32
        %and3A_556 = vector.broadcast %and3A_555 : i32 to vector<16xi32>
        %and3A_557 = arith.andi %get3A_554, %and3A_556 : vector<16xi32>
        %swap3A_558 = arith.constant 0 : i32
        %swap3A_559 = arith.index_cast %swap3A_558 : i32 to index
        %swap3A_560 = arith.constant 32 : index
        %swap3A_561 = tpu.vector_load %arg7[%swap3A_559, %swap3A_560] {strides = array<i32>} : memref<2x128xi32, #tpu.memory_space<vmem>>, vector<1x16xi32>,
        %swap3A_562 = vector.shape_cast %swap3A_561 : vector<1x16xi32> to vector<16xi32>
        %swap3A_563 = vector.shape_cast %and3A_557 : vector<16xi32> to vector<1x16xi32>
        tpu.vector_store %arg7[%swap3A_559, %swap3A_560], %swap3A_563 {strides = array<i32>} : memref<2x128xi32, #tpu.memory_space<vmem>>, vector<1x16xi32>,
        %shift_right_logical3A_564 = arith.constant 14 : i32
        %shift_right_logical3A_565 = vector.broadcast %shift_right_logical3A_564 : i32 to vector<16xi32>
        %shift_right_logical3A_566 = arith.shrui %get3A_554, %shift_right_logical3A_565 : vector<16xi32>
        %swap3A_567 = arith.constant 0 : i32
        %swap3A_568 = arith.index_cast %swap3A_567 : i32 to index
        %swap3A_569 = arith.constant 32 : index
        %swap3A_570 = tpu.vector_load %arg8[%swap3A_568, %swap3A_569] {strides = array<i32>} : memref<2x128xi32, #tpu.memory_space<vmem>>, vector<1x16xi32>,
        %swap3A_571 = vector.shape_cast %swap3A_570 : vector<1x16xi32> to vector<16xi32>
        %swap3A_572 = vector.shape_cast %shift_right_logical3A_566 : vector<16xi32> to vector<1x16xi32>
        tpu.vector_store %arg8[%swap3A_568, %swap3A_569], %swap3A_572 {strides = array<i32>} : memref<2x128xi32, #tpu.memory_space<vmem>>, vector<1x16xi32>,
        %get3A_573 = arith.index_cast %add3A_506 : i32 to index
        %get3A_574 = arith.constant 48 : index
        %get3A_575 = tpu.vector_load %arg6[%get3A_573, %get3A_574] {strides = array<i32>} : memref<80x128xi32, #tpu.memory_space<vmem>>, vector<1x16xi32>,
        %get3A_576 = vector.shape_cast %get3A_575 : vector<1x16xi32> to vector<16xi32>
        %and3A_577 = arith.constant 16383 : i32
        %and3A_578 = vector.broadcast %and3A_577 : i32 to vector<16xi32>
        %and3A_579 = arith.andi %get3A_576, %and3A_578 : vector<16xi32>
        %swap3A_580 = arith.constant 0 : i32
        %swap3A_581 = arith.index_cast %swap3A_580 : i32 to index
        %swap3A_582 = arith.constant 48 : index
        %swap3A_583 = tpu.vector_load %arg7[%swap3A_581, %swap3A_582] {strides = array<i32>} : memref<2x128xi32, #tpu.memory_space<vmem>>, vector<1x16xi32>,
        %swap3A_584 = vector.shape_cast %swap3A_583 : vector<1x16xi32> to vector<16xi32>
        %swap3A_585 = vector.shape_cast %and3A_579 : vector<16xi32> to vector<1x16xi32>
        tpu.vector_store %arg7[%swap3A_581, %swap3A_582], %swap3A_585 {strides = array<i32>} : memref<2x128xi32, #tpu.memory_space<vmem>>, vector<1x16xi32>,
        %shift_right_logical3A_586 = arith.constant 14 : i32
        %shift_right_logical3A_587 = vector.broadcast %shift_right_logical3A_586 : i32 to vector<16xi32>
        %shift_right_logical3A_588 = arith.shrui %get3A_576, %shift_right_logical3A_587 : vector<16xi32>
        %swap3A_589 = arith.constant 0 : i32
        %swap3A_590 = arith.index_cast %swap3A_589 : i32 to index
        %swap3A_591 = arith.constant 48 : index
        %swap3A_592 = tpu.vector_load %arg8[%swap3A_590, %swap3A_591] {strides = array<i32>} : memref<2x128xi32, #tpu.memory_space<vmem>>, vector<1x16xi32>,
        %swap3A_593 = vector.shape_cast %swap3A_592 : vector<1x16xi32> to vector<16xi32>
        %swap3A_594 = vector.shape_cast %shift_right_logical3A_588 : vector<16xi32> to vector<1x16xi32>
        tpu.vector_store %arg8[%swap3A_590, %swap3A_591], %swap3A_594 {strides = array<i32>} : memref<2x128xi32, #tpu.memory_space<vmem>>, vector<1x16xi32>,
        %get3A_595 = arith.index_cast %add3A_506 : i32 to index
        %get3A_596 = arith.constant 64 : index
        %get3A_597 = tpu.vector_load %arg6[%get3A_595, %get3A_596] {strides = array<i32>} : memref<80x128xi32, #tpu.memory_space<vmem>>, vector<1x16xi32>,
        %get3A_598 = vector.shape_cast %get3A_597 : vector<1x16xi32> to vector<16xi32>
        %and3A_599 = arith.constant 16383 : i32
        %and3A_600 = vector.broadcast %and3A_599 : i32 to vector<16xi32>
        %and3A_601 = arith.andi %get3A_598, %and3A_600 : vector<16xi32>
        %swap3A_602 = arith.constant 0 : i32
        %swap3A_603 = arith.index_cast %swap3A_602 : i32 to index
        %swap3A_604 = arith.constant 64 : index
        %swap3A_605 = tpu.vector_load %arg7[%swap3A_603, %swap3A_604] {strides = array<i32>} : memref<2x128xi32, #tpu.memory_space<vmem>>, vector<1x16xi32>,
        %swap3A_606 = vector.shape_cast %swap3A_605 : vector<1x16xi32> to vector<16xi32>
        %swap3A_607 = vector.shape_cast %and3A_601 : vector<16xi32> to vector<1x16xi32>
        tpu.vector_store %arg7[%swap3A_603, %swap3A_604], %swap3A_607 {strides = array<i32>} : memref<2x128xi32, #tpu.memory_space<vmem>>, vector<1x16xi32>,
        %shift_right_logical3A_608 = arith.constant 14 : i32
        %shift_right_logical3A_609 = vector.broadcast %shift_right_logical3A_608 : i32 to vector<16xi32>
        %shift_right_logical3A_610 = arith.shrui %get3A_598, %shift_right_logical3A_609 : vector<16xi32>
        %swap3A_611 = arith.constant 0 : i32
        %swap3A_612 = arith.index_cast %swap3A_611 : i32 to index
        %swap3A_613 = arith.constant 64 : index
        %swap3A_614 = tpu.vector_load %arg8[%swap3A_612, %swap3A_613] {strides = array<i32>} : memref<2x128xi32, #tpu.memory_space<vmem>>, vector<1x16xi32>,
        %swap3A_615 = vector.shape_cast %swap3A_614 : vector<1x16xi32> to vector<16xi32>
        %swap3A_616 = vector.shape_cast %shift_right_logical3A_610 : vector<16xi32> to vector<1x16xi32>
        tpu.vector_store %arg8[%swap3A_612, %swap3A_613], %swap3A_616 {strides = array<i32>} : memref<2x128xi32, #tpu.memory_space<vmem>>, vector<1x16xi32>,
        %get3A_617 = arith.index_cast %add3A_506 : i32 to index
        %get3A_618 = arith.constant 80 : index
        %get3A_619 = tpu.vector_load %arg6[%get3A_617, %get3A_618] {strides = array<i32>} : memref<80x128xi32, #tpu.memory_space<vmem>>, vector<1x16xi32>,
        %get3A_620 = vector.shape_cast %get3A_619 : vector<1x16xi32> to vector<16xi32>
        %and3A_621 = arith.constant 16383 : i32
        %and3A_622 = vector.broadcast %and3A_621 : i32 to vector<16xi32>
        %and3A_623 = arith.andi %get3A_620, %and3A_622 : vector<16xi32>
        %swap3A_624 = arith.constant 0 : i32
        %swap3A_625 = arith.index_cast %swap3A_624 : i32 to index
        %swap3A_626 = arith.constant 80 : index
        %swap3A_627 = tpu.vector_load %arg7[%swap3A_625, %swap3A_626] {strides = array<i32>} : memref<2x128xi32, #tpu.memory_space<vmem>>, vector<1x16xi32>,
        %swap3A_628 = vector.shape_cast %swap3A_627 : vector<1x16xi32> to vector<16xi32>
        %swap3A_629 = vector.shape_cast %and3A_623 : vector<16xi32> to vector<1x16xi32>
        tpu.vector_store %arg7[%swap3A_625, %swap3A_626], %swap3A_629 {strides = array<i32>} : memref<2x128xi32, #tpu.memory_space<vmem>>, vector<1x16xi32>,
        %shift_right_logical3A_630 = arith.constant 14 : i32
        %shift_right_logical3A_631 = vector.broadcast %shift_right_logical3A_630 : i32 to vector<16xi32>
        %shift_right_logical3A_632 = arith.shrui %get3A_620, %shift_right_logical3A_631 : vector<16xi32>
        %swap3A_633 = arith.constant 0 : i32
        %swap3A_634 = arith.index_cast %swap3A_633 : i32 to index
        %swap3A_635 = arith.constant 80 : index
        %swap3A_636 = tpu.vector_load %arg8[%swap3A_634, %swap3A_635] {strides = array<i32>} : memref<2x128xi32, #tpu.memory_space<vmem>>, vector<1x16xi32>,
        %swap3A_637 = vector.shape_cast %swap3A_636 : vector<1x16xi32> to vector<16xi32>
        %swap3A_638 = vector.shape_cast %shift_right_logical3A_632 : vector<16xi32> to vector<1x16xi32>
        tpu.vector_store %arg8[%swap3A_634, %swap3A_635], %swap3A_638 {strides = array<i32>} : memref<2x128xi32, #tpu.memory_space<vmem>>, vector<1x16xi32>,
        %get3A_639 = arith.index_cast %add3A_506 : i32 to index
        %get3A_640 = arith.constant 96 : index
        %get3A_641 = tpu.vector_load %arg6[%get3A_639, %get3A_640] {strides = array<i32>} : memref<80x128xi32, #tpu.memory_space<vmem>>, vector<1x16xi32>,
        %get3A_642 = vector.shape_cast %get3A_641 : vector<1x16xi32> to vector<16xi32>
        %and3A_643 = arith.constant 16383 : i32
        %and3A_644 = vector.broadcast %and3A_643 : i32 to vector<16xi32>
        %and3A_645 = arith.andi %get3A_642, %and3A_644 : vector<16xi32>
        %swap3A_646 = arith.constant 0 : i32
        %swap3A_647 = arith.index_cast %swap3A_646 : i32 to index
        %swap3A_648 = arith.constant 96 : index
        %swap3A_649 = tpu.vector_load %arg7[%swap3A_647, %swap3A_648] {strides = array<i32>} : memref<2x128xi32, #tpu.memory_space<vmem>>, vector<1x16xi32>,
        %swap3A_650 = vector.shape_cast %swap3A_649 : vector<1x16xi32> to vector<16xi32>
        %swap3A_651 = vector.shape_cast %and3A_645 : vector<16xi32> to vector<1x16xi32>
        tpu.vector_store %arg7[%swap3A_647, %swap3A_648], %swap3A_651 {strides = array<i32>} : memref<2x128xi32, #tpu.memory_space<vmem>>, vector<1x16xi32>,
        %shift_right_logical3A_652 = arith.constant 14 : i32
        %shift_right_logical3A_653 = vector.broadcast %shift_right_logical3A_652 : i32 to vector<16xi32>
        %shift_right_logical3A_654 = arith.shrui %get3A_642, %shift_right_logical3A_653 : vector<16xi32>
        %swap3A_655 = arith.constant 0 : i32
        %swap3A_656 = arith.index_cast %swap3A_655 : i32 to index
        %swap3A_657 = arith.constant 96 : index
        %swap3A_658 = tpu.vector_load %arg8[%swap3A_656, %swap3A_657] {strides = array<i32>} : memref<2x128xi32, #tpu.memory_space<vmem>>, vector<1x16xi32>,
        %swap3A_659 = vector.shape_cast %swap3A_658 : vector<1x16xi32> to vector<16xi32>
        %swap3A_660 = vector.shape_cast %shift_right_logical3A_654 : vector<16xi32> to vector<1x16xi32>
        tpu.vector_store %arg8[%swap3A_656, %swap3A_657], %swap3A_660 {strides = array<i32>} : memref<2x128xi32, #tpu.memory_space<vmem>>, vector<1x16xi32>,
        %get3A_661 = arith.index_cast %add3A_506 : i32 to index
        %get3A_662 = arith.constant 112 : index
        %get3A_663 = tpu.vector_load %arg6[%get3A_661, %get3A_662] {strides = array<i32>} : memref<80x128xi32, #tpu.memory_space<vmem>>, vector<1x16xi32>,
        %get3A_664 = vector.shape_cast %get3A_663 : vector<1x16xi32> to vector<16xi32>
        %and3A_665 = arith.constant 16383 : i32
        %and3A_666 = vector.broadcast %and3A_665 : i32 to vector<16xi32>
        %and3A_667 = arith.andi %get3A_664, %and3A_666 : vector<16xi32>
        %swap3A_668 = arith.constant 0 : i32
        %swap3A_669 = arith.index_cast %swap3A_668 : i32 to index
        %swap3A_670 = arith.constant 112 : index
        %swap3A_671 = tpu.vector_load %arg7[%swap3A_669, %swap3A_670] {strides = array<i32>} : memref<2x128xi32, #tpu.memory_space<vmem>>, vector<1x16xi32>,
        %swap3A_672 = vector.shape_cast %swap3A_671 : vector<1x16xi32> to vector<16xi32>
        %swap3A_673 = vector.shape_cast %and3A_667 : vector<16xi32> to vector<1x16xi32>
        tpu.vector_store %arg7[%swap3A_669, %swap3A_670], %swap3A_673 {strides = array<i32>} : memref<2x128xi32, #tpu.memory_space<vmem>>, vector<1x16xi32>,
        %shift_right_logical3A_674 = arith.constant 14 : i32
        %shift_right_logical3A_675 = vector.broadcast %shift_right_logical3A_674 : i32 to vector<16xi32>
        %shift_right_logical3A_676 = arith.shrui %get3A_664, %shift_right_logical3A_675 : vector<16xi32>
        %swap3A_677 = arith.constant 0 : i32
        %swap3A_678 = arith.index_cast %swap3A_677 : i32 to index
        %swap3A_679 = arith.constant 112 : index
        %swap3A_680 = tpu.vector_load %arg8[%swap3A_678, %swap3A_679] {strides = array<i32>} : memref<2x128xi32, #tpu.memory_space<vmem>>, vector<1x16xi32>,
        %swap3A_681 = vector.shape_cast %swap3A_680 : vector<1x16xi32> to vector<16xi32>
        %swap3A_682 = vector.shape_cast %shift_right_logical3A_676 : vector<16xi32> to vector<1x16xi32>
        tpu.vector_store %arg8[%swap3A_678, %swap3A_679], %swap3A_682 {strides = array<i32>} : memref<2x128xi32, #tpu.memory_space<vmem>>, vector<1x16xi32>,
        %dma_start3A_683 = arith.constant 0 : i32
        %dma_start3A_684 = arith.constant 0 : i32
        %dma_start3A_685 = tpu.memref_slice %arg7[%dma_start3A_683, %dma_start3A_684] : memref<2x128xi32, #tpu.memory_space<vmem>> -> memref<1x128xi32, #tpu.memory_space<vmem>>
        %dma_start3A_686 = tpu.memref_squeeze %dma_start3A_685 : memref<1x128xi32, #tpu.memory_space<vmem>> -> memref<128xi32, #tpu.memory_space<vmem>>
        %dma_start3A_687 = arith.constant 0 : i32
        %dma_start3A_688 = arith.constant 0 : i32
        %dma_start3A_689 = tpu.memref_slice %arg2[%dma_start3A_687, %dma_start3A_688] : memref<10000x128xf32, #tpu.memory_space<hbm>> -> memref<10000x128xf32, #tpu.memory_space<hbm>>
        tpu.enqueue_indirect_dma source(%dma_start3A_689 : memref<10000x128xf32, #tpu.memory_space<hbm>>) target(%arg10 : memref<128x128xf32, #tpu.memory_space<vmem>>) offsets(%dma_start3A_686 : memref<128xi32, #tpu.memory_space<vmem>>) semaphore(%arg13 : memref<!tpu.dma_semaphore, #tpu.memory_space<semaphore_mem>>)
      } else {
      }
      %dma_wait3A_492 = arith.constant 1 : i32
      %dma_wait3A_493 = arith.constant 0 : i32
      %dma_wait3A_494 = tpu.memref_slice %arg7[%dma_wait3A_492, %dma_wait3A_493] : memref<2x128xi32, #tpu.memory_space<vmem>> -> memref<1x128xi32, #tpu.memory_space<vmem>>
      %dma_wait3A_495 = tpu.memref_squeeze %dma_wait3A_494 : memref<1x128xi32, #tpu.memory_space<vmem>> -> memref<128xi32, #tpu.memory_space<vmem>>
      %dma_wait3A_496 = arith.constant 0 : i32
      %dma_wait3A_497 = arith.constant 0 : i32
      %dma_wait3A_498 = tpu.memref_slice %arg2[%dma_wait3A_496, %dma_wait3A_497] : memref<10000x128xf32, #tpu.memory_space<hbm>> -> memref<10000x128xf32, #tpu.memory_space<hbm>>
      tpu.wait_indirect_dma semaphore(%arg14 : memref<!tpu.dma_semaphore, #tpu.memory_space<semaphore_mem>>) src(%dma_wait3A_498 : memref<10000x128xf32, #tpu.memory_space<hbm>>) dst(%arg11 : memref<128x128xf32, #tpu.memory_space<vmem>>)
      %run_scoped3A_499 = arith.constant 1 : i32
      "tpu.region"() ({
        %run_scoped3A_505 = tpu.sem_alloc : memref<!tpu.dma_semaphore, #tpu.memory_space<semaphore_mem>>
        %dma_start3A_506 = arith.constant 0 : i32
        %dma_start3A_507 = tpu.memref_slice %arg8[%run_scoped3A_499, %dma_start3A_506] : memref<2x128xi32, #tpu.memory_space<vmem>> -> memref<1x128xi32, #tpu.memory_space<vmem>>
        %dma_start3A_508 = tpu.memref_squeeze %dma_start3A_507 : memref<1x128xi32, #tpu.memory_space<vmem>> -> memref<128xi32, #tpu.memory_space<vmem>>
        %dma_start3A_509 = arith.constant 0 : i32
        %dma_start3A_510 = arith.constant 0 : i32
        %dma_start3A_511 = tpu.memref_slice %arg12[%dma_start3A_509, %dma_start3A_510] : memref<10240x128xf32, #tpu.memory_space<vmem_shared>> -> memref<10240x128xf32, #tpu.memory_space<vmem_shared>>
        tpu.enqueue_indirect_dma source(%arg11 : memref<128x128xf32, #tpu.memory_space<vmem>>) target(%dma_start3A_511 : memref<10240x128xf32, #tpu.memory_space<vmem_shared>>) offsets(%dma_start3A_508 : memref<128xi32, #tpu.memory_space<vmem>>) semaphore(%run_scoped3A_505 : memref<!tpu.dma_semaphore, #tpu.memory_space<semaphore_mem>>) {add = true}
        %dma_wait3A_512 = arith.constant 0 : i32
        %dma_wait3A_513 = tpu.memref_slice %arg8[%run_scoped3A_499, %dma_wait3A_512] : memref<2x128xi32, #tpu.memory_space<vmem>> -> memref<1x128xi32, #tpu.memory_space<vmem>>
        %dma_wait3A_514 = tpu.memref_squeeze %dma_wait3A_513 : memref<1x128xi32, #tpu.memory_space<vmem>> -> memref<128xi32, #tpu.memory_space<vmem>>
        %dma_wait3A_515 = arith.constant 0 : i32
        %dma_wait3A_516 = arith.constant 0 : i32
        %dma_wait3A_517 = tpu.memref_slice %arg12[%dma_wait3A_515, %dma_wait3A_516] : memref<10240x128xf32, #tpu.memory_space<vmem_shared>> -> memref<10240x128xf32, #tpu.memory_space<vmem_shared>>
        tpu.wait_indirect_dma semaphore(%run_scoped3A_505 : memref<!tpu.dma_semaphore, #tpu.memory_space<semaphore_mem>>) src(%arg11 : memref<128x128xf32, #tpu.memory_space<vmem>>) dst(%dma_wait3A_517 : memref<10240x128xf32, #tpu.memory_space<vmem_shared>>)
        tpu.yield
      }) : () -> ()
      %lt3A_500 = arith.constant 39 : i32
      %lt3A_501 = arith.cmpi slt, %scan3A_469, %lt3A_500 : i32
      %convert_element_type3A_502 = arith.extui %lt3A_501 : i1 to i32
      %cond3A_503 = arith.constant 0 : i32
      %cond3A_504 = arith.cmpi ne, %convert_element_type3A_502, %cond3A_503 : i32
      scf.if %cond3A_504 {
        %add3A_505 = arith.constant 2 : i32
        %add3A_506 = arith.addi %add3A_473, %add3A_505 : i32
        %get3A_507 = arith.index_cast %add3A_506 : i32 to index
        %get3A_508 = arith.constant 0 : index
        %get3A_509 = tpu.vector_load %arg6[%get3A_507, %get3A_508] {strides = array<i32>} : memref<80x128xi32, #tpu.memory_space<vmem>>, vector<1x16xi32>,
        %get3A_510 = vector.shape_cast %get3A_509 : vector<1x16xi32> to vector<16xi32>
        %and3A_511 = arith.constant 16383 : i32
        %and3A_512 = vector.broadcast %and3A_511 : i32 to vector<16xi32>
        %and3A_513 = arith.andi %get3A_510, %and3A_512 : vector<16xi32>
        %swap3A_514 = arith.constant 1 : i32
        %swap3A_515 = arith.index_cast %swap3A_514 : i32 to index
        %swap3A_516 = arith.constant 0 : index
        %swap3A_517 = tpu.vector_load %arg7[%swap3A_515, %swap3A_516] {strides = array<i32>} : memref<2x128xi32, #tpu.memory_space<vmem>>, vector<1x16xi32>,
        %swap3A_518 = vector.shape_cast %swap3A_517 : vector<1x16xi32> to vector<16xi32>
        %swap3A_519 = vector.shape_cast %and3A_513 : vector<16xi32> to vector<1x16xi32>
        tpu.vector_store %arg7[%swap3A_515, %swap3A_516], %swap3A_519 {strides = array<i32>} : memref<2x128xi32, #tpu.memory_space<vmem>>, vector<1x16xi32>,
        %shift_right_logical3A_520 = arith.constant 14 : i32
        %shift_right_logical3A_521 = vector.broadcast %shift_right_logical3A_520 : i32 to vector<16xi32>
        %shift_right_logical3A_522 = arith.shrui %get3A_510, %shift_right_logical3A_521 : vector<16xi32>
        %swap3A_523 = arith.constant 1 : i32
        %swap3A_524 = arith.index_cast %swap3A_523 : i32 to index
        %swap3A_525 = arith.constant 0 : index
        %swap3A_526 = tpu.vector_load %arg8[%swap3A_524, %swap3A_525] {strides = array<i32>} : memref<2x128xi32, #tpu.memory_space<vmem>>, vector<1x16xi32>,
        %swap3A_527 = vector.shape_cast %swap3A_526 : vector<1x16xi32> to vector<16xi32>
        %swap3A_528 = vector.shape_cast %shift_right_logical3A_522 : vector<16xi32> to vector<1x16xi32>
        tpu.vector_store %arg8[%swap3A_524, %swap3A_525], %swap3A_528 {strides = array<i32>} : memref<2x128xi32, #tpu.memory_space<vmem>>, vector<1x16xi32>,
        %get3A_529 = arith.index_cast %add3A_506 : i32 to index
        %get3A_530 = arith.constant 16 : index
        %get3A_531 = tpu.vector_load %arg6[%get3A_529, %get3A_530] {strides = array<i32>} : memref<80x128xi32, #tpu.memory_space<vmem>>, vector<1x16xi32>,
        %get3A_532 = vector.shape_cast %get3A_531 : vector<1x16xi32> to vector<16xi32>
        %and3A_533 = arith.constant 16383 : i32
        %and3A_534 = vector.broadcast %and3A_533 : i32 to vector<16xi32>
        %and3A_535 = arith.andi %get3A_532, %and3A_534 : vector<16xi32>
        %swap3A_536 = arith.constant 1 : i32
        %swap3A_537 = arith.index_cast %swap3A_536 : i32 to index
        %swap3A_538 = arith.constant 16 : index
        %swap3A_539 = tpu.vector_load %arg7[%swap3A_537, %swap3A_538] {strides = array<i32>} : memref<2x128xi32, #tpu.memory_space<vmem>>, vector<1x16xi32>,
        %swap3A_540 = vector.shape_cast %swap3A_539 : vector<1x16xi32> to vector<16xi32>
        %swap3A_541 = vector.shape_cast %and3A_535 : vector<16xi32> to vector<1x16xi32>
        tpu.vector_store %arg7[%swap3A_537, %swap3A_538], %swap3A_541 {strides = array<i32>} : memref<2x128xi32, #tpu.memory_space<vmem>>, vector<1x16xi32>,
        %shift_right_logical3A_542 = arith.constant 14 : i32
        %shift_right_logical3A_543 = vector.broadcast %shift_right_logical3A_542 : i32 to vector<16xi32>
        %shift_right_logical3A_544 = arith.shrui %get3A_532, %shift_right_logical3A_543 : vector<16xi32>
        %swap3A_545 = arith.constant 1 : i32
        %swap3A_546 = arith.index_cast %swap3A_545 : i32 to index
        %swap3A_547 = arith.constant 16 : index
        %swap3A_548 = tpu.vector_load %arg8[%swap3A_546, %swap3A_547] {strides = array<i32>} : memref<2x128xi32, #tpu.memory_space<vmem>>, vector<1x16xi32>,
        %swap3A_549 = vector.shape_cast %swap3A_548 : vector<1x16xi32> to vector<16xi32>
        %swap3A_550 = vector.shape_cast %shift_right_logical3A_544 : vector<16xi32> to vector<1x16xi32>
        tpu.vector_store %arg8[%swap3A_546, %swap3A_547], %swap3A_550 {strides = array<i32>} : memref<2x128xi32, #tpu.memory_space<vmem>>, vector<1x16xi32>,
        %get3A_551 = arith.index_cast %add3A_506 : i32 to index
        %get3A_552 = arith.constant 32 : index
        %get3A_553 = tpu.vector_load %arg6[%get3A_551, %get3A_552] {strides = array<i32>} : memref<80x128xi32, #tpu.memory_space<vmem>>, vector<1x16xi32>,
        %get3A_554 = vector.shape_cast %get3A_553 : vector<1x16xi32> to vector<16xi32>
        %and3A_555 = arith.constant 16383 : i32
        %and3A_556 = vector.broadcast %and3A_555 : i32 to vector<16xi32>
        %and3A_557 = arith.andi %get3A_554, %and3A_556 : vector<16xi32>
        %swap3A_558 = arith.constant 1 : i32
        %swap3A_559 = arith.index_cast %swap3A_558 : i32 to index
        %swap3A_560 = arith.constant 32 : index
        %swap3A_561 = tpu.vector_load %arg7[%swap3A_559, %swap3A_560] {strides = array<i32>} : memref<2x128xi32, #tpu.memory_space<vmem>>, vector<1x16xi32>,
        %swap3A_562 = vector.shape_cast %swap3A_561 : vector<1x16xi32> to vector<16xi32>
        %swap3A_563 = vector.shape_cast %and3A_557 : vector<16xi32> to vector<1x16xi32>
        tpu.vector_store %arg7[%swap3A_559, %swap3A_560], %swap3A_563 {strides = array<i32>} : memref<2x128xi32, #tpu.memory_space<vmem>>, vector<1x16xi32>,
        %shift_right_logical3A_564 = arith.constant 14 : i32
        %shift_right_logical3A_565 = vector.broadcast %shift_right_logical3A_564 : i32 to vector<16xi32>
        %shift_right_logical3A_566 = arith.shrui %get3A_554, %shift_right_logical3A_565 : vector<16xi32>
        %swap3A_567 = arith.constant 1 : i32
        %swap3A_568 = arith.index_cast %swap3A_567 : i32 to index
        %swap3A_569 = arith.constant 32 : index
        %swap3A_570 = tpu.vector_load %arg8[%swap3A_568, %swap3A_569] {strides = array<i32>} : memref<2x128xi32, #tpu.memory_space<vmem>>, vector<1x16xi32>,
        %swap3A_571 = vector.shape_cast %swap3A_570 : vector<1x16xi32> to vector<16xi32>
        %swap3A_572 = vector.shape_cast %shift_right_logical3A_566 : vector<16xi32> to vector<1x16xi32>
        tpu.vector_store %arg8[%swap3A_568, %swap3A_569], %swap3A_572 {strides = array<i32>} : memref<2x128xi32, #tpu.memory_space<vmem>>, vector<1x16xi32>,
        %get3A_573 = arith.index_cast %add3A_506 : i32 to index
        %get3A_574 = arith.constant 48 : index
        %get3A_575 = tpu.vector_load %arg6[%get3A_573, %get3A_574] {strides = array<i32>} : memref<80x128xi32, #tpu.memory_space<vmem>>, vector<1x16xi32>,
        %get3A_576 = vector.shape_cast %get3A_575 : vector<1x16xi32> to vector<16xi32>
        %and3A_577 = arith.constant 16383 : i32
        %and3A_578 = vector.broadcast %and3A_577 : i32 to vector<16xi32>
        %and3A_579 = arith.andi %get3A_576, %and3A_578 : vector<16xi32>
        %swap3A_580 = arith.constant 1 : i32
        %swap3A_581 = arith.index_cast %swap3A_580 : i32 to index
        %swap3A_582 = arith.constant 48 : index
        %swap3A_583 = tpu.vector_load %arg7[%swap3A_581, %swap3A_582] {strides = array<i32>} : memref<2x128xi32, #tpu.memory_space<vmem>>, vector<1x16xi32>,
        %swap3A_584 = vector.shape_cast %swap3A_583 : vector<1x16xi32> to vector<16xi32>
        %swap3A_585 = vector.shape_cast %and3A_579 : vector<16xi32> to vector<1x16xi32>
        tpu.vector_store %arg7[%swap3A_581, %swap3A_582], %swap3A_585 {strides = array<i32>} : memref<2x128xi32, #tpu.memory_space<vmem>>, vector<1x16xi32>,
        %shift_right_logical3A_586 = arith.constant 14 : i32
        %shift_right_logical3A_587 = vector.broadcast %shift_right_logical3A_586 : i32 to vector<16xi32>
        %shift_right_logical3A_588 = arith.shrui %get3A_576, %shift_right_logical3A_587 : vector<16xi32>
        %swap3A_589 = arith.constant 1 : i32
        %swap3A_590 = arith.index_cast %swap3A_589 : i32 to index
        %swap3A_591 = arith.constant 48 : index
        %swap3A_592 = tpu.vector_load %arg8[%swap3A_590, %swap3A_591] {strides = array<i32>} : memref<2x128xi32, #tpu.memory_space<vmem>>, vector<1x16xi32>,
        %swap3A_593 = vector.shape_cast %swap3A_592 : vector<1x16xi32> to vector<16xi32>
        %swap3A_594 = vector.shape_cast %shift_right_logical3A_588 : vector<16xi32> to vector<1x16xi32>
        tpu.vector_store %arg8[%swap3A_590, %swap3A_591], %swap3A_594 {strides = array<i32>} : memref<2x128xi32, #tpu.memory_space<vmem>>, vector<1x16xi32>,
        %get3A_595 = arith.index_cast %add3A_506 : i32 to index
        %get3A_596 = arith.constant 64 : index
        %get3A_597 = tpu.vector_load %arg6[%get3A_595, %get3A_596] {strides = array<i32>} : memref<80x128xi32, #tpu.memory_space<vmem>>, vector<1x16xi32>,
        %get3A_598 = vector.shape_cast %get3A_597 : vector<1x16xi32> to vector<16xi32>
        %and3A_599 = arith.constant 16383 : i32
        %and3A_600 = vector.broadcast %and3A_599 : i32 to vector<16xi32>
        %and3A_601 = arith.andi %get3A_598, %and3A_600 : vector<16xi32>
        %swap3A_602 = arith.constant 1 : i32
        %swap3A_603 = arith.index_cast %swap3A_602 : i32 to index
        %swap3A_604 = arith.constant 64 : index
        %swap3A_605 = tpu.vector_load %arg7[%swap3A_603, %swap3A_604] {strides = array<i32>} : memref<2x128xi32, #tpu.memory_space<vmem>>, vector<1x16xi32>,
        %swap3A_606 = vector.shape_cast %swap3A_605 : vector<1x16xi32> to vector<16xi32>
        %swap3A_607 = vector.shape_cast %and3A_601 : vector<16xi32> to vector<1x16xi32>
        tpu.vector_store %arg7[%swap3A_603, %swap3A_604], %swap3A_607 {strides = array<i32>} : memref<2x128xi32, #tpu.memory_space<vmem>>, vector<1x16xi32>,
        %shift_right_logical3A_608 = arith.constant 14 : i32
        %shift_right_logical3A_609 = vector.broadcast %shift_right_logical3A_608 : i32 to vector<16xi32>
        %shift_right_logical3A_610 = arith.shrui %get3A_598, %shift_right_logical3A_609 : vector<16xi32>
        %swap3A_611 = arith.constant 1 : i32
        %swap3A_612 = arith.index_cast %swap3A_611 : i32 to index
        %swap3A_613 = arith.constant 64 : index
        %swap3A_614 = tpu.vector_load %arg8[%swap3A_612, %swap3A_613] {strides = array<i32>} : memref<2x128xi32, #tpu.memory_space<vmem>>, vector<1x16xi32>,
        %swap3A_615 = vector.shape_cast %swap3A_614 : vector<1x16xi32> to vector<16xi32>
        %swap3A_616 = vector.shape_cast %shift_right_logical3A_610 : vector<16xi32> to vector<1x16xi32>
        tpu.vector_store %arg8[%swap3A_612, %swap3A_613], %swap3A_616 {strides = array<i32>} : memref<2x128xi32, #tpu.memory_space<vmem>>, vector<1x16xi32>,
        %get3A_617 = arith.index_cast %add3A_506 : i32 to index
        %get3A_618 = arith.constant 80 : index
        %get3A_619 = tpu.vector_load %arg6[%get3A_617, %get3A_618] {strides = array<i32>} : memref<80x128xi32, #tpu.memory_space<vmem>>, vector<1x16xi32>,
        %get3A_620 = vector.shape_cast %get3A_619 : vector<1x16xi32> to vector<16xi32>
        %and3A_621 = arith.constant 16383 : i32
        %and3A_622 = vector.broadcast %and3A_621 : i32 to vector<16xi32>
        %and3A_623 = arith.andi %get3A_620, %and3A_622 : vector<16xi32>
        %swap3A_624 = arith.constant 1 : i32
        %swap3A_625 = arith.index_cast %swap3A_624 : i32 to index
        %swap3A_626 = arith.constant 80 : index
        %swap3A_627 = tpu.vector_load %arg7[%swap3A_625, %swap3A_626] {strides = array<i32>} : memref<2x128xi32, #tpu.memory_space<vmem>>, vector<1x16xi32>,
        %swap3A_628 = vector.shape_cast %swap3A_627 : vector<1x16xi32> to vector<16xi32>
        %swap3A_629 = vector.shape_cast %and3A_623 : vector<16xi32> to vector<1x16xi32>
        tpu.vector_store %arg7[%swap3A_625, %swap3A_626], %swap3A_629 {strides = array<i32>} : memref<2x128xi32, #tpu.memory_space<vmem>>, vector<1x16xi32>,
        %shift_right_logical3A_630 = arith.constant 14 : i32
        %shift_right_logical3A_631 = vector.broadcast %shift_right_logical3A_630 : i32 to vector<16xi32>
        %shift_right_logical3A_632 = arith.shrui %get3A_620, %shift_right_logical3A_631 : vector<16xi32>
        %swap3A_633 = arith.constant 1 : i32
        %swap3A_634 = arith.index_cast %swap3A_633 : i32 to index
        %swap3A_635 = arith.constant 80 : index
        %swap3A_636 = tpu.vector_load %arg8[%swap3A_634, %swap3A_635] {strides = array<i32>} : memref<2x128xi32, #tpu.memory_space<vmem>>, vector<1x16xi32>,
        %swap3A_637 = vector.shape_cast %swap3A_636 : vector<1x16xi32> to vector<16xi32>
        %swap3A_638 = vector.shape_cast %shift_right_logical3A_632 : vector<16xi32> to vector<1x16xi32>
        tpu.vector_store %arg8[%swap3A_634, %swap3A_635], %swap3A_638 {strides = array<i32>} : memref<2x128xi32, #tpu.memory_space<vmem>>, vector<1x16xi32>,
        %get3A_639 = arith.index_cast %add3A_506 : i32 to index
        %get3A_640 = arith.constant 96 : index
        %get3A_641 = tpu.vector_load %arg6[%get3A_639, %get3A_640] {strides = array<i32>} : memref<80x128xi32, #tpu.memory_space<vmem>>, vector<1x16xi32>,
        %get3A_642 = vector.shape_cast %get3A_641 : vector<1x16xi32> to vector<16xi32>
        %and3A_643 = arith.constant 16383 : i32
        %and3A_644 = vector.broadcast %and3A_643 : i32 to vector<16xi32>
        %and3A_645 = arith.andi %get3A_642, %and3A_644 : vector<16xi32>
        %swap3A_646 = arith.constant 1 : i32
        %swap3A_647 = arith.index_cast %swap3A_646 : i32 to index
        %swap3A_648 = arith.constant 96 : index
        %swap3A_649 = tpu.vector_load %arg7[%swap3A_647, %swap3A_648] {strides = array<i32>} : memref<2x128xi32, #tpu.memory_space<vmem>>, vector<1x16xi32>,
        %swap3A_650 = vector.shape_cast %swap3A_649 : vector<1x16xi32> to vector<16xi32>
        %swap3A_651 = vector.shape_cast %and3A_645 : vector<16xi32> to vector<1x16xi32>
        tpu.vector_store %arg7[%swap3A_647, %swap3A_648], %swap3A_651 {strides = array<i32>} : memref<2x128xi32, #tpu.memory_space<vmem>>, vector<1x16xi32>,
        %shift_right_logical3A_652 = arith.constant 14 : i32
        %shift_right_logical3A_653 = vector.broadcast %shift_right_logical3A_652 : i32 to vector<16xi32>
        %shift_right_logical3A_654 = arith.shrui %get3A_642, %shift_right_logical3A_653 : vector<16xi32>
        %swap3A_655 = arith.constant 1 : i32
        %swap3A_656 = arith.index_cast %swap3A_655 : i32 to index
        %swap3A_657 = arith.constant 96 : index
        %swap3A_658 = tpu.vector_load %arg8[%swap3A_656, %swap3A_657] {strides = array<i32>} : memref<2x128xi32, #tpu.memory_space<vmem>>, vector<1x16xi32>,
        %swap3A_659 = vector.shape_cast %swap3A_658 : vector<1x16xi32> to vector<16xi32>
        %swap3A_660 = vector.shape_cast %shift_right_logical3A_654 : vector<16xi32> to vector<1x16xi32>
        tpu.vector_store %arg8[%swap3A_656, %swap3A_657], %swap3A_660 {strides = array<i32>} : memref<2x128xi32, #tpu.memory_space<vmem>>, vector<1x16xi32>,
        %get3A_661 = arith.index_cast %add3A_506 : i32 to index
        %get3A_662 = arith.constant 112 : index
        %get3A_663 = tpu.vector_load %arg6[%get3A_661, %get3A_662] {strides = array<i32>} : memref<80x128xi32, #tpu.memory_space<vmem>>, vector<1x16xi32>,
        %get3A_664 = vector.shape_cast %get3A_663 : vector<1x16xi32> to vector<16xi32>
        %and3A_665 = arith.constant 16383 : i32
        %and3A_666 = vector.broadcast %and3A_665 : i32 to vector<16xi32>
        %and3A_667 = arith.andi %get3A_664, %and3A_666 : vector<16xi32>
        %swap3A_668 = arith.constant 1 : i32
        %swap3A_669 = arith.index_cast %swap3A_668 : i32 to index
        %swap3A_670 = arith.constant 112 : index
        %swap3A_671 = tpu.vector_load %arg7[%swap3A_669, %swap3A_670] {strides = array<i32>} : memref<2x128xi32, #tpu.memory_space<vmem>>, vector<1x16xi32>,
        %swap3A_672 = vector.shape_cast %swap3A_671 : vector<1x16xi32> to vector<16xi32>
        %swap3A_673 = vector.shape_cast %and3A_667 : vector<16xi32> to vector<1x16xi32>
        tpu.vector_store %arg7[%swap3A_669, %swap3A_670], %swap3A_673 {strides = array<i32>} : memref<2x128xi32, #tpu.memory_space<vmem>>, vector<1x16xi32>,
        %shift_right_logical3A_674 = arith.constant 14 : i32
        %shift_right_logical3A_675 = vector.broadcast %shift_right_logical3A_674 : i32 to vector<16xi32>
        %shift_right_logical3A_676 = arith.shrui %get3A_664, %shift_right_logical3A_675 : vector<16xi32>
        %swap3A_677 = arith.constant 1 : i32
        %swap3A_678 = arith.index_cast %swap3A_677 : i32 to index
        %swap3A_679 = arith.constant 112 : index
        %swap3A_680 = tpu.vector_load %arg8[%swap3A_678, %swap3A_679] {strides = array<i32>} : memref<2x128xi32, #tpu.memory_space<vmem>>, vector<1x16xi32>,
        %swap3A_681 = vector.shape_cast %swap3A_680 : vector<1x16xi32> to vector<16xi32>
        %swap3A_682 = vector.shape_cast %shift_right_logical3A_676 : vector<16xi32> to vector<1x16xi32>
        tpu.vector_store %arg8[%swap3A_678, %swap3A_679], %swap3A_682 {strides = array<i32>} : memref<2x128xi32, #tpu.memory_space<vmem>>, vector<1x16xi32>,
      } else {
      }
    }
    %scan3A_460 = arith.constant 40 : i32
    %barrier3A_461 = arith.constant 0 : index
    tpu.barrier barrier_id(%barrier3A_461)
    %eq3A = arith.constant 0 : i32
    %eq3A_462 = arith.cmpi eq, %arg0, %eq3A : i32
    %convert_element_type3A = arith.extui %eq3A_462 : i1 to i32
    %cond3A = arith.constant 0 : i32
    %cond3A_463 = arith.cmpi ne, %convert_element_type3A, %cond3A : i32
    scf.if %cond3A_463 {
      %mul3A_469 = arith.constant 640 : i32
      %mul3A_470 = arith.muli %arg1, %mul3A_469 : i32
      %mul3A_471 = arith.constant 640 : i32
      %mul3A_472 = arith.muli %arg1, %mul3A_471 : i32
      "tpu.region"() ({
        %run_scoped3A = tpu.sem_alloc : memref<!tpu.dma_semaphore, #tpu.memory_space<semaphore_mem>>
        %dma_start3A_473 = arith.constant 0 : i32
        %dma_start3A_474 = tpu.memref_slice %arg4[%mul3A_472, %dma_start3A_473] : memref<10240x128xf32, #tpu.memory_space<hbm>> -> memref<640x128xf32, #tpu.memory_space<hbm>>
        %dma_start3A_475 = arith.constant 0 : i32
        %dma_start3A_476 = tpu.memref_slice %arg12[%mul3A_470, %dma_start3A_475] : memref<10240x128xf32, #tpu.memory_space<vmem_shared>> -> memref<640x128xf32, #tpu.memory_space<vmem_shared>>
        tpu.enqueue_dma source(%dma_start3A_476 : memref<640x128xf32, #tpu.memory_space<vmem_shared>>) target(%dma_start3A_474 : memref<640x128xf32, #tpu.memory_space<hbm>>) target_semaphore(%run_scoped3A : memref<!tpu.dma_semaphore, #tpu.memory_space<semaphore_mem>>)
        %dma_wait3A_477 = arith.constant 0 : i32
        %dma_wait3A_478 = tpu.memref_slice %arg4[%mul3A_472, %dma_wait3A_477] : memref<10240x128xf32, #tpu.memory_space<hbm>> -> memref<640x128xf32, #tpu.memory_space<hbm>>
        %dma_wait3A_479 = arith.constant 0 : i32
        %dma_wait3A_480 = tpu.memref_slice %arg12[%mul3A_470, %dma_wait3A_479] : memref<10240x128xf32, #tpu.memory_space<vmem_shared>> -> memref<640x128xf32, #tpu.memory_space<vmem_shared>>
        tpu.wait_dma2 semaphore(%run_scoped3A : memref<!tpu.dma_semaphore, #tpu.memory_space<semaphore_mem>>) src(%dma_wait3A_480 : memref<640x128xf32, #tpu.memory_space<vmem_shared>>) dst(%dma_wait3A_478 : memref<640x128xf32, #tpu.memory_space<hbm>>)
        tpu.yield
      }) : () -> ()
    } else {
    }
    %eq3A_464 = arith.constant 1 : i32
    %eq3A_465 = arith.cmpi eq, %arg0, %eq3A_464 : i32
    %convert_element_type3A_466 = arith.extui %eq3A_465 : i1 to i32
    %cond3A_467 = arith.constant 0 : i32
    %cond3A_468 = arith.cmpi ne, %convert_element_type3A_466, %cond3A_467 : i32
    scf.if %cond3A_468 {
      %mul3A_469 = arith.constant 640 : i32
      %mul3A_470 = arith.muli %arg1, %mul3A_469 : i32
      %mul3A_471 = arith.constant 640 : i32
      %mul3A_472 = arith.muli %arg1, %mul3A_471 : i32
      "tpu.region"() ({
        %run_scoped3A = tpu.sem_alloc : memref<!tpu.dma_semaphore, #tpu.memory_space<semaphore_mem>>
        %dma_start3A_473 = arith.constant 0 : i32
        %dma_start3A_474 = tpu.memref_slice %arg5[%mul3A_472, %dma_start3A_473] : memref<10240x128xf32, #tpu.memory_space<hbm>> -> memref<640x128xf32, #tpu.memory_space<hbm>>
        %dma_start3A_475 = arith.constant 0 : i32
        %dma_start3A_476 = tpu.memref_slice %arg12[%mul3A_470, %dma_start3A_475] : memref<10240x128xf32, #tpu.memory_space<vmem_shared>> -> memref<640x128xf32, #tpu.memory_space<vmem_shared>>
        tpu.enqueue_dma source(%dma_start3A_476 : memref<640x128xf32, #tpu.memory_space<vmem_shared>>) target(%dma_start3A_474 : memref<640x128xf32, #tpu.memory_space<hbm>>) target_semaphore(%run_scoped3A : memref<!tpu.dma_semaphore, #tpu.memory_space<semaphore_mem>>)
        %dma_wait3A_477 = arith.constant 0 : i32
        %dma_wait3A_478 = tpu.memref_slice %arg5[%mul3A_472, %dma_wait3A_477] : memref<10240x128xf32, #tpu.memory_space<hbm>> -> memref<640x128xf32, #tpu.memory_space<hbm>>
        %dma_wait3A_479 = arith.constant 0 : i32
        %dma_wait3A_480 = tpu.memref_slice %arg12[%mul3A_470, %dma_wait3A_479] : memref<10240x128xf32, #tpu.memory_space<vmem_shared>> -> memref<640x128xf32, #tpu.memory_space<vmem_shared>>
        tpu.wait_dma2 semaphore(%run_scoped3A : memref<!tpu.dma_semaphore, #tpu.memory_space<semaphore_mem>>) src(%dma_wait3A_480 : memref<640x128xf32, #tpu.memory_space<vmem_shared>>) dst(%dma_wait3A_478 : memref<640x128xf32, #tpu.memory_space<hbm>>)
        tpu.yield
      }) : () -> ()
    } else {
    }
    return
  }
}

module attributes {stable_mosaic.version = 14 : i64} {
  func.func @body(%arg0: i32, %arg1: memref<128x128xf32, #tpu.memory_space<vmem>>, %arg2: memref<2x1x128x80xf32, #tpu.memory_space<vmem>>, %arg3: memref<128x128xf32, #tpu.memory_space<vmem>>) attributes {dimension_semantics = [#tpu.dimension_semantics<arbitrary>], iteration_bounds = array<i64: 79>, scalar_prefetch = 0 : i64, scratch_operands = 0 : i64, tpu.core_type = #tpu.core_type<tc>, window_params = [{transform_indices = @transform_0, window_bounds = array<i64: 128, 128>}, {transform_indices = @transform_1, window_bounds = array<i64: 2, 1, 128, 80>}, {transform_indices = @transform_2, window_bounds = array<i64: 128, 128>}]} {
    %get3A = arith.constant 0 : index
    %get3A_0 = arith.constant 0 : index
    %get3A_1 = arith.constant 0 : index
    %get3A_2 = arith.constant 0 : index
    %get3A_3 = vector.load %arg2[%get3A, %get3A_0, %get3A_1, %get3A_2] : memref<2x1x128x80xf32, #tpu.memory_space<vmem>>, vector<1x1x128x80xf32>
    %get3A_4 = vector.shape_cast %get3A_3 : vector<1x1x128x80xf32> to vector<128x80xf32>
    %get3A_5 = arith.constant 1 : index
    %get3A_6 = arith.constant 0 : index
    %get3A_7 = arith.constant 0 : index
    %get3A_8 = arith.constant 0 : index
    %get3A_9 = vector.load %arg2[%get3A_5, %get3A_6, %get3A_7, %get3A_8] : memref<2x1x128x80xf32, #tpu.memory_space<vmem>>, vector<1x1x128x80xf32>
    %get3A_10 = vector.shape_cast %get3A_9 : vector<1x1x128x80xf32> to vector<128x80xf32>
    %add3A = arith.addf %get3A_4, %get3A_10 : vector<128x80xf32>
    %iota3A = tpu.iota {dimensions = array<i32: 1>} : vector<128x80xi32>
    %eq3A = vector.broadcast %arg0 : i32 to vector<128x80xi32>
    %eq3A_11 = arith.cmpi eq, %iota3A, %eq3A : vector<128x80xi32>
    %jit3A = arith.constant 0.000000e+00 : f32
    %broadcast_in_dim3A = vector.broadcast %jit3A : f32 to vector<128x80xf32>
    %select_n3A = arith.select %eq3A_11, %add3A, %broadcast_in_dim3A : vector<128x80xi1>, vector<128x80xf32>
    %reduce_sum3A = arith.constant dense<0.000000e+00> : vector<128xf32>
    %reduce_sum3A_12 = vector.multi_reduction <add>, %select_n3A, %reduce_sum3A [1] : vector<128x80xf32> to vector<128xf32>
    %broadcast_in_dim3A_13 = vector.shape_cast %reduce_sum3A_12 : vector<128xf32> to vector<128x1xf32>
    %max3A = arith.constant 1.000000e+00 : f32
    %max3A_14 = vector.broadcast %max3A : f32 to vector<128x1xf32>
    %max3A_15 = arith.maximumf %broadcast_in_dim3A_13, %max3A_14 : vector<128x1xf32>
    %rsqrt3A = math.rsqrt %max3A_15 : vector<128x1xf32>
    %get3A_16 = arith.constant 0 : index
    %get3A_17 = arith.constant 0 : index
    %get3A_18 = vector.load %arg1[%get3A_16, %get3A_17] : memref<128x128xf32, #tpu.memory_space<vmem>>, vector<128x128xf32>
    %mul3A = vector.broadcast %rsqrt3A : vector<128x1xf32> to vector<128x128xf32>
    %mul3A_19 = arith.mulf %get3A_18, %mul3A : vector<128x128xf32>
    %swap3A = arith.constant 0 : index
    %swap3A_20 = arith.constant 0 : index
    %swap3A_21 = vector.load %arg3[%swap3A, %swap3A_20] : memref<128x128xf32, #tpu.memory_space<vmem>>, vector<128x128xf32>
    tpu.vector_store %arg3[%swap3A, %swap3A_20], %mul3A_19 {strides = array<i32>} : memref<128x128xf32, #tpu.memory_space<vmem>>, vector<128x128xf32>,
    return
  }
  func.func @transform_0(%arg0: i32) -> (i32, i32) {
    %c0_i32 = arith.constant 0 : i32
    %c0_i32_0 = arith.constant 0 : i32
    return %arg0, %c0_i32 : i32, i32
  }
  func.func @transform_1(%arg0: i32) -> (i32, i32, i32, i32) {
    %c0_i32 = arith.constant 0 : i32
    %c0_i32_0 = arith.constant 0 : i32
    %c0_i32_1 = arith.constant 0 : i32
    %c0_i32_2 = arith.constant 0 : i32
    %c0_i32_3 = arith.constant 0 : i32
    return %c0_i32, %c0_i32_0, %c0_i32_1, %c0_i32_2 : i32, i32, i32, i32
  }
  func.func @transform_2(%arg0: i32) -> (i32, i32) {
    %c0_i32 = arith.constant 0 : i32
    %c0_i32_0 = arith.constant 0 : i32
    return %arg0, %c0_i32 : i32, i32
  }
}

module attributes {stable_mosaic.version = 14 : i64} {
  func.func @body(%arg0: i32, %arg1: memref<128x128xf32, #tpu.memory_space<vmem>>, %arg2: memref<128x128xf32, #tpu.memory_space<vmem>>, %arg3: memref<2x1x128x80xf32, #tpu.memory_space<vmem>>, %arg4: memref<128x128xf32, #tpu.memory_space<vmem>>, %arg5: memref<1x128xf32, #tpu.memory_space<vmem>>, %arg6: memref<1x128xf32, #tpu.memory_space<vmem>>, %arg7: memref<1x128xf32, #tpu.memory_space<vmem>>, %arg8: memref<1x128xf32, #tpu.memory_space<vmem>>, %arg9: memref<128x128xf32, #tpu.memory_space<vmem>>) attributes {dimension_semantics = [#tpu.dimension_semantics<arbitrary>], iteration_bounds = array<i64: 79>, scalar_prefetch = 0 : i64, scratch_operands = 0 : i64, tpu.core_type = #tpu.core_type<tc>, window_params = [{transform_indices = @transform_0, window_bounds = array<i64: 128, 128>}, {transform_indices = @transform_1, window_bounds = array<i64: 128, 128>}, {transform_indices = @transform_2, window_bounds = array<i64: 2, 1, 128, 80>}, {pipeline_mode = #tpu.pipeline_mode<synchronous>, transform_indices = @transform_3, window_bounds = array<i64: 128, 128>}, {pipeline_mode = #tpu.pipeline_mode<synchronous>, transform_indices = @transform_4, window_bounds = array<i64: 1, 128>}, {pipeline_mode = #tpu.pipeline_mode<synchronous>, transform_indices = @transform_5, window_bounds = array<i64: 1, 128>}, {pipeline_mode = #tpu.pipeline_mode<synchronous>, transform_indices = @transform_6, window_bounds = array<i64: 1, 128>}, {pipeline_mode = #tpu.pipeline_mode<synchronous>, transform_indices = @transform_7, window_bounds = array<i64: 1, 128>}, {transform_indices = @transform_8, window_bounds = array<i64: 128, 128>}]} {
    %get3A = arith.constant 0 : index
    %get3A_0 = arith.constant 0 : index
    %get3A_1 = vector.load %arg1[%get3A, %get3A_0] : memref<128x128xf32, #tpu.memory_space<vmem>>, vector<128x128xf32>
    %get3A_2 = arith.constant 0 : index
    %get3A_3 = arith.constant 0 : index
    %get3A_4 = vector.load %arg2[%get3A_2, %get3A_3] : memref<128x128xf32, #tpu.memory_space<vmem>>, vector<128x128xf32>
    %add3A = arith.addf %get3A_1, %get3A_4 : vector<128x128xf32>
    %get3A_5 = arith.constant 0 : index
    %get3A_6 = arith.constant 0 : index
    %get3A_7 = arith.constant 0 : index
    %get3A_8 = arith.constant 0 : index
    %get3A_9 = vector.load %arg3[%get3A_5, %get3A_6, %get3A_7, %get3A_8] : memref<2x1x128x80xf32, #tpu.memory_space<vmem>>, vector<1x1x128x80xf32>
    %get3A_10 = vector.shape_cast %get3A_9 : vector<1x1x128x80xf32> to vector<128x80xf32>
    %get3A_11 = arith.constant 1 : index
    %get3A_12 = arith.constant 0 : index
    %get3A_13 = arith.constant 0 : index
    %get3A_14 = arith.constant 0 : index
    %get3A_15 = vector.load %arg3[%get3A_11, %get3A_12, %get3A_13, %get3A_14] : memref<2x1x128x80xf32, #tpu.memory_space<vmem>>, vector<1x1x128x80xf32>
    %get3A_16 = vector.shape_cast %get3A_15 : vector<1x1x128x80xf32> to vector<128x80xf32>
    %add3A_17 = arith.addf %get3A_10, %get3A_16 : vector<128x80xf32>
    %iota3A = tpu.iota {dimensions = array<i32: 1>} : vector<128x80xi32>
    %eq3A = vector.broadcast %arg0 : i32 to vector<128x80xi32>
    %eq3A_18 = arith.cmpi eq, %iota3A, %eq3A : vector<128x80xi32>
    %jit3A = arith.constant 0.000000e+00 : f32
    %broadcast_in_dim3A = vector.broadcast %jit3A : f32 to vector<128x80xf32>
    %select_n3A = arith.select %eq3A_18, %add3A_17, %broadcast_in_dim3A : vector<128x80xi1>, vector<128x80xf32>
    %reduce_sum3A = arith.constant dense<0.000000e+00> : vector<128xf32>
    %reduce_sum3A_19 = vector.multi_reduction <add>, %select_n3A, %reduce_sum3A [1] : vector<128x80xf32> to vector<128xf32>
    %broadcast_in_dim3A_20 = vector.shape_cast %reduce_sum3A_19 : vector<128xf32> to vector<128x1xf32>
    %max3A = arith.constant 1.000000e+00 : f32
    %max3A_21 = vector.broadcast %max3A : f32 to vector<128x1xf32>
    %max3A_22 = arith.maximumf %broadcast_in_dim3A_20, %max3A_21 : vector<128x1xf32>
    %rsqrt3A = math.rsqrt %max3A_22 : vector<128x1xf32>
    %get3A_23 = arith.constant 0 : index
    %get3A_24 = arith.constant 0 : index
    %get3A_25 = vector.load %arg4[%get3A_23, %get3A_24] : memref<128x128xf32, #tpu.memory_space<vmem>>, vector<128x128xf32>
    %dot_general3A = arith.constant dense<0.000000e+00> : vector<128x128xf32>
    %dot_general3A_26 = tpu.matmul %add3A, %get3A_25, %dot_general3A {dimension_numbers = #tpu.dot_dimension_numbers<[1], [0], [0], [1], [0, 0, 1, 1], [], []>, transpose_lhs_hint = false} : vector<128x128xf32>, vector<128x128xf32>, vector<128x128xf32> -> vector<128x128xf32>
    %mul3A = vector.broadcast %rsqrt3A : vector<128x1xf32> to vector<128x128xf32>
    %mul3A_27 = arith.mulf %dot_general3A_26, %mul3A : vector<128x128xf32>
    %get3A_28 = arith.constant 0 : index
    %get3A_29 = arith.constant 0 : index
    %get3A_30 = vector.load %arg5[%get3A_28, %get3A_29] : memref<1x128xf32, #tpu.memory_space<vmem>>, vector<1x128xf32>
    %add3A_31 = vector.broadcast %get3A_30 : vector<1x128xf32> to vector<128x128xf32>
    %add3A_32 = arith.addf %mul3A_27, %add3A_31 : vector<128x128xf32>
    %reduce_sum3A_33 = arith.constant dense<0.000000e+00> : vector<128xf32>
    %reduce_sum3A_34 = vector.multi_reduction <add>, %add3A_32, %reduce_sum3A_33 [1] : vector<128x128xf32> to vector<128xf32>
    %broadcast_in_dim3A_35 = vector.shape_cast %reduce_sum3A_34 : vector<128xf32> to vector<128x1xf32>
    %div3A = arith.constant 1.280000e+02 : f32
    %div3A_36 = vector.broadcast %div3A : f32 to vector<128x1xf32>
    %div3A_37 = arith.divf %broadcast_in_dim3A_35, %div3A_36 : vector<128x1xf32>
    %sub3A = vector.broadcast %div3A_37 : vector<128x1xf32> to vector<128x128xf32>
    %sub3A_38 = arith.subf %add3A_32, %sub3A : vector<128x128xf32>
    %mul3A_39 = arith.mulf %sub3A_38, %sub3A_38 : vector<128x128xf32>
    %reduce_sum3A_40 = arith.constant dense<0.000000e+00> : vector<128xf32>
    %reduce_sum3A_41 = vector.multi_reduction <add>, %mul3A_39, %reduce_sum3A_40 [1] : vector<128x128xf32> to vector<128xf32>
    %broadcast_in_dim3A_42 = vector.shape_cast %reduce_sum3A_41 : vector<128xf32> to vector<128x1xf32>
    %div3A_43 = arith.constant 1.280000e+02 : f32
    %div3A_44 = vector.broadcast %div3A_43 : f32 to vector<128x1xf32>
    %div3A_45 = arith.divf %broadcast_in_dim3A_42, %div3A_44 : vector<128x1xf32>
    %add3A_46 = arith.constant 9.99999974E-6 : f32
    %add3A_47 = vector.broadcast %add3A_46 : f32 to vector<128x1xf32>
    %add3A_48 = arith.addf %div3A_45, %add3A_47 : vector<128x1xf32>
    %rsqrt3A_49 = math.rsqrt %add3A_48 : vector<128x1xf32>
    %mul3A_50 = vector.broadcast %rsqrt3A_49 : vector<128x1xf32> to vector<128x128xf32>
    %mul3A_51 = arith.mulf %sub3A_38, %mul3A_50 : vector<128x128xf32>
    %get3A_52 = arith.constant 0 : index
    %get3A_53 = arith.constant 0 : index
    %get3A_54 = vector.load %arg6[%get3A_52, %get3A_53] : memref<1x128xf32, #tpu.memory_space<vmem>>, vector<1x128xf32>
    %mul3A_55 = vector.broadcast %get3A_54 : vector<1x128xf32> to vector<128x128xf32>
    %mul3A_56 = arith.mulf %mul3A_51, %mul3A_55 : vector<128x128xf32>
    %get3A_57 = arith.constant 0 : index
    %get3A_58 = arith.constant 0 : index
    %get3A_59 = vector.load %arg7[%get3A_57, %get3A_58] : memref<1x128xf32, #tpu.memory_space<vmem>>, vector<1x128xf32>
    %add3A_60 = vector.broadcast %get3A_59 : vector<1x128xf32> to vector<128x128xf32>
    %add3A_61 = arith.addf %mul3A_56, %add3A_60 : vector<128x128xf32>
    %get3A_62 = arith.constant 0 : index
    %get3A_63 = arith.constant 0 : index
    %get3A_64 = vector.load %arg8[%get3A_62, %get3A_63] : memref<1x128xf32, #tpu.memory_space<vmem>>, vector<1x128xf32>
    %add3A_65 = vector.broadcast %get3A_64 : vector<1x128xf32> to vector<128x128xf32>
    %add3A_66 = arith.addf %add3A_61, %add3A_65 : vector<128x128xf32>
    %swap3A = arith.constant 0 : index
    %swap3A_67 = arith.constant 0 : index
    %swap3A_68 = vector.load %arg9[%swap3A, %swap3A_67] : memref<128x128xf32, #tpu.memory_space<vmem>>, vector<128x128xf32>
    tpu.vector_store %arg9[%swap3A, %swap3A_67], %add3A_66 {strides = array<i32>} : memref<128x128xf32, #tpu.memory_space<vmem>>, vector<128x128xf32>,
    return
  }
  func.func @transform_0(%arg0: i32) -> (i32, i32) {
    %c0_i32 = arith.constant 0 : i32
    %c0_i32_0 = arith.constant 0 : i32
    return %arg0, %c0_i32 : i32, i32
  }
  func.func @transform_1(%arg0: i32) -> (i32, i32) {
    %c0_i32 = arith.constant 0 : i32
    %c0_i32_0 = arith.constant 0 : i32
    return %arg0, %c0_i32 : i32, i32
  }
  func.func @transform_2(%arg0: i32) -> (i32, i32, i32, i32) {
    %c0_i32 = arith.constant 0 : i32
    %c1_i32 = arith.constant 1 : i32
    %c0_i32_0 = arith.constant 0 : i32
    %c0_i32_1 = arith.constant 0 : i32
    %c0_i32_2 = arith.constant 0 : i32
    return %c0_i32, %c1_i32, %c0_i32_0, %c0_i32_1 : i32, i32, i32, i32
  }
  func.func @transform_3(%arg0: i32) -> (i32, i32) {
    %c0_i32 = arith.constant 0 : i32
    %c0_i32_0 = arith.constant 0 : i32
    %c0_i32_1 = arith.constant 0 : i32
    return %c0_i32, %c0_i32_0 : i32, i32
  }
  func.func @transform_4(%arg0: i32) -> (i32, i32) {
    %c0_i32 = arith.constant 0 : i32
    %c0_i32_0 = arith.constant 0 : i32
    %c0_i32_1 = arith.constant 0 : i32
    return %c0_i32, %c0_i32_0 : i32, i32
  }
  func.func @transform_5(%arg0: i32) -> (i32, i32) {
    %c0_i32 = arith.constant 0 : i32
    %c0_i32_0 = arith.constant 0 : i32
    %c0_i32_1 = arith.constant 0 : i32
    return %c0_i32, %c0_i32_0 : i32, i32
  }
  func.func @transform_6(%arg0: i32) -> (i32, i32) {
    %c0_i32 = arith.constant 0 : i32
    %c0_i32_0 = arith.constant 0 : i32
    %c0_i32_1 = arith.constant 0 : i32
    return %c0_i32, %c0_i32_0 : i32, i32
  }
  func.func @transform_7(%arg0: i32) -> (i32, i32) {
    %c0_i32 = arith.constant 0 : i32
    %c0_i32_0 = arith.constant 0 : i32
    %c0_i32_1 = arith.constant 0 : i32
    return %c0_i32, %c0_i32_0 : i32, i32
  }
  func.func @transform_8(%arg0: i32) -> (i32, i32) {
    %c0_i32 = arith.constant 0 : i32
    %c0_i32_0 = arith.constant 0 : i32
    return %arg0, %c0_i32 : i32, i32
  }
}

</mosaic_0001>

<sc_bundles>
// kernel: kernel.6.cloned.1.call-start
scs
__scs_entry_jumppad:
0x0: {  	(pc) =	sbr.rel $0x88, $3  }
0x1: {  	(tag) =	ssettag $0x0;
	lr =	simm.s32 $0x1  }
0x2: {  	[smem:$0x3F9A] =	sst lr;
	_ =	strace $0xD0000000  }
0x3: {  	_ = 	snop  }
0x4: {  	_ = 	snop  }
0x5: {  	_ = 	snop  }
0x6: {  	_ = 	snop  }
0x7: {  	_ = 	snop  }
__scs_overlays_trampoline_lowered:
0x8: {  	[smem:$0x3FA9] =	sst s0  }
0x9: {  	[smem:$0x3FAA] =	sst s1  }
0xa: {  	[smem:$0x3FAB] =	sst s2  }
0xb: {  	[smem:$0x3FAC] =	sst s3  }
0xc: {  	[smem:$0x3FAD] =	sst s4  }
0xd: {  	[smem:$0x3FAE] =	sst s5  }
0xe: {  	[smem:$0x3FAF] =	sst s6  }
0xf: {  	[smem:$0x3FB0] =	sst s7  }
0x10: {  	[smem:$0x3FB1] =	sst s8  }
0x11: {  	[smem:$0x3FB2] =	sst s9;
	s0 =	simm.s32 @!p0 $0x0  }
0x12: {  	s1 =	sld [smem:$0x3F98];
	s0 =	simm.s32 @p0 $0x1  }
0x13: {  	[smem:$0x3FB3] =	sst s0;
	s0 =	simm.s32 @!p1 $0x0  }
0x14: {  	s2 =	sld [smem:$0x3F97];
	s0 =	simm.s32 @p1 $0x1  }
0x15: {  	[smem:$0x3FB4] =	sst s0;
	s0 =	simm.s32 @!p2 $0x0  }
0x16: {  	s3 =	sld [smem:$0x3FDB];
	s0 =	simm.s32 @p2 $0x1  }
0x17: {  	s4 =	simm.s32 $0x1BF5;
	[smem:$0x3FB6] =	sst s0  }
0x18: {  	s0 =	sld [smem:$0x3F99];
	_ =	swait.ge [sflag:s4], $0x0  }
0x19: {  	s7 =	sld [smem:$0x3F9A]  }
0x1a: {  	s8 =	sadd.s32 $0xFFFFE003, lr  }
0x1b: {  	s9 =	sadd.s32 $0xFFFFFEF7, lr;
	s5 =	simm.s32 $0xFFFFFFFF;
	p2 =	slt.u32 s8, $0xFFFFF086  }
0x1c: {  	p1 =	slt.u32 s9, $0xF7A;
	s5 =	simm.s32 @!p2 $0x0  }
0x1d: {  	s5 =	simm.s32 @p1 $0x1;
	p0 =	seq.s32 s7, s2  }
0x1e: {  	s7 =	smul.u32 @!p0 $0xF7A, s2;
	p2 =	seq.s32 @!p0 s5, $0x0  }
0x1f: {  	s9 =	smul.u32 $0xF7A, s1;
	s8 =	simm.s32 @!p0 $0x1BF5;
	p2 =	por !p2, p0  }
0x20: {  	[sflag:s8] =	ssyncset.s32 @!p0 $0xFFFFF086;
	s6 =	sadd.s32 @!p0 s3, s7;
	s7 =	simm.s32 @!p0 $0x108  }
0x21: {  	s3 =	sadd.s32 s3, s9;
	s6 =	sadd.s32 @!p0 $0x88, s6;
	s7 =	simm.s32 @p2 $0x1082  }
0x22: {  	[simem:s7], [sflag:s8] =	dma.local @!p0 [hbm:s6], $0xF7A  }
0x23: {  	s9 =	sor.u32 $0xD0000000, s2;
	s6 =	simm.s32 $0x108;
	_ =	swait.ge @!p0 [sflag:s8], $0x0  }
0x24: {  	s3 =	sadd.s32 $0x88, s3;
	s6 =	simm.s32 @!p1 $0x1082;
	[sflag:s4] =	ssyncset.s32 $0xFFFFF086  }
0x25: {  	[simem:s6], [sflag:s4] =	dma.local [hbm:s3], $0xF7A  }
0x26: {  	[smem:$0x3F9A] =	sst s1;
	(tag) =	ssettag s2;
	_ =	strace s9  }
0x27: {  	s1 =	sld [smem:$0x3FAA]  }
0x28: {  	s2 =	sld [smem:$0x3FAB]  }
0x29: {  	s4 =	sld [smem:$0x3FAD]  }
0x2a: {  	p0 =	seq.s32 s5, $0x0;
	s5 =	sld [smem:$0x3FAE]  }
0x2b: {  	s6 =	sld [smem:$0x3FAF]  }
0x2c: {  	s7 =	sld [smem:$0x3FB0]  }
0x2d: {  	s3 =	simm.s32 $0x108;
	s8 =	sld [smem:$0x3FB1]  }
0x2e: {  	s3 =	simm.s32 @!p0 $0x1082;
	s9 =	sld [smem:$0x3FB2]  }
0x2f: {  	lr =	sadd.s32 s0, s3;
	s0 =	sld [smem:$0x3FA9]  }
0x30: {  	s3 =	sld [smem:$0x3FAC]  }
0x31: {  	[smem:$0x3FB5] =	sst s10  }
0x32: {  	s10 =	sld [smem:$0x3FB3];
	_ =	sdelay $0x3  }
0x33: {  	p0 =	seq.s32 s10, $0x1;
	s10 =	sld [smem:$0x3FB5];
	_ =	sdelay $0x3  }
0x34: {  	[smem:$0x3FB5] =	sst s10  }
0x35: {  	s10 =	sld [smem:$0x3FB4];
	_ =	sdelay $0x3  }
0x36: {  	p1 =	seq.s32 s10, $0x1;
	s10 =	sld [smem:$0x3FB5];
	_ =	sdelay $0x3  }
0x37: {  	[smem:$0x3FB5] =	sst s10  }
0x38: {  	s10 =	sld [smem:$0x3FB6]  }
0x39: {  	_ = 	snop;
	(pc) =	sbr.ind lr, $3  }
0x3a: {  	_ = 	snop  }
0x3b: {  	_ = 	snop  }
0x3c: {  	p2 =	seq.s32 s10, $0x1;
	s10 =	sld [smem:$0x3FB5]  }
0x3d: {  	_ =	shalt  }
0x3e: {  	_ =	shalt  }
0x3f: {  	_ =	shalt  }
0x40: {  	_ =	shalt  }
0x41: {  	_ =	shalt  }
0x42: {  	_ =	shalt  }
0x43: {  	_ =	shalt  }
0x44: {  	_ =	shalt  }
0x45: {  	_ =	shalt  }
0x46: {  	_ =	shalt  }
0x47: {  	_ =	shalt  }
0x48: {  	_ =	shalt  }
0x49: {  	_ =	shalt  }
0x4a: {  	_ =	shalt  }
0x4b: {  	_ =	shalt  }
0x4c: {  	_ =	shalt  }
0x4d: {  	_ =	shalt  }
0x4e: {  	_ =	shalt  }
0x4f: {  	_ =	shalt  }
0x50: {  	_ =	shalt  }
0x51: {  	_ =	shalt  }
0x52: {  	_ =	shalt  }
0x53: {  	_ =	shalt  }
0x54: {  	_ =	shalt  }
0x55: {  	_ =	shalt  }
0x56: {  	_ =	shalt  }
0x57: {  	_ =	shalt  }
0x58: {  	_ =	shalt  }
0x59: {  	_ =	shalt  }
0x5a: {  	_ =	shalt  }
0x5b: {  	_ =	shalt  }
0x5c: {  	_ =	shalt  }
0x5d: {  	_ =	shalt  }
0x5e: {  	_ =	shalt  }
0x5f: {  	_ =	shalt  }
0x60: {  	_ =	shalt  }
0x61: {  	_ =	shalt  }
0x62: {  	_ =	shalt  }
0x63: {  	_ =	shalt  }
0x64: {  	_ =	shalt  }
0x65: {  	_ =	shalt  }
0x66: {  	_ =	shalt  }
0x67: {  	_ =	shalt  }
0x68: {  	_ =	shalt  }
0x69: {  	_ =	shalt  }
0x6a: {  	_ =	shalt  }
0x6b: {  	_ =	shalt  }
0x6c: {  	_ =	shalt  }
0x6d: {  	_ =	shalt  }
0x6e: {  	_ =	shalt  }
0x6f: {  	_ =	shalt  }
0x70: {  	_ =	shalt  }
0x71: {  	_ =	shalt  }
0x72: {  	_ =	shalt  }
0x73: {  	_ =	shalt  }
0x74: {  	_ =	shalt  }
0x75: {  	_ =	shalt  }
0x76: {  	_ =	shalt  }
0x77: {  	_ =	shalt  }
0x78: {  	_ =	shalt  }
0x79: {  	_ =	shalt  }
0x7a: {  	_ =	shalt  }
0x7b: {  	_ =	shalt  }
0x7c: {  	_ =	shalt  }
0x7d: {  	_ =	shalt  }
0x7e: {  	_ =	shalt  }
0x7f: {  	_ =	shalt  }
0x80: {  	_ =	shalt  }
0x81: {  	_ =	shalt  }
0x82: {  	_ =	shalt  }
0x83: {  	_ =	shalt  }
0x84: {  	_ =	shalt  }
0x85: {  	_ =	shalt  }
0x86: {  	_ =	shalt  }
0x87: {  	_ =	shalt  }
.Lfunc_end0:
.L_simem_size_0:
called_computation_lowered:
.L_overlay_start_0:
0x88: {  	s2 =	sld [smem:$0x3FD9]  }
0x89: {  	s3 =	sld [smem:$0x3FFE];
	_ =	sdelay $0x1  }
0x8a: {  	s1 =	srdreg.scid  }
0x8b: {  	s0 =	sand.u32 $0x1, s1  }
0x8c: {  	s17 =	sshll.u32 s0, $0xA;
	s2 =	sadd.s32 s3, s2  }
0x8d: {  	s2 =	sadd.s32 s2, s17  }
0x8e: {  	[smem:$0x3FC1] =	sst s2  }
0x8f: {  	_ = 	snop  }
0x90: {  	s2 =	sld [smem:$0x3FD0];
	(tm) =	ssettm $0x1  }
0x91: {  	s18 =	sld [smem:$0x3FFB];
	_ =	sdelay $0x3  }
0x92: {  	_ =	strace s18  }
0x93: {  	s3 =	sld [smem:$0x3FFC];
	_ =	sdelay $0x3  }
0x94: {  	_ =	strace s3  }
0x95: {  	s3 =	sld [smem:$0x3FFD];
	_ =	sdelay $0x3  }
0x96: {  	_ =	strace s3  }
0x97: {  	_ =	strace $0x8FFFFFFF  }
0x98: {  	s19 =	sld [smem:$0x3FDB];
	_ =	sdelay $0x1  }
0x99: {  	s4 =	simm.s32 $_scs_section_size  }
0x9a: {  	s5 =	simm.s32 $_size__tile_overlayer_lowered;
	s6 =	simm.s32 $_tile_overlayer_lowered  }
0x9b: {  	s22 =	simm.s32 $0x1BFF;
	s21 =	sshll.u32 s6, $0x1;
	s3 =	sadd.s32 s4, s19  }
0x9c: {  	s7 =	simm.s32 $0x0;
	s20 =	sshll.u32 s5, $0x1;
	s5 =	sadd.s32 s21, s3  }
0x9d: {  	[timem:s7], [sflag:s22] =	dma.local [hbm:s5], s20  }
0x9e: {  	_ =	swait.ge [sflag:s22], s20  }
0x9f: {  	s4 =	ssub.s32 $0x0, s20;
	[sflag:s22] =	ssyncset.done $0x0  }
0xa0: {  	[sflag:s22] =	ssyncadd.s32 s4;
	_ =	sdelay $0x1  }
0xa1: {  	s23 =	simm.s32 $0x1B8B  }
0xa2: {  	_ =	swait.ge [sflag:s23], $0x1  }
0xa3: {  	[sflag:s23] =	ssyncset.done $0x0  }
0xa4: {  	s25 =	simm.s32 $0x1B8E;
	s24 =	sld [smem:$0x3FFE];
	[sflag:s23] =	ssyncadd.s32 $0xFFFFFFFF  }
0xa5: {  	s26 =	simm.s32 $execute0_lowered;
	[smem:$0x3FD2] =	sst s25  }
0xa6: {  	s5 =	sshll.u32 s26, $0x1;
	_ =	strace $0x80000046;
	[dreg:$0x1] =	wrdreg $0xFFFFFFFF  }
0xa7: {  	s28 =	simm.s32 $_size_execute0_lowered;
	s3 =	sadd.s32 s3, s5;
	[dreg:$0x0] =	wrdreg $0x0  }
0xa8: {  	s5 =	sshll.u32 s28, $0x1;
	[dreg:$0x2] =	wrdreg s3  }
0xa9: {  	[dreg:$0x3] =	wrdreg s5  }
0xaa: {  	[dreg:$0x4] =	wrdreg $0xC0  }
0xab: {  	_ =	task [dreg:s7], $0x5FFFF  }
0xac: {  	[dreg:$0x1] =	wrdreg $0xFFFFFFFF  }
0xad: {  	[dreg:$0x0] =	wrdreg $0x60  }
0xae: {  	[dreg:$0x2] =	wrdreg s24  }
0xaf: {  	[dreg:$0x3] =	wrdreg s2  }
0xb0: {  	[dreg:$0x4] =	wrdreg $0x7B000  }
0xb1: {  	[dreg:$0x5] =	wrdreg $0x7D880  }
0xb2: {  	[dreg:$0x6] =	wrdreg $0x9  }
0xb3: {  	_ =	task.clear_ibuf [dreg:s7], $0x7FFFF;
	_ =	strace $0x90000046  }
0xb4: {  	s29 =	simm.s32 $0x9;
	_ =	strace $0x80000048  }
0xb5: {  	_ =	swait.ge [sflag:s29], $0x1  }
0xb6: {  	[sflag:s29] =	ssyncadd.s32 $0xFFFFFFFF  }
0xb7: {  	_ =	strace $0x90000048  }
0xb8: {  	_ =	sfence  }
0xb9: {  	s30 =	sld [smem:$0x0];
	_ =	sdelay $0x2  }
0xba: {  	s31 =	sshll.u32 s1, $0xD;
	s1 =	sshrl.u32 s1, $0x2  }
0xbb: {  	s3 =	sand.u32 $0x4000, s31;
	s1 =	sadd.s32 s1, s30  }
0xbc: {  	s0 =	sor.u32 s3, s0;
	s1 =	sshll.u32 s1, $0x11  }
0xbd: {  	s0 =	sor.u32 s1, s0  }
0xbe: {  	s0 =	sadd.s32 $0x8F2B, s0  }
0xbf: {  	[sflag:s0] =	ssyncadd.remote.s32 $0x1  }
0xc0: {  	_ =	sfence.sel $0xFFFF  }
0xc1: {  	[dreg:$0x0] =	wrdreg $0xFFFFFFFF;
	(pc) =	sbr.abs _section_cstart, $3  }
0xc2: {  	[dreg:$0x1] =	wrdreg $0xFFFFFFFF  }
0xc3: {  	_ =	task.clear_ibuf [dreg:s7], $0x2FFFF;
	_ =	strace $0x9FFFFFFF  }
0xc4: {  	(tm) =	ssettm $0x7FFFFFFF  }
0xc5: {  	_ =	shalt  }
tec
execute0_lowered:
.L_overlay_start_1:
0x0: {  	(tag) =	ssettag $0x1  }
0x1: {  	s5 =	rddreg [dreg:$0x0]  }
0x2: {  	s7 =	rddreg [dreg:$0x1]  }
0x3: {  	s0 =	srdreg.scid;
	s2 =	rddreg [dreg:$0x2]  }
0x4: {  	s3 =	rddreg [dreg:$0x3];
	s4 =	simm.s32 $0x0;
	s14 =	simm.s32 $0x80  }
0x5: {  	s15 =	simm.s32 $0x7800;
	s16 =	simm.s32 $0x1;
	s6 =	sand.u32 $0x1, s0  }
0x6: {  	s17 =	simm.s32 $0x2;
	s0 =	stileid.u32;
	s9 =	smul.u32 $0x5000, s6  }
0x7: {  	s19 =	simm.s32 $0x20;
	s20 =	simm.s32 $0x10;
	s11 =	smul.u32 $0x500, s0  }
0x8: {  	s21 =	simm.s32 $0x0;
	[smem:$0x7FF] =	sst s4;
	s13 =	smul.u32 $0x280, s0  }
0x9: {  	s1 =	sshll.u32 s6, $0x4;
	s10 =	ssub.s32 $0x2, s6;
	s30 =	smul.u32 $0x500, s6  }
0xa: {  	s31 =	smul.u32 $0x50, s0;
	s18 =	sshll.u32 s0, $0x6;
	s1 =	sor.u32 s0, s1  }
0xb: {  	s12 =	sshrl.u32 s10, $0x1;
	s18 =	sor.u32 $0x1C03, s18;
	s8 =	smul.u32 $0x500, s1  }
0xc: {  	s1 =	rddreg [dreg:$0x4];
	_ =	strace $0x80000047;
	s10 =	ssub.s32 s10, s12  }
0xd: {  	v0 =	vimm.f32 $0.0e+00;
	v9 =	vlaneseq.u32;
	s9 =	sadd.s32 s11, s9;
	s6 =	sadd.s32 s13, s3;
	s11 =	sadd.s32 s31, s30  }
0xe: {  	v1 =	vimm.f32 $1.000000000e+00;
	v2 =	vor.u32 $0x2800, v9;
	v3 =	vor.u32 $0x2810, v9;
	s12 =	simm.s32 $0x7880;
	s9 =	sshrl.u32 s9, $0x3;
	s10 =	smax.u32 s10, $0x1  }
0xf: {  	v4 =	vor.u32 $0x2820, v9;
	v5 =	vor.u32 $0x2830, v9;
	v6 =	vor.u32 $0x2840, v9;
	s8 =	sadd.s32 s8, s5;
	s5 =	sadd.s32 s13, s2;
	s7 =	sadd.s32 s7, s9  }
0x10: {  	v7 =	vor.u32 $0x2850, v9;
	v8 =	vor.u32 $0x2860, v9;
	v9 =	vor.u32 $0x2870, v9;
	s13 =	simm.s32 $0x3;
	s8 =	sadd.s32 $0x1E00, s8;
	s9 =	sadd.s32 $0x10, s7  }
.LBB2_1:
0x11: {  	[tilespmem:$0x7880] =	vst v0  }
0x12: {  	[tilespmem:$0x7890] =	vst v0  }
0x13: {  	[tilespmem:$0x78A0] =	vst v0  }
0x14: {  	[tilespmem:$0x78B0] =	vst v0  }
0x15: {  	[tilespmem:$0x78C0] =	vst v0  }
0x16: {  	[tilespmem:$0x78D0] =	vst v0  }
0x17: {  	[tilespmem:$0x78E0] =	vst v0  }
0x18: {  	[tilespmem:$0x78F0] =	vst v0  }
0x19: {  	[tilespmem:$0x7900] =	vst v0  }
0x1a: {  	[tilespmem:$0x7910] =	vst v0  }
0x1b: {  	[tilespmem:$0x7920] =	vst v0  }
0x1c: {  	[tilespmem:$0x7930] =	vst v0  }
0x1d: {  	[tilespmem:$0x7940] =	vst v0  }
0x1e: {  	[tilespmem:$0x7950] =	vst v0  }
0x1f: {  	[tilespmem:$0x7960] =	vst v0  }
0x20: {  	[tilespmem:$0x7970] =	vst v0  }
0x21: {  	[tilespmem:$0x7980] =	vst v0  }
0x22: {  	[tilespmem:$0x7990] =	vst v0  }
0x23: {  	[tilespmem:$0x79A0] =	vst v0  }
0x24: {  	[tilespmem:$0x79B0] =	vst v0  }
0x25: {  	[tilespmem:$0x79C0] =	vst v0  }
0x26: {  	[tilespmem:$0x79D0] =	vst v0  }
0x27: {  	[tilespmem:$0x79E0] =	vst v0  }
0x28: {  	[tilespmem:$0x79F0] =	vst v0  }
0x29: {  	[tilespmem:$0x7A00] =	vst v0  }
0x2a: {  	[tilespmem:$0x7A10] =	vst v0  }
0x2b: {  	[tilespmem:$0x7A20] =	vst v0  }
0x2c: {  	[tilespmem:$0x7A30] =	vst v0  }
0x2d: {  	[tilespmem:$0x7A40] =	vst v0  }
0x2e: {  	[tilespmem:$0x7A50] =	vst v0  }
0x2f: {  	[tilespmem:$0x7A60] =	vst v0  }
0x30: {  	[tilespmem:$0x7A70] =	vst v0  }
0x31: {  	[tilespmem:$0x7A80] =	vst v0  }
0x32: {  	[tilespmem:$0x7A90] =	vst v0  }
0x33: {  	[tilespmem:$0x7AA0] =	vst v0  }
0x34: {  	[tilespmem:$0x7AB0] =	vst v0  }
0x35: {  	[tilespmem:$0x7AC0] =	vst v0  }
0x36: {  	[tilespmem:$0x7AD0] =	vst v0  }
0x37: {  	[tilespmem:$0x7AE0] =	vst v0  }
0x38: {  	[tilespmem:$0x7AF0] =	vst v0  }
0x39: {  	[tilespmem:$0x7800] =	vst v1  }
0x3a: {  	[tilespmem:$0x7810] =	vst v1  }
0x3b: {  	[tilespmem:$0x7820] =	vst v1  }
0x3c: {  	[tilespmem:$0x7830] =	vst v1  }
0x3d: {  	[tilespmem:$0x7840] =	vst v1  }
0x3e: {  	[tilespmem:$0x7850] =	vst v1  }
0x3f: {  	[tilespmem:$0x7860] =	vst v1  }
0x40: {  	[tilespmem:$0x7870] =	vst v1  }
0x41: {  	[spmem:s5] =	stream.linear.scatter [tilespmem:s12], [sflag:$0x3], $0x280, $0x38;
	[tilespmem:$0x8010] =	vst v63  }
0x42: {  	_ =	swait.ge [sflag:s13], $0x280  }
0x43: {  	[sflag:s13] =	ssyncset.done $0x0  }
0x44: {  	[sflag:s13] =	ssyncadd.s32 $0xFFFFFD80  }
0x45: {  	[spmem:s6] =	stream.linear.scatter [tilespmem:s12], [sflag:$0x3], $0x280, $0x38;
	[tilespmem:$0x8010] =	vst v63  }
0x46: {  	_ =	swait.ge [sflag:s13], $0x280  }
0x47: {  	[sflag:s13] =	ssyncset.done $0x0  }
0x48: {  	[sflag:s13] =	ssyncadd.s32 $0xFFFFFD80  }
0x49: {  	[tilespmem:s4], [sflag:$0x3] =	stream.linear.gather [hbm4b:s8+s4], $0x2800, $0x38;
	[tilespmem:$0x8010] =	vst v63  }
0x4a: {  	_ =	swait.ge [sflag:s13], $0x2800  }
0x4b: {  	[sflag:s13] =	ssyncset.done $0x0  }
0x4c: {  	[sflag:s13] =	ssyncadd.s32 $0xFFFFD800  }
0x4d: {  	s22 =	simm.s32 $0x0;
	[bflag:$0x0] =	sbarrier.arrive $0xFFFF  }
0x4e: {  	v10 =	vld [tilespmem:s22+$0x0];
	_ =	sdelay $0x2  }
0x4f: {  	v11 =	vld [tilespmem:s22+$0x10];
	_ =	sdelay $0x1  }
0x50: {  	v12 =	vand.u32 $0x7F, v10  }
0x51: {  	v13 =	vshrl.u32 v10, $0xE;
	v14 =	vshrl.u32 v10, $0x7;
	v12 =	vmul.u32 $0x50, v12  }
0x52: {  	v20 =	vld [tilespmem:s22+$0x40];
	v10 =	vshrl.u32 v10, $0x15;
	v14 =	vand.u32 $0x7F, v14;
	v13 =	vand.u32 $0x7F, v13  }
0x53: {  	p0 =	slt.u32 s11, $0x9C4;
	v15 =	vand.u32 $0x7F, v11;
	v13 =	vmul.u32 $0x50, v13;
	v12 =	vadd.s32 v14, v12;
	v14 =	vld [tilespmem:s22+$0x20]  }
0x54: {  	v17 =	vshrl.u32 v11, $0x7;
	v15 =	vmul.u32 $0x50, v15;
	v16 =	vpsel p0, v12, v2  }
0x55: {  	v12 =	vshrl.u32 v11, $0xE;
	v10 =	vadd.s32 v10, v13;
	v13 =	vand.u32 $0x7F, v17  }
0x56: {  	v12 =	vand.u32 $0x7F, v12;
	v17 =	vpsel p0, v10, v2;
	v10 =	vadd.s32 v13, v15;
	v13 =	vld [tilespmem:s22+$0x30]  }
0x57: {  	v23 =	vshrl.u32 v20, $0x7;
	v12 =	vmul.u32 $0x50, v12  }
0x58: {  	v11 =	vshrl.u32 v11, $0x15;
	v18 =	vpsel p0, v10, v3;
	v10 =	vand.u32 $0x7F, v14  }
0x59: {  	v11 =	vadd.s32 v11, v12;
	v15 =	vshrl.u32 v14, $0x7;
	v10 =	vmul.u32 $0x50, v10  }
0x5a: {  	v12 =	vshrl.u32 v14, $0xE;
	v19 =	vpsel p0, v11, v3;
	v11 =	vand.u32 $0x7F, v15  }
0x5b: {  	v12 =	vand.u32 $0x7F, v12;
	v15 =	vand.u32 $0x7F, v13;
	v10 =	vadd.s32 v11, v10  }
0x5c: {  	v11 =	vmul.u32 $0x50, v12;
	v12 =	vshrl.u32 v14, $0x15;
	v14 =	vshrl.u32 v13, $0xE  }
0x5d: {  	v21 =	vshrl.u32 v13, $0x7;
	v15 =	vmul.u32 $0x50, v15;
	v14 =	vand.u32 $0x7F, v14  }
0x5e: {  	v11 =	vadd.s32 v12, v11;
	v12 =	vand.u32 $0x7F, v21;
	v14 =	vmul.u32 $0x50, v14  }
0x5f: {  	v13 =	vshrl.u32 v13, $0x15;
	v10 =	vpsel p0, v10, v4;
	v12 =	vadd.s32 v12, v15;
	v15 =	vld [tilespmem:s22+$0x50]  }
0x60: {  	v21 =	vshrl.u32 v20, $0xE;
	v13 =	vadd.s32 v13, v14;
	v14 =	vand.u32 $0x7F, v20  }
0x61: {  	v11 =	vpsel p0, v11, v4;
	v21 =	vand.u32 $0x7F, v21;
	v22 =	vmul.u32 $0x50, v14  }
0x62: {  	[tilespmem:s22+$0x2800] =	vst v16;
	v21 =	vmul.u32 $0x50, v21;
	v14 =	vpsel p0, v13, v5;
	v13 =	vand.u32 $0x7F, v23  }
0x63: {  	[tilespmem:s22+$0x5000] =	vst v17;
	v12 =	vpsel p0, v12, v5;
	v20 =	vshrl.u32 v20, $0x15;
	v16 =	vadd.s32 v13, v22;
	v13 =	vld [tilespmem:s22+$0x60]  }
0x64: {  	[tilespmem:s22+$0x5010] =	vst v19;
	v19 =	vadd.s32 v20, v21;
	v22 =	vshrl.u32 v15, $0xE;
	v17 =	vand.u32 $0x7F, v15  }
0x65: {  	[tilespmem:s22+$0x2810] =	vst v18;
	v18 =	vshrl.u32 v15, $0x7;
	v17 =	vmul.u32 $0x50, v17;
	v22 =	vand.u32 $0x7F, v22  }
0x66: {  	s23 =	simm.s32 $0x200;
	s24 =	smov.u32 s11;
	v16 =	vpsel p0, v16, v6;
	v20 =	vand.u32 $0x7F, v18;
	v18 =	vmul.u32 $0x50, v22  }
.LBB2_2:
0x67: {  	p1 =	sne.s32 s23, $0x9E00;
	[tilespmem:s22+$0x2820] =	vst v10;
	v10 =	vpsel p0, v19, v6;
	v17 =	vadd.s32 v20, v17;
	v15 =	vshrl.u32 v15, $0x15;
	v19 =	vld [tilespmem:s22+$0x70]  }
0x68: {  	[tilespmem:s22+$0x5020] =	vst v11;
	v11 =	vadd.s32 v15, v18;
	v15 =	vpsel p0, v17, v7;
	v17 =	vand.u32 $0x7F, v13  }
0x69: {  	v18 =	vshrl.u32 v13, $0x7;
	[tilespmem:s22+$0x2830] =	vst v12;
	v12 =	vshrl.u32 v13, $0xE;
	v17 =	vmul.u32 $0x50, v17  }
0x6a: {  	v11 =	vpsel p0, v11, v7;
	[tilespmem:s22+$0x5030] =	vst v14;
	v14 =	vand.u32 $0x7F, v18;
	v12 =	vand.u32 $0x7F, v12  }
0x6b: {  	v13 =	vshrl.u32 v13, $0x15;
	[tilespmem:s22+$0x2840] =	vst v16;
	v14 =	vadd.s32 v14, v17;
	v12 =	vmul.u32 $0x50, v12  }
0x6c: {  	[tilespmem:s22+$0x5040] =	vst v10;
	v10 =	vpsel p0, v14, v8;
	v14 =	vshrl.u32 v19, $0xE;
	v16 =	vand.u32 $0x7F, v19  }
0x6d: {  	[tilespmem:s22+$0x2850] =	vst v15;
	v15 =	vmul.u32 $0x50, v16;
	v16 =	vshrl.u32 v19, $0x7;
	v14 =	vand.u32 $0x7F, v14  }
0x6e: {  	[tilespmem:s22+$0x5050] =	vst v11;
	v11 =	vadd.s32 v13, v12;
	v12 =	vand.u32 $0x7F, v16;
	v13 =	vmul.u32 $0x50, v14  }
0x6f: {  	[tilespmem:s22+$0x2860] =	vst v10;
	v10 =	vpsel p0, v11, v8;
	v11 =	vadd.s32 v12, v15;
	v12 =	vshrl.u32 v19, $0x15  }
0x70: {  	[tilespmem:s22+$0x5060] =	vst v10;
	v10 =	vadd.s32 v12, v13;
	v11 =	vpsel p0, v11, v9  }
0x71: {  	s25 =	sadd.s32 $0x2800, s22;
	[tilespmem:s22+$0x2870] =	vst v11;
	v10 =	vpsel p0, v10, v9  }
0x72: {  	[tilespmem:s22+$0x5070] =	vst v10;
	[spmem:s2] =	stream.indirect.scatter.add.f32 [tilespmem:s15], [sflag:$0x1], $0x1, s25, s14, $0xb8  }
0x73: {  	s25 =	sadd.s32 $0x5000, s22;
	s22 =	sshra.s32 s23, $0x2  }
0x74: {  	[spmem:s3] =	stream.indirect.scatter.add.f32 [tilespmem:s15], [sflag:$0x2], $0x1, s25, s14, $0xb8;
	[tilespmem:$0x8010] =	vst v63  }
0x75: {  	v10 =	vld [tilespmem:s22+$0x0];
	_ =	sdelay $0x3  }
0x76: {  	v11 =	vld [tilespmem:s22+$0x10]  }
0x77: {  	v12 =	vand.u32 $0x7F, v10  }
0x78: {  	v13 =	vshrl.u32 v10, $0xE;
	v14 =	vshrl.u32 v10, $0x7;
	v12 =	vmul.u32 $0x50, v12  }
0x79: {  	s24 =	sadd.s32 $0x1, s24;
	v14 =	vand.u32 $0x7F, v14;
	v13 =	vand.u32 $0x7F, v13  }
0x7a: {  	p0 =	slt.u32 s24, $0x9C4;
	v10 =	vshrl.u32 v10, $0x15;
	v13 =	vmul.u32 $0x50, v13;
	v12 =	vadd.s32 v14, v12;
	v14 =	vld [tilespmem:s22+$0x20]  }
0x7b: {  	v16 =	vpsel p0, v12, v2;
	v12 =	vshrl.u32 v11, $0xE;
	v15 =	vand.u32 $0x7F, v11  }
0x7c: {  	v17 =	vshrl.u32 v11, $0x7;
	v15 =	vmul.u32 $0x50, v15;
	v12 =	vand.u32 $0x7F, v12  }
0x7d: {  	v10 =	vadd.s32 v10, v13;
	v13 =	vand.u32 $0x7F, v17;
	v12 =	vmul.u32 $0x50, v12  }
0x7e: {  	v11 =	vshrl.u32 v11, $0x15;
	v17 =	vpsel p0, v10, v2;
	v10 =	vadd.s32 v13, v15;
	v13 =	vld [tilespmem:s22+$0x30]  }
0x7f: {  	v11 =	vadd.s32 v11, v12;
	v18 =	vpsel p0, v10, v3;
	v10 =	vand.u32 $0x7F, v14  }
0x80: {  	v12 =	vshrl.u32 v14, $0xE;
	v15 =	vshrl.u32 v14, $0x7;
	v10 =	vmul.u32 $0x50, v10  }
0x81: {  	v19 =	vpsel p0, v11, v3;
	v11 =	vand.u32 $0x7F, v15;
	v12 =	vand.u32 $0x7F, v12  }
0x82: {  	v10 =	vadd.s32 v11, v10;
	v11 =	vmul.u32 $0x50, v12;
	v12 =	vshrl.u32 v14, $0x15;
	v20 =	vld [tilespmem:s22+$0x40]  }
0x83: {  	v10 =	vpsel p0, v10, v4;
	v14 =	vshrl.u32 v13, $0xE;
	v15 =	vand.u32 $0x7F, v13  }
0x84: {  	v21 =	vshrl.u32 v13, $0x7;
	v15 =	vmul.u32 $0x50, v15;
	v14 =	vand.u32 $0x7F, v14  }
0x85: {  	v11 =	vadd.s32 v12, v11;
	v12 =	vand.u32 $0x7F, v21;
	v14 =	vmul.u32 $0x50, v14  }
0x86: {  	v13 =	vshrl.u32 v13, $0x15;
	v11 =	vpsel p0, v11, v4;
	v12 =	vadd.s32 v12, v15;
	v15 =	vld [tilespmem:s22+$0x50]  }
0x87: {  	v13 =	vadd.s32 v13, v14;
	v12 =	vpsel p0, v12, v5;
	v14 =	vand.u32 $0x7F, v20  }
0x88: {  	v21 =	vshrl.u32 v20, $0xE;
	v23 =	vshrl.u32 v20, $0x7;
	v22 =	vmul.u32 $0x50, v14  }
.Ltmp0:
0x89: {  	v14 =	vpsel p0, v13, v5;
	v13 =	vand.u32 $0x7F, v23;
	v21 =	vand.u32 $0x7F, v21;
	(pc) =	sbr.rel @p1 .LBB2_2-.Ltmp0, $4  }
0x8a: {  	v20 =	vshrl.u32 v20, $0x15;
	v21 =	vmul.u32 $0x50, v21;
	[tilespmem:s22+$0x2800] =	vst v16;
	v16 =	vadd.s32 v13, v22;
	v13 =	vld [tilespmem:s22+$0x60]  }
0x8b: {  	[tilespmem:s22+$0x5000] =	vst v17;
	v16 =	vpsel p0, v16, v6;
	v22 =	vshrl.u32 v15, $0xE;
	v17 =	vand.u32 $0x7F, v15  }
0x8c: {  	[tilespmem:s22+$0x2810] =	vst v18;
	v17 =	vmul.u32 $0x50, v17;
	v18 =	vshrl.u32 v15, $0x7;
	v22 =	vand.u32 $0x7F, v22  }
0x8d: {  	s23 =	sadd.s32 $0x200, s23;
	[tilespmem:s22+$0x5010] =	vst v19;
	v19 =	vadd.s32 v20, v21;
	v20 =	vand.u32 $0x7F, v18;
	v18 =	vmul.u32 $0x50, v22  }
0x8e: {  	[tilespmem:s22+$0x2820] =	vst v10;
	v10 =	vpsel p0, v19, v6;
	v17 =	vadd.s32 v20, v17;
	v15 =	vshrl.u32 v15, $0x15;
	v50 =	vld [tilespmem:s22+$0x70]  }
0x8f: {  	[tilespmem:s22+$0x5020] =	vst v11;
	v11 =	vadd.s32 v15, v18;
	v51 =	vpsel p0, v17, v7;
	v52 =	vand.u32 $0x7F, v13  }
0x90: {  	[tilespmem:s22+$0x2830] =	vst v12;
	v53 =	vshrl.u32 v13, $0xE;
	v54 =	vshrl.u32 v13, $0x7;
	v17 =	vmul.u32 $0x50, v52  }
0x91: {  	[tilespmem:s22+$0x5030] =	vst v14;
	v56 =	vshrl.u32 v13, $0x15;
	v55 =	vand.u32 $0x7F, v54;
	v12 =	vand.u32 $0x7F, v53  }
0x92: {  	[tilespmem:s22+$0x2840] =	vst v16;
	v11 =	vpsel p0, v11, v7;
	v12 =	vmul.u32 $0x50, v12;
	v14 =	vadd.s32 v55, v17  }
0x93: {  	[tilespmem:s22+$0x5040] =	vst v10;
	v10 =	vpsel p0, v14, v8;
	v57 =	vshrl.u32 v50, $0xE;
	v58 =	vand.u32 $0x7F, v50  }
0x94: {  	[tilespmem:s22+$0x2850] =	vst v51;
	v60 =	vshrl.u32 v50, $0x7;
	v59 =	vmul.u32 $0x50, v58;
	v14 =	vand.u32 $0x7F, v57  }
0x95: {  	[tilespmem:s22+$0x5050] =	vst v11;
	v11 =	vadd.s32 v56, v12;
	v61 =	vand.u32 $0x7F, v60;
	v62 =	vmul.u32 $0x50, v14  }
0x96: {  	v63 =	vshrl.u32 v50, $0x15;
	[tilespmem:s22+$0x2860] =	vst v10;
	v10 =	vpsel p0, v11, v8;
	v11 =	vadd.s32 v61, v59  }
0x97: {  	[tilespmem:s22+$0x5060] =	vst v10;
	v10 =	vadd.s32 v63, v62;
	v11 =	vpsel p0, v11, v9  }
0x98: {  	[tilespmem:s22+$0x2870] =	vst v11;
	v10 =	vpsel p0, v10, v9  }
0x99: {  	s23 =	sadd.s32 $0x2800, s22;
	[tilespmem:s22+$0x5070] =	vst v10  }
0x9a: {  	[spmem:s2] =	stream.indirect.scatter.add.f32 [tilespmem:s15], [sflag:$0x1], $0x1, s23, s14, $0xb8;
	[tilespmem:$0x8010] =	vst v63  }
0x9b: {  	s31 =	sadd.s32 $0x5000, s22  }
0x9c: {  	[spmem:s3] =	stream.indirect.scatter.add.f32 [tilespmem:s15], [sflag:$0x2], $0x1, s31, s14, $0xb8;
	[tilespmem:$0x8010] =	vst v63  }
0x9d: {  	_ =	swait.ge [sflag:s16], $0x80  }
0x9e: {  	[sflag:s16] =	ssyncset.done $0x0  }
0x9f: {  	[sflag:s16] =	ssyncadd.s32 $0xFFFFFF80  }
0xa0: {  	_ =	swait.ge [sflag:s17], $0x80  }
0xa1: {  	s22 =	simm.s32 $0x4F;
	[sflag:s17] =	ssyncset.done $0x0  }
.LBB2_4:
0xa2: {  	p0 =	sne.s32 s22, $0x1;
	s22 =	sadd.s32 $0xFFFFFFFF, s22;
	[sflag:s17] =	ssyncadd.s32 $0xFFFFFF80  }
.Ltmp1:
0xa3: {  	_ =	swait.ge [sflag:s16], $0x80;
	(pc) =	sbr.rel @p0 .LBB2_4-.Ltmp1, $4  }
0xa4: {  	[sflag:s16] =	ssyncset.done $0x0  }
0xa5: {  	[sflag:s16] =	ssyncadd.s32 $0xFFFFFF80  }
0xa6: {  	_ =	swait.ge [sflag:s17], $0x80  }
0xa7: {  	[sflag:s17] =	ssyncset.done $0x0  }
0xa8: {  	[sflag:s17] =	ssyncadd.s32 $0xFFFFFF80  }
0xa9: {  	s22 =	sshrl.u32 s5, $0x3;
	[bflag:$0x0] =	sbarrier.arrive $0xFFFF  }
0xaa: {  	[hbm:s7@s19], [sflag:s18] =	dma.strided [spmem:s22@s20], $0x50, s16, $0x10   }
0xab: {  	s21 =	sadd.s32 $0x1, s21;
	_ =	swait.ge [sflag:s13], $0x50  }
0xac: {  	p0 =	sne.s32 s21, s10;
	[sflag:s13] =	ssyncset.done $0x0  }
.Ltmp2:
0xad: {  	s31 =	sshrl.u32 s6, $0x3;
	[sflag:s13] =	ssyncadd.s32 $0xFFFFFFB0;
	(pc) =	sbr.rel @p0 .LBB2_1-.Ltmp2, $4  }
0xae: {  	[hbm:s9@s19], [sflag:s18] =	dma.strided [spmem:s31@s20], $0x50, s16, $0x10   }
0xaf: {  	_ =	swait.ge [sflag:s13], $0x50  }
0xb0: {  	[sflag:s13] =	ssyncset.done $0x0  }
0xb1: {  	[sflag:s13] =	ssyncadd.s32 $0xFFFFFFB0  }
0xb2: {  	_ =	sfence.sel $0x180000  }
0xb3: {  	[bflag:$0x0] =	sbarrier.arrive $0xFFFF  }
0xb4: {  	p0 =	sne.s32 s0, $0x0;
	_ =	strace $0x90000047  }
0xb5: {  	s0 =	sadd.s32 @!p0 $0x100000, s1;
	[bflag:$0x2] =	sbarrier.arrive $0xFFFF  }
0xb6: {  	[sflag:s0] =	ssyncadd.tile.s32 @!p0 $0x1;
	_ =	shalt  }
.Lfunc_end2:
_tile_overlayer_lowered:
.L_overlay_start_2:
0xb7: {  	(tag) =	ssettag $0x2  }
0xb8: {  	s0 =	rddreg [dreg:$0x0];
	s2 =	stileid.u32  }
0xb9: {  	s1 =	rddreg [dreg:$0x1];
	p0 =	sne.s32 s2, $0x0  }
0xba: {  	s3 =	rddreg [dreg:$0x2];
	[bflag:$0x3] =	sbarrier.arrive $0xFFFF;
	s2 =	simm.s32 @!p0 $0x1C03  }
0xbb: {  	[timem:s3], [sflag:s2] =	dma.local @!p0 [hbm:s0], s1  }
0xbc: {  	s0 =	simm.s32 @!p0 $0x3  }
0xbd: {  	_ =	swait.ge @!p0 [sflag:s0], s1  }
0xbe: {  	s1 =	ssub.s32 @!p0 $0x0, s1;
	[sflag:s0] =	ssyncset.done @!p0 $0x0  }
0xbf: {  	[sflag:s0] =	ssyncadd.s32 @!p0 s1  }
0xc0: {  	[bflag:$0x3] =	sbarrier.arrive $0xFFFF  }
0xc1: {  	_ =	shalt  }

// kernel: kernel.9.cloned.1.call-start
scs
__scs_entry_jumppad:
0x0: {  	(pc) =	sbr.rel $0x88, $3  }
0x1: {  	(tag) =	ssettag $0x0;
	lr =	simm.s32 $0x1  }
0x2: {  	[smem:$0x3F9A] =	sst lr;
	_ =	strace $0xD0000000  }
0x3: {  	_ = 	snop  }
0x4: {  	_ = 	snop  }
0x5: {  	_ = 	snop  }
0x6: {  	_ = 	snop  }
0x7: {  	_ = 	snop  }
__scs_overlays_trampoline_lowered:
0x8: {  	[smem:$0x3FA9] =	sst s0  }
0x9: {  	[smem:$0x3FAA] =	sst s1  }
0xa: {  	[smem:$0x3FAB] =	sst s2  }
0xb: {  	[smem:$0x3FAC] =	sst s3  }
0xc: {  	[smem:$0x3FAD] =	sst s4  }
0xd: {  	[smem:$0x3FAE] =	sst s5  }
0xe: {  	[smem:$0x3FAF] =	sst s6  }
0xf: {  	[smem:$0x3FB0] =	sst s7  }
0x10: {  	[smem:$0x3FB1] =	sst s8  }
0x11: {  	[smem:$0x3FB2] =	sst s9;
	s0 =	simm.s32 @!p0 $0x0  }
0x12: {  	s1 =	sld [smem:$0x3F98];
	s0 =	simm.s32 @p0 $0x1  }
0x13: {  	[smem:$0x3FB3] =	sst s0;
	s0 =	simm.s32 @!p1 $0x0  }
0x14: {  	s2 =	sld [smem:$0x3F97];
	s0 =	simm.s32 @p1 $0x1  }
0x15: {  	[smem:$0x3FB4] =	sst s0;
	s0 =	simm.s32 @!p2 $0x0  }
0x16: {  	s3 =	sld [smem:$0x3FDB];
	s0 =	simm.s32 @p2 $0x1  }
0x17: {  	s4 =	simm.s32 $0x1BF5;
	[smem:$0x3FB6] =	sst s0  }
0x18: {  	s0 =	sld [smem:$0x3F99];
	_ =	swait.ge [sflag:s4], $0x0  }
0x19: {  	s7 =	sld [smem:$0x3F9A]  }
0x1a: {  	s8 =	sadd.s32 $0xFFFFE003, lr  }
0x1b: {  	s9 =	sadd.s32 $0xFFFFFEF7, lr;
	s5 =	simm.s32 $0xFFFFFFFF;
	p2 =	slt.u32 s8, $0xFFFFF086  }
0x1c: {  	p1 =	slt.u32 s9, $0xF7A;
	s5 =	simm.s32 @!p2 $0x0  }
0x1d: {  	s5 =	simm.s32 @p1 $0x1;
	p0 =	seq.s32 s7, s2  }
0x1e: {  	s7 =	smul.u32 @!p0 $0xF7A, s2;
	p2 =	seq.s32 @!p0 s5, $0x0  }
0x1f: {  	s9 =	smul.u32 $0xF7A, s1;
	s8 =	simm.s32 @!p0 $0x1BF5;
	p2 =	por !p2, p0  }
0x20: {  	[sflag:s8] =	ssyncset.s32 @!p0 $0xFFFFF086;
	s6 =	sadd.s32 @!p0 s3, s7;
	s7 =	simm.s32 @!p0 $0x108  }
0x21: {  	s3 =	sadd.s32 s3, s9;
	s6 =	sadd.s32 @!p0 $0x88, s6;
	s7 =	simm.s32 @p2 $0x1082  }
0x22: {  	[simem:s7], [sflag:s8] =	dma.local @!p0 [hbm:s6], $0xF7A  }
0x23: {  	s9 =	sor.u32 $0xD0000000, s2;
	s6 =	simm.s32 $0x108;
	_ =	swait.ge @!p0 [sflag:s8], $0x0  }
0x24: {  	s3 =	sadd.s32 $0x88, s3;
	s6 =	simm.s32 @!p1 $0x1082;
	[sflag:s4] =	ssyncset.s32 $0xFFFFF086  }
0x25: {  	[simem:s6], [sflag:s4] =	dma.local [hbm:s3], $0xF7A  }
0x26: {  	[smem:$0x3F9A] =	sst s1;
	(tag) =	ssettag s2;
	_ =	strace s9  }
0x27: {  	s1 =	sld [smem:$0x3FAA]  }
0x28: {  	s2 =	sld [smem:$0x3FAB]  }
0x29: {  	s4 =	sld [smem:$0x3FAD]  }
0x2a: {  	p0 =	seq.s32 s5, $0x0;
	s5 =	sld [smem:$0x3FAE]  }
0x2b: {  	s6 =	sld [smem:$0x3FAF]  }
0x2c: {  	s7 =	sld [smem:$0x3FB0]  }
0x2d: {  	s3 =	simm.s32 $0x108;
	s8 =	sld [smem:$0x3FB1]  }
0x2e: {  	s3 =	simm.s32 @!p0 $0x1082;
	s9 =	sld [smem:$0x3FB2]  }
0x2f: {  	lr =	sadd.s32 s0, s3;
	s0 =	sld [smem:$0x3FA9]  }
0x30: {  	s3 =	sld [smem:$0x3FAC]  }
0x31: {  	[smem:$0x3FB5] =	sst s10  }
0x32: {  	s10 =	sld [smem:$0x3FB3];
	_ =	sdelay $0x3  }
0x33: {  	p0 =	seq.s32 s10, $0x1;
	s10 =	sld [smem:$0x3FB5];
	_ =	sdelay $0x3  }
0x34: {  	[smem:$0x3FB5] =	sst s10  }
0x35: {  	s10 =	sld [smem:$0x3FB4];
	_ =	sdelay $0x3  }
0x36: {  	p1 =	seq.s32 s10, $0x1;
	s10 =	sld [smem:$0x3FB5];
	_ =	sdelay $0x3  }
0x37: {  	[smem:$0x3FB5] =	sst s10  }
0x38: {  	s10 =	sld [smem:$0x3FB6]  }
0x39: {  	_ = 	snop;
	(pc) =	sbr.ind lr, $3  }
0x3a: {  	_ = 	snop  }
0x3b: {  	_ = 	snop  }
0x3c: {  	p2 =	seq.s32 s10, $0x1;
	s10 =	sld [smem:$0x3FB5]  }
0x3d: {  	_ =	shalt  }
0x3e: {  	_ =	shalt  }
0x3f: {  	_ =	shalt  }
0x40: {  	_ =	shalt  }
0x41: {  	_ =	shalt  }
0x42: {  	_ =	shalt  }
0x43: {  	_ =	shalt  }
0x44: {  	_ =	shalt  }
0x45: {  	_ =	shalt  }
0x46: {  	_ =	shalt  }
0x47: {  	_ =	shalt  }
0x48: {  	_ =	shalt  }
0x49: {  	_ =	shalt  }
0x4a: {  	_ =	shalt  }
0x4b: {  	_ =	shalt  }
0x4c: {  	_ =	shalt  }
0x4d: {  	_ =	shalt  }
0x4e: {  	_ =	shalt  }
0x4f: {  	_ =	shalt  }
0x50: {  	_ =	shalt  }
0x51: {  	_ =	shalt  }
0x52: {  	_ =	shalt  }
0x53: {  	_ =	shalt  }
0x54: {  	_ =	shalt  }
0x55: {  	_ =	shalt  }
0x56: {  	_ =	shalt  }
0x57: {  	_ =	shalt  }
0x58: {  	_ =	shalt  }
0x59: {  	_ =	shalt  }
0x5a: {  	_ =	shalt  }
0x5b: {  	_ =	shalt  }
0x5c: {  	_ =	shalt  }
0x5d: {  	_ =	shalt  }
0x5e: {  	_ =	shalt  }
0x5f: {  	_ =	shalt  }
0x60: {  	_ =	shalt  }
0x61: {  	_ =	shalt  }
0x62: {  	_ =	shalt  }
0x63: {  	_ =	shalt  }
0x64: {  	_ =	shalt  }
0x65: {  	_ =	shalt  }
0x66: {  	_ =	shalt  }
0x67: {  	_ =	shalt  }
0x68: {  	_ =	shalt  }
0x69: {  	_ =	shalt  }
0x6a: {  	_ =	shalt  }
0x6b: {  	_ =	shalt  }
0x6c: {  	_ =	shalt  }
0x6d: {  	_ =	shalt  }
0x6e: {  	_ =	shalt  }
0x6f: {  	_ =	shalt  }
0x70: {  	_ =	shalt  }
0x71: {  	_ =	shalt  }
0x72: {  	_ =	shalt  }
0x73: {  	_ =	shalt  }
0x74: {  	_ =	shalt  }
0x75: {  	_ =	shalt  }
0x76: {  	_ =	shalt  }
0x77: {  	_ =	shalt  }
0x78: {  	_ =	shalt  }
0x79: {  	_ =	shalt  }
0x7a: {  	_ =	shalt  }
0x7b: {  	_ =	shalt  }
0x7c: {  	_ =	shalt  }
0x7d: {  	_ =	shalt  }
0x7e: {  	_ =	shalt  }
0x7f: {  	_ =	shalt  }
0x80: {  	_ =	shalt  }
0x81: {  	_ =	shalt  }
0x82: {  	_ =	shalt  }
0x83: {  	_ =	shalt  }
0x84: {  	_ =	shalt  }
0x85: {  	_ =	shalt  }
0x86: {  	_ =	shalt  }
0x87: {  	_ =	shalt  }
.Lfunc_end0:
.L_simem_size_0:
called_computation.1_lowered:
.L_overlay_start_0:
0x88: {  	s2 =	sld [smem:$0x3FD9]  }
0x89: {  	s3 =	sld [smem:$0x3FFE];
	_ =	sdelay $0x1  }
0x8a: {  	s1 =	srdreg.scid  }
0x8b: {  	s0 =	sand.u32 $0x1, s1  }
0x8c: {  	s17 =	sshll.u32 s0, $0xA;
	s2 =	sadd.s32 s3, s2  }
0x8d: {  	s2 =	sadd.s32 s2, s17  }
0x8e: {  	[smem:$0x3FC1] =	sst s2  }
0x8f: {  	_ = 	snop  }
0x90: {  	s2 =	sld [smem:$0x3FD0];
	(tm) =	ssettm $0x1  }
0x91: {  	s18 =	sld [smem:$0x3FFB];
	_ =	sdelay $0x3  }
0x92: {  	_ =	strace s18  }
0x93: {  	s3 =	sld [smem:$0x3FFC];
	_ =	sdelay $0x3  }
0x94: {  	_ =	strace s3  }
0x95: {  	s3 =	sld [smem:$0x3FFD];
	_ =	sdelay $0x3  }
0x96: {  	_ =	strace s3  }
0x97: {  	_ =	strace $0x8FFFFFFF  }
0x98: {  	s19 =	sld [smem:$0x3FDB];
	_ =	sdelay $0x1  }
0x99: {  	s4 =	simm.s32 $_scs_section_size  }
0x9a: {  	s5 =	simm.s32 $_size__tile_overlayer_lowered;
	s6 =	simm.s32 $_tile_overlayer_lowered  }
0x9b: {  	s22 =	simm.s32 $0x1BFF;
	s21 =	sshll.u32 s6, $0x1;
	s3 =	sadd.s32 s4, s19  }
0x9c: {  	s7 =	simm.s32 $0x0;
	s20 =	sshll.u32 s5, $0x1;
	s5 =	sadd.s32 s21, s3  }
0x9d: {  	[timem:s7], [sflag:s22] =	dma.local [hbm:s5], s20  }
0x9e: {  	_ =	swait.ge [sflag:s22], s20  }
0x9f: {  	s4 =	ssub.s32 $0x0, s20;
	[sflag:s22] =	ssyncset.done $0x0  }
0xa0: {  	[sflag:s22] =	ssyncadd.s32 s4;
	_ =	sdelay $0x1  }
0xa1: {  	s23 =	simm.s32 $0x1B8B  }
0xa2: {  	_ =	swait.ge [sflag:s23], $0x1  }
0xa3: {  	[sflag:s23] =	ssyncset.done $0x0  }
0xa4: {  	s25 =	simm.s32 $0x1B8E;
	s24 =	sld [smem:$0x3FFE];
	[sflag:s23] =	ssyncadd.s32 $0xFFFFFFFF  }
0xa5: {  	s26 =	simm.s32 $execute0_lowered;
	[smem:$0x3FD2] =	sst s25  }
0xa6: {  	s5 =	sshll.u32 s26, $0x1;
	_ =	strace $0x80000049;
	[dreg:$0x1] =	wrdreg $0xFFFFFFFF  }
0xa7: {  	s28 =	simm.s32 $_size_execute0_lowered;
	s3 =	sadd.s32 s3, s5;
	[dreg:$0x0] =	wrdreg $0x0  }
0xa8: {  	s5 =	sshll.u32 s28, $0x1;
	[dreg:$0x2] =	wrdreg s3  }
0xa9: {  	[dreg:$0x3] =	wrdreg s5  }
0xaa: {  	[dreg:$0x4] =	wrdreg $0xC0  }
0xab: {  	_ =	task [dreg:s7], $0x5FFFF  }
0xac: {  	[dreg:$0x1] =	wrdreg $0xFFFFFFFF  }
0xad: {  	[dreg:$0x0] =	wrdreg $0x60  }
0xae: {  	[dreg:$0x2] =	wrdreg s2  }
0xaf: {  	[dreg:$0x3] =	wrdreg s24  }
0xb0: {  	[dreg:$0x4] =	wrdreg $0xAA800  }
0xb1: {  	[dreg:$0x5] =	wrdreg $0x9  }
0xb2: {  	_ =	task.clear_ibuf [dreg:s7], $0x6FFFF;
	_ =	strace $0x90000049  }
0xb3: {  	s29 =	simm.s32 $0x9;
	_ =	strace $0x8000004B  }
0xb4: {  	_ =	swait.ge [sflag:s29], $0x1  }
0xb5: {  	[sflag:s29] =	ssyncadd.s32 $0xFFFFFFFF  }
0xb6: {  	_ =	strace $0x9000004B  }
0xb7: {  	_ =	sfence  }
0xb8: {  	s30 =	sld [smem:$0x0];
	_ =	sdelay $0x2  }
0xb9: {  	s31 =	sshll.u32 s1, $0xD;
	s1 =	sshrl.u32 s1, $0x2  }
0xba: {  	s3 =	sand.u32 $0x4000, s31;
	s1 =	sadd.s32 s1, s30  }
0xbb: {  	s0 =	sor.u32 s3, s0;
	s1 =	sshll.u32 s1, $0x11  }
0xbc: {  	s0 =	sor.u32 s1, s0  }
0xbd: {  	s0 =	sadd.s32 $0x8F2B, s0  }
0xbe: {  	[sflag:s0] =	ssyncadd.remote.s32 $0x1  }
0xbf: {  	_ =	sfence.sel $0xFFFF  }
0xc0: {  	[dreg:$0x0] =	wrdreg $0xFFFFFFFF;
	(pc) =	sbr.abs _section_cstart, $3  }
0xc1: {  	[dreg:$0x1] =	wrdreg $0xFFFFFFFF  }
0xc2: {  	_ =	task.clear_ibuf [dreg:s7], $0x2FFFF;
	_ =	strace $0x9FFFFFFF  }
0xc3: {  	(tm) =	ssettm $0x7FFFFFFF  }
tec
execute0_lowered:
.L_overlay_start_1:
0x0: {  	(tag) =	ssettag $0x1  }
0x1: {  	s0 =	rddreg [dreg:$0x0]  }
0x2: {  	s1 =	srdreg.scid;
	s11 =	rddreg [dreg:$0x1]  }
0x3: {  	s3 =	rddreg [dreg:$0x2];
	s2 =	stileid.u32;
	s13 =	simm.s32 $0x33E00  }
0x4: {  	s15 =	simm.s32 $0x2A80;
	s16 =	simm.s32 $0x3;
	s17 =	simm.s32 $0x1  }
0x5: {  	s18 =	simm.s32 $0x80;
	s19 =	simm.s32 $0x2800;
	s25 =	simm.s32 $0x0  }
0x6: {  	s8 =	sand.u32 $0x1, s1;
	s1 =	rddreg [dreg:$0x3];
	s9 =	smul.u32 $0x50000, s2  }
0x7: {  	s14 =	smul.u32 $0x2800, s2;
	s4 =	sshll.u32 s8, $0x4;
	s6 =	ssub.s32 $0x2, s8  }
0x8: {  	p0 =	seq.s32 s8, $0x1;
	s5 =	sor.u32 s2, s4;
	s4 =	simm.s32 $0x0  }
0x9: {  	s7 =	sshrl.u32 s6, $0x1;
	s31 =	sshrl.u32 s9, $0x2;
	s13 =	simm.s32 @!p0 $0xBE00  }
0xa: {  	s20 =	smul.u32 $0x50, s5;
	[smem:$0x7FF] =	sst s4;
	s5 =	sadd.s32 $0x1E00, s11  }
0xb: {  	s12 =	ssub.s32 s6, s7;
	s6 =	sadd.s32 s31, s3;
	s13 =	sadd.s32 s13, s11  }
0xc: {  	_ =	strace $0x8000004A;
	s7 =	sadd.s32 $0x4000, s6;
	s8 =	sadd.s32 $0x8000, s6  }
0xd: {  	s9 =	sadd.s32 $0xC000, s6;
	s10 =	sadd.s32 $0x10000, s6;
	s11 =	smax.u32 s12, $0x1  }
0xe: {  	s12 =	sadd.s32 s13, s14;
	s13 =	simm.s32 $0x50;
	s14 =	simm.s32 $0x2A00  }
0xf: {  	v4 =	vlaneseq.u32;
	s21 =	sadd.s32 $0x10, s20;
	s22 =	sadd.s32 $0x20, s20;
	s23 =	sadd.s32 $0x30, s20  }
0x10: {  	v5 =	vimm.f32 $0.0e+00;
	s24 =	sadd.s32 $0x40, s20;
	v0 =	vor.u32 s20, v4;
	s20 =	simm.s32 $0x2880;
	v1 =	vor.u32 s21, v4;
	s21 =	simm.s32 $0x6A80  }
0x11: {  	v2 =	vor.u32 s22, v4;
	s22 =	simm.s32 $0x2900;
	v3 =	vor.u32 s23, v4;
	v4 =	vor.u32 s24, v4;
	s23 =	simm.s32 $0x2;
	s24 =	simm.s32 $0x2980  }
.LBB2_1:
0x12: {  	[tilespmem:$0x2A00] =	vst v0  }
0x13: {  	[tilespmem:$0x2A10] =	vst v1  }
0x14: {  	[tilespmem:$0x2A20] =	vst v2  }
0x15: {  	[tilespmem:$0x2A30] =	vst v3  }
0x16: {  	[tilespmem:$0x2A40] =	vst v4;
	s26 =	simm.s32 $0x0;
	s28 =	simm.s32 $0x200  }
0x17: {  	[tilespmem:s4], [sflag:$0x1] =	stream.indirect.gather [hbm4b:s5+s13], $0x80, s14, s13, $0xb8;
	[tilespmem:$0x1EA80] =	vst v63  }
.LBB2_2:
0x18: {  	p0 =	sne.s32 s28, $0xFE00;
	[tilespmem:s26+$0x2AF0] =	vst v5  }
0x19: {  	[tilespmem:s26+$0x2A80] =	vst v5  }
0x1a: {  	[tilespmem:s26+$0x2A90] =	vst v5  }
.Ltmp0:
0x1b: {  	[tilespmem:s26+$0x2AA0] =	vst v5;
	(pc) =	sbr.rel @p0 .LBB2_2-.Ltmp0, $4  }
0x1c: {  	[tilespmem:s26+$0x2AB0] =	vst v5  }
0x1d: {  	[tilespmem:s26+$0x2AC0] =	vst v5  }
0x1e: {  	[tilespmem:s26+$0x2AD0] =	vst v5  }
0x1f: {  	[tilespmem:s26+$0x2AE0] =	vst v5;
	s26 =	sshra.s32 s28, $0x2;
	s28 =	sadd.s32 $0x200, s28  }
0x20: {  	[tilespmem:s26+$0x2AF0] =	vst v5  }
0x21: {  	[tilespmem:s26+$0x2A80] =	vst v5  }
0x22: {  	[tilespmem:s26+$0x2A90] =	vst v5  }
0x23: {  	[tilespmem:s26+$0x2AA0] =	vst v5  }
0x24: {  	[tilespmem:s26+$0x2AB0] =	vst v5  }
0x25: {  	[tilespmem:s26+$0x2AC0] =	vst v5  }
0x26: {  	[tilespmem:s26+$0x2AD0] =	vst v5  }
0x27: {  	[tilespmem:s26+$0x2AE0] =	vst v5  }
0x28: {  	[spmem:s6] =	stream.linear.scatter [tilespmem:s15], [sflag:$0x3], $0x4000, $0x38;
	[tilespmem:$0x1EA80] =	vst v63  }
0x29: {  	_ =	swait.ge [sflag:s16], $0x4000  }
0x2a: {  	[sflag:s16] =	ssyncset.done $0x0  }
0x2b: {  	[sflag:s16] =	ssyncadd.s32 $0xFFFFC000  }
0x2c: {  	[spmem:s7] =	stream.linear.scatter [tilespmem:s15], [sflag:$0x3], $0x4000, $0x38;
	[tilespmem:$0x1EA80] =	vst v63  }
0x2d: {  	_ =	swait.ge [sflag:s16], $0x4000  }
0x2e: {  	[sflag:s16] =	ssyncset.done $0x0  }
0x2f: {  	[sflag:s16] =	ssyncadd.s32 $0xFFFFC000  }
0x30: {  	[spmem:s8] =	stream.linear.scatter [tilespmem:s15], [sflag:$0x3], $0x4000, $0x38;
	[tilespmem:$0x1EA80] =	vst v63  }
0x31: {  	_ =	swait.ge [sflag:s16], $0x4000  }
0x32: {  	[sflag:s16] =	ssyncset.done $0x0  }
0x33: {  	[sflag:s16] =	ssyncadd.s32 $0xFFFFC000  }
0x34: {  	[spmem:s9] =	stream.linear.scatter [tilespmem:s15], [sflag:$0x3], $0x4000, $0x38;
	[tilespmem:$0x1EA80] =	vst v63  }
0x35: {  	_ =	swait.ge [sflag:s16], $0x4000  }
0x36: {  	[sflag:s16] =	ssyncset.done $0x0  }
0x37: {  	[sflag:s16] =	ssyncadd.s32 $0xFFFFC000  }
0x38: {  	[spmem:s10] =	stream.linear.scatter [tilespmem:s15], [sflag:$0x3], $0x4000, $0x38;
	[tilespmem:$0x1EA80] =	vst v63  }
0x39: {  	_ =	swait.ge [sflag:s16], $0x4000  }
0x3a: {  	[sflag:s16] =	ssyncset.done $0x0  }
0x3b: {  	[sflag:s16] =	ssyncadd.s32 $0xFFFFC000  }
0x3c: {  	_ =	swait.ge [sflag:s17], $0x2800  }
0x3d: {  	[sflag:s17] =	ssyncset.done $0x0  }
0x3e: {  	[sflag:s17] =	ssyncadd.s32 $0xFFFFD800  }
0x3f: {  	[bflag:$0x0] =	sbarrier.arrive $0xFFFF  }
0x40: {  	v6 =	vld [tilespmem:$0x0];
	_ =	sdelay $0x1  }
0x41: {  	v7 =	vld [tilespmem:$0x10];
	_ =	sdelay $0x1  }
0x42: {  	v8 =	vld [tilespmem:$0x20]  }
0x43: {  	v9 =	vand.u32 $0x3FFF, v6  }
0x44: {  	v59 =	vld [tilespmem:$0x30];
	v6 =	vshrl.u32 v6, $0xE;
	[tilespmem:$0x2800] =	vst v9  }
0x45: {  	[tilespmem:$0x2900] =	vst v6;
	v6 =	vand.u32 $0x3FFF, v7  }
0x46: {  	[tilespmem:$0x2810] =	vst v6;
	v6 =	vshrl.u32 v7, $0xE;
	v7 =	vld [tilespmem:$0x40]  }
0x47: {  	[tilespmem:$0x2910] =	vst v6;
	v6 =	vand.u32 $0x3FFF, v8  }
0x48: {  	[tilespmem:$0x2820] =	vst v6;
	v6 =	vshrl.u32 v8, $0xE;
	v8 =	vld [tilespmem:$0x50]  }
0x49: {  	[tilespmem:$0x2920] =	vst v6;
	v6 =	vand.u32 $0x3FFF, v59  }
0x4a: {  	v60 =	vld [tilespmem:$0x60];
	[tilespmem:$0x2830] =	vst v6;
	v6 =	vshrl.u32 v59, $0xE  }
0x4b: {  	[tilespmem:$0x2930] =	vst v6;
	v6 =	vand.u32 $0x3FFF, v7  }
0x4c: {  	[tilespmem:$0x2840] =	vst v6;
	v6 =	vshrl.u32 v7, $0xE;
	v7 =	vld [tilespmem:$0x70]  }
0x4d: {  	[tilespmem:$0x2940] =	vst v6;
	v6 =	vand.u32 $0x3FFF, v8  }
0x4e: {  	[tilespmem:$0x2850] =	vst v6;
	v6 =	vshrl.u32 v8, $0xE  }
0x4f: {  	[tilespmem:$0x2950] =	vst v6;
	v6 =	vand.u32 $0x3FFF, v60  }
0x50: {  	[tilespmem:$0x2860] =	vst v6;
	v6 =	vshrl.u32 v60, $0xE  }
0x51: {  	[tilespmem:$0x2960] =	vst v6;
	v6 =	vand.u32 $0x3FFF, v7  }
0x52: {  	[tilespmem:$0x2870] =	vst v6;
	v6 =	vshrl.u32 v7, $0xE  }
0x53: {  	[tilespmem:$0x2970] =	vst v6  }
0x54: {  	[tilespmem:s15], [sflag:$0x1] =	stream.indirect.gather [hbm4b:s0+s18], $0x80, s19, s18, $0xb8;
	[tilespmem:$0x1EA80] =	vst v63  }
0x55: {  	v6 =	vld [tilespmem:$0x80];
	_ =	sdelay $0x1  }
0x56: {  	v7 =	vld [tilespmem:$0x90];
	_ =	sdelay $0x1  }
0x57: {  	v8 =	vld [tilespmem:$0xA0]  }
0x58: {  	v61 =	vand.u32 $0x3FFF, v6  }
0x59: {  	v62 =	vld [tilespmem:$0xB0];
	v6 =	vshrl.u32 v6, $0xE;
	[tilespmem:$0x2880] =	vst v61  }
0x5a: {  	[tilespmem:$0x2980] =	vst v6;
	v6 =	vand.u32 $0x3FFF, v7  }
0x5b: {  	[tilespmem:$0x2890] =	vst v6;
	v6 =	vshrl.u32 v7, $0xE;
	v7 =	vld [tilespmem:$0xC0]  }
0x5c: {  	[tilespmem:$0x2990] =	vst v6;
	v6 =	vand.u32 $0x3FFF, v8  }
0x5d: {  	[tilespmem:$0x28A0] =	vst v6;
	v6 =	vshrl.u32 v8, $0xE;
	v8 =	vld [tilespmem:$0xD0]  }
0x5e: {  	[tilespmem:$0x29A0] =	vst v6;
	v6 =	vand.u32 $0x3FFF, v62  }
0x5f: {  	v63 =	vld [tilespmem:$0xE0];
	[tilespmem:$0x28B0] =	vst v6;
	v6 =	vshrl.u32 v62, $0xE  }
0x60: {  	[tilespmem:$0x29B0] =	vst v6;
	v6 =	vand.u32 $0x3FFF, v7  }
0x61: {  	[tilespmem:$0x28C0] =	vst v6;
	v6 =	vshrl.u32 v7, $0xE;
	v7 =	vld [tilespmem:$0xF0]  }
0x62: {  	[tilespmem:$0x29C0] =	vst v6;
	v6 =	vand.u32 $0x3FFF, v8  }
0x63: {  	[tilespmem:$0x28D0] =	vst v6;
	v6 =	vshrl.u32 v8, $0xE  }
0x64: {  	[tilespmem:$0x29D0] =	vst v6;
	v6 =	vand.u32 $0x3FFF, v63  }
0x65: {  	[tilespmem:$0x28E0] =	vst v6;
	v6 =	vshrl.u32 v63, $0xE  }
0x66: {  	[tilespmem:$0x29E0] =	vst v6;
	v6 =	vand.u32 $0x3FFF, v7  }
0x67: {  	[tilespmem:$0x28F0] =	vst v6;
	v6 =	vshrl.u32 v7, $0xE  }
0x68: {  	[tilespmem:$0x29F0] =	vst v6  }
0x69: {  	[tilespmem:s21], [sflag:$0x2] =	stream.indirect.gather [hbm4b:s0+s18], $0x80, s20, s18, $0xb8;
	[tilespmem:$0x1EA80] =	vst v63  }
0x6a: {  	_ =	swait.ge [sflag:s17], $0x4000  }
0x6b: {  	[sflag:s17] =	ssyncset.done $0x0  }
0x6c: {  	[sflag:s17] =	ssyncadd.s32 $0xFFFFC000  }
0x6d: {  	[spmem:s3] =	stream.indirect.scatter.add.f32 [tilespmem:s15], [sflag:$0x3], $0x80, s22, s18, $0xb8;
	[tilespmem:$0x1EA80] =	vst v63  }
0x6e: {  	_ =	swait.ge [sflag:s16], $0x4000  }
0x6f: {  	[sflag:s16] =	ssyncset.done $0x0  }
0x70: {  	s26 =	simm.s32 $0x1F0;
	[sflag:s16] =	ssyncadd.s32 $0xFFFFC000  }
0x71: {  	v6 =	vld [tilespmem:s26+$0xFFFFFF10];
	_ =	sdelay $0x4  }
0x72: {  	v7 =	vand.u32 $0x3FFF, v6  }
0x73: {  	v6 =	vshrl.u32 v6, $0xE;
	[tilespmem:$0x2800] =	vst v7  }
0x74: {  	[tilespmem:$0x2900] =	vst v6  }
0x75: {  	v6 =	vld [tilespmem:s26+$0xFFFFFF20];
	_ =	sdelay $0x4  }
0x76: {  	v7 =	vand.u32 $0x3FFF, v6  }
0x77: {  	v6 =	vshrl.u32 v6, $0xE;
	[tilespmem:$0x2810] =	vst v7  }
0x78: {  	[tilespmem:$0x2910] =	vst v6  }
0x79: {  	v6 =	vld [tilespmem:s26+$0xFFFFFF30];
	_ =	sdelay $0x4  }
0x7a: {  	v7 =	vand.u32 $0x3FFF, v6  }
0x7b: {  	v6 =	vshrl.u32 v6, $0xE;
	[tilespmem:$0x2820] =	vst v7  }
0x7c: {  	[tilespmem:$0x2920] =	vst v6  }
0x7d: {  	v6 =	vld [tilespmem:s26+$0xFFFFFF40];
	_ =	sdelay $0x4  }
0x7e: {  	v7 =	vand.u32 $0x3FFF, v6  }
0x7f: {  	v6 =	vshrl.u32 v6, $0xE;
	[tilespmem:$0x2830] =	vst v7  }
0x80: {  	[tilespmem:$0x2930] =	vst v6  }
0x81: {  	v6 =	vld [tilespmem:s26+$0xFFFFFF50];
	_ =	sdelay $0x4  }
0x82: {  	v7 =	vand.u32 $0x3FFF, v6  }
0x83: {  	v6 =	vshrl.u32 v6, $0xE;
	[tilespmem:$0x2840] =	vst v7  }
0x84: {  	[tilespmem:$0x2940] =	vst v6  }
0x85: {  	v6 =	vld [tilespmem:s26+$0xFFFFFF60];
	_ =	sdelay $0x4  }
0x86: {  	v7 =	vand.u32 $0x3FFF, v6  }
0x87: {  	v6 =	vshrl.u32 v6, $0xE;
	[tilespmem:$0x2850] =	vst v7  }
0x88: {  	[tilespmem:$0x2950] =	vst v6  }
0x89: {  	v6 =	vld [tilespmem:s26+$0xFFFFFF70];
	_ =	sdelay $0x4  }
0x8a: {  	v7 =	vand.u32 $0x3FFF, v6  }
0x8b: {  	v6 =	vshrl.u32 v6, $0xE;
	[tilespmem:$0x2860] =	vst v7  }
0x8c: {  	[tilespmem:$0x2960] =	vst v6  }
0x8d: {  	v6 =	vld [tilespmem:s26+$0xFFFFFF80];
	_ =	sdelay $0x4  }
0x8e: {  	v7 =	vand.u32 $0x3FFF, v6  }
0x8f: {  	v6 =	vshrl.u32 v6, $0xE;
	[tilespmem:$0x2870] =	vst v7  }
0x90: {  	[tilespmem:$0x2970] =	vst v6  }
0x91: {  	[tilespmem:s15], [sflag:$0x1] =	stream.indirect.gather [hbm4b:s0+s18], $0x80, s19, s18, $0xb8;
	[tilespmem:$0x1EA80] =	vst v63  }
0x92: {  	_ =	swait.ge [sflag:s23], $0x4000  }
0x93: {  	[sflag:s23] =	ssyncset.done $0x0  }
0x94: {  	[sflag:s23] =	ssyncadd.s32 $0xFFFFC000  }
0x95: {  	[spmem:s3] =	stream.indirect.scatter.add.f32 [tilespmem:s21], [sflag:$0x3], $0x80, s24, s18, $0xb8;
	[tilespmem:$0x1EA80] =	vst v63  }
0x96: {  	_ =	swait.ge [sflag:s16], $0x4000  }
0x97: {  	[sflag:s16] =	ssyncset.done $0x0  }
0x98: {  	[sflag:s16] =	ssyncadd.s32 $0xFFFFC000  }
0x99: {  	v6 =	vld [tilespmem:s26+$0xFFFFFF90];
	_ =	sdelay $0x4  }
0x9a: {  	v7 =	vand.u32 $0x3FFF, v6  }
0x9b: {  	v6 =	vshrl.u32 v6, $0xE;
	[tilespmem:$0x2880] =	vst v7  }
0x9c: {  	[tilespmem:$0x2980] =	vst v6  }
0x9d: {  	v6 =	vld [tilespmem:s26+$0xFFFFFFA0];
	_ =	sdelay $0x4  }
0x9e: {  	v7 =	vand.u32 $0x3FFF, v6  }
0x9f: {  	v6 =	vshrl.u32 v6, $0xE;
	[tilespmem:$0x2890] =	vst v7  }
0xa0: {  	[tilespmem:$0x2990] =	vst v6  }
0xa1: {  	v6 =	vld [tilespmem:s26+$0xFFFFFFB0];
	_ =	sdelay $0x4  }
0xa2: {  	v7 =	vand.u32 $0x3FFF, v6  }
0xa3: {  	v6 =	vshrl.u32 v6, $0xE;
	[tilespmem:$0x28A0] =	vst v7  }
0xa4: {  	[tilespmem:$0x29A0] =	vst v6  }
0xa5: {  	v6 =	vld [tilespmem:s26+$0xFFFFFFC0];
	_ =	sdelay $0x4  }
0xa6: {  	v7 =	vand.u32 $0x3FFF, v6  }
0xa7: {  	v6 =	vshrl.u32 v6, $0xE;
	[tilespmem:$0x28B0] =	vst v7  }
0xa8: {  	[tilespmem:$0x29B0] =	vst v6  }
0xa9: {  	v6 =	vld [tilespmem:s26+$0xFFFFFFD0];
	_ =	sdelay $0x4  }
0xaa: {  	v7 =	vand.u32 $0x3FFF, v6  }
0xab: {  	v6 =	vshrl.u32 v6, $0xE;
	[tilespmem:$0x28C0] =	vst v7  }
0xac: {  	[tilespmem:$0x29C0] =	vst v6  }
0xad: {  	v6 =	vld [tilespmem:s26+$0xFFFFFFE0];
	_ =	sdelay $0x4  }
0xae: {  	v7 =	vand.u32 $0x3FFF, v6  }
0xaf: {  	v6 =	vshrl.u32 v6, $0xE;
	[tilespmem:$0x28D0] =	vst v7  }
0xb0: {  	[tilespmem:$0x29D0] =	vst v6  }
0xb1: {  	v6 =	vld [tilespmem:s26+$0xFFFFFFF0];
	_ =	sdelay $0x4  }
0xb2: {  	v7 =	vand.u32 $0x3FFF, v6  }
0xb3: {  	s28 =	simm.s32 $0xBC0;
	v6 =	vshrl.u32 v6, $0xE;
	[tilespmem:$0x28E0] =	vst v7  }
.LBB2_4:
0xb4: {  	p0 =	sne.s32 s28, $0x9FC0;
	[tilespmem:$0x29E0] =	vst v6;
	s29 =	smov.u32 s28;
	s28 =	sadd.s32 $0x400, s28  }
0xb5: {  	v6 =	vld [tilespmem:s26+$0x0];
	_ =	sdelay $0x4  }
0xb6: {  	v7 =	vand.u32 $0x3FFF, v6;
	v6 =	vshrl.u32 v6, $0xE  }
0xb7: {  	[tilespmem:$0x28F0] =	vst v7  }
0xb8: {  	[tilespmem:$0x29F0] =	vst v6  }
0xb9: {  	[tilespmem:s21], [sflag:$0x2] =	stream.indirect.gather [hbm4b:s0+s18], $0x80, s20, s18, $0xb8;
	[tilespmem:$0x1EA80] =	vst v63  }
0xba: {  	_ =	swait.ge [sflag:s17], $0x4000  }
0xbb: {  	[sflag:s17] =	ssyncset.done $0x0  }
0xbc: {  	[sflag:s17] =	ssyncadd.s32 $0xFFFFC000  }
0xbd: {  	[spmem:s3] =	stream.indirect.scatter.add.f32 [tilespmem:s15], [sflag:$0x3], $0x80, s22, s18, $0xb8;
	[tilespmem:$0x1EA80] =	vst v63  }
0xbe: {  	_ =	swait.ge [sflag:s16], $0x4000  }
0xbf: {  	[sflag:s16] =	ssyncset.done $0x0  }
0xc0: {  	s26 =	sshra.s32 s29, $0x2;
	[sflag:s16] =	ssyncadd.s32 $0xFFFFC000  }
0xc1: {  	v6 =	vld [tilespmem:s26+$0xFFFFFF10];
	_ =	sdelay $0x4  }
0xc2: {  	v7 =	vand.u32 $0x3FFF, v6;
	v6 =	vshrl.u32 v6, $0xE  }
0xc3: {  	[tilespmem:$0x2800] =	vst v7  }
0xc4: {  	[tilespmem:$0x2900] =	vst v6  }
0xc5: {  	v6 =	vld [tilespmem:s26+$0xFFFFFF20];
	_ =	sdelay $0x4  }
0xc6: {  	v7 =	vand.u32 $0x3FFF, v6;
	v6 =	vshrl.u32 v6, $0xE  }
0xc7: {  	[tilespmem:$0x2810] =	vst v7  }
0xc8: {  	[tilespmem:$0x2910] =	vst v6  }
0xc9: {  	v6 =	vld [tilespmem:s26+$0xFFFFFF30];
	_ =	sdelay $0x4  }
0xca: {  	v7 =	vand.u32 $0x3FFF, v6;
	v6 =	vshrl.u32 v6, $0xE  }
0xcb: {  	[tilespmem:$0x2820] =	vst v7  }
0xcc: {  	[tilespmem:$0x2920] =	vst v6  }
0xcd: {  	v6 =	vld [tilespmem:s26+$0xFFFFFF40];
	_ =	sdelay $0x4  }
0xce: {  	v7 =	vand.u32 $0x3FFF, v6;
	v6 =	vshrl.u32 v6, $0xE  }
0xcf: {  	[tilespmem:$0x2830] =	vst v7  }
0xd0: {  	[tilespmem:$0x2930] =	vst v6  }
0xd1: {  	v6 =	vld [tilespmem:s26+$0xFFFFFF50];
	_ =	sdelay $0x4  }
0xd2: {  	v7 =	vand.u32 $0x3FFF, v6;
	v6 =	vshrl.u32 v6, $0xE  }
0xd3: {  	[tilespmem:$0x2840] =	vst v7  }
0xd4: {  	[tilespmem:$0x2940] =	vst v6  }
0xd5: {  	v6 =	vld [tilespmem:s26+$0xFFFFFF60];
	_ =	sdelay $0x4  }
0xd6: {  	v7 =	vand.u32 $0x3FFF, v6;
	v6 =	vshrl.u32 v6, $0xE  }
0xd7: {  	[tilespmem:$0x2850] =	vst v7  }
0xd8: {  	[tilespmem:$0x2950] =	vst v6  }
0xd9: {  	v6 =	vld [tilespmem:s26+$0xFFFFFF70];
	_ =	sdelay $0x4  }
0xda: {  	v7 =	vand.u32 $0x3FFF, v6;
	v6 =	vshrl.u32 v6, $0xE  }
0xdb: {  	[tilespmem:$0x2860] =	vst v7  }
0xdc: {  	[tilespmem:$0x2960] =	vst v6  }
0xdd: {  	v6 =	vld [tilespmem:s26+$0xFFFFFF80];
	_ =	sdelay $0x4  }
0xde: {  	v7 =	vand.u32 $0x3FFF, v6;
	v6 =	vshrl.u32 v6, $0xE  }
0xdf: {  	[tilespmem:$0x2870] =	vst v7  }
0xe0: {  	[tilespmem:$0x2970] =	vst v6  }
0xe1: {  	[tilespmem:s15], [sflag:$0x1] =	stream.indirect.gather [hbm4b:s0+s18], $0x80, s19, s18, $0xb8;
	[tilespmem:$0x1EA80] =	vst v63  }
0xe2: {  	_ =	swait.ge [sflag:s23], $0x4000  }
0xe3: {  	[sflag:s23] =	ssyncset.done $0x0  }
0xe4: {  	[sflag:s23] =	ssyncadd.s32 $0xFFFFC000  }
0xe5: {  	[spmem:s3] =	stream.indirect.scatter.add.f32 [tilespmem:s21], [sflag:$0x3], $0x80, s24, s18, $0xb8;
	[tilespmem:$0x1EA80] =	vst v63  }
0xe6: {  	_ =	swait.ge [sflag:s16], $0x4000  }
0xe7: {  	[sflag:s16] =	ssyncset.done $0x0  }
0xe8: {  	[sflag:s16] =	ssyncadd.s32 $0xFFFFC000  }
0xe9: {  	v6 =	vld [tilespmem:s26+$0xFFFFFF90];
	_ =	sdelay $0x4  }
0xea: {  	v7 =	vand.u32 $0x3FFF, v6;
	v6 =	vshrl.u32 v6, $0xE  }
0xeb: {  	[tilespmem:$0x2880] =	vst v7  }
0xec: {  	[tilespmem:$0x2980] =	vst v6  }
0xed: {  	v6 =	vld [tilespmem:s26+$0xFFFFFFA0];
	_ =	sdelay $0x4  }
0xee: {  	v7 =	vand.u32 $0x3FFF, v6;
	v6 =	vshrl.u32 v6, $0xE  }
0xef: {  	[tilespmem:$0x2890] =	vst v7  }
0xf0: {  	[tilespmem:$0x2990] =	vst v6  }
0xf1: {  	v6 =	vld [tilespmem:s26+$0xFFFFFFB0];
	_ =	sdelay $0x4  }
0xf2: {  	v7 =	vand.u32 $0x3FFF, v6;
	v6 =	vshrl.u32 v6, $0xE  }
0xf3: {  	[tilespmem:$0x28A0] =	vst v7  }
0xf4: {  	[tilespmem:$0x29A0] =	vst v6  }
0xf5: {  	v6 =	vld [tilespmem:s26+$0xFFFFFFC0];
	_ =	sdelay $0x4  }
0xf6: {  	v7 =	vand.u32 $0x3FFF, v6;
	v6 =	vshrl.u32 v6, $0xE  }
0xf7: {  	[tilespmem:$0x28B0] =	vst v7  }
0xf8: {  	[tilespmem:$0x29B0] =	vst v6  }
0xf9: {  	v6 =	vld [tilespmem:s26+$0xFFFFFFD0];
	_ =	sdelay $0x4  }
0xfa: {  	v7 =	vand.u32 $0x3FFF, v6;
	v6 =	vshrl.u32 v6, $0xE  }
0xfb: {  	[tilespmem:$0x28C0] =	vst v7  }
0xfc: {  	[tilespmem:$0x29C0] =	vst v6  }
0xfd: {  	v6 =	vld [tilespmem:s26+$0xFFFFFFE0];
	_ =	sdelay $0x4  }
0xfe: {  	v7 =	vand.u32 $0x3FFF, v6;
	v6 =	vshrl.u32 v6, $0xE  }
0xff: {  	[tilespmem:$0x28D0] =	vst v7  }
0x100: {  	[tilespmem:$0x29D0] =	vst v6  }
0x101: {  	v6 =	vld [tilespmem:s26+$0xFFFFFFF0];
	_ =	sdelay $0x1  }
.Ltmp1:
0x102: {  	(pc) =	sbr.rel @p0 .LBB2_4-.Ltmp1, $3  }
0x103: {  	_ =	sdelay $0x1  }
0x104: {  	v7 =	vand.u32 $0x3FFF, v6;
	v6 =	vshrl.u32 v6, $0xE  }
0x105: {  	[tilespmem:$0x28E0] =	vst v7  }
0x106: {  	[tilespmem:$0x29E0] =	vst v6  }
0x107: {  	v6 =	vld [tilespmem:s26+$0x0];
	_ =	sdelay $0x4  }
0x108: {  	v7 =	vand.u32 $0x3FFF, v6  }
0x109: {  	v6 =	vshrl.u32 v6, $0xE;
	[tilespmem:$0x28F0] =	vst v7  }
0x10a: {  	[tilespmem:$0x29F0] =	vst v6  }
0x10b: {  	[tilespmem:s21], [sflag:$0x2] =	stream.indirect.gather [hbm4b:s0+s18], $0x80, s20, s18, $0xb8;
	[tilespmem:$0x1EA80] =	vst v63  }
0x10c: {  	_ =	swait.ge [sflag:s17], $0x4000  }
0x10d: {  	[sflag:s17] =	ssyncset.done $0x0  }
0x10e: {  	[sflag:s17] =	ssyncadd.s32 $0xFFFFC000  }
0x10f: {  	[spmem:s3] =	stream.indirect.scatter.add.f32 [tilespmem:s15], [sflag:$0x3], $0x80, s22, s18, $0xb8;
	[tilespmem:$0x1EA80] =	vst v63  }
0x110: {  	_ =	swait.ge [sflag:s16], $0x4000  }
0x111: {  	[sflag:s16] =	ssyncset.done $0x0  }
0x112: {  	[sflag:s16] =	ssyncadd.s32 $0xFFFFC000  }
0x113: {  	_ =	swait.ge [sflag:s23], $0x4000  }
0x114: {  	[sflag:s23] =	ssyncset.done $0x0  }
0x115: {  	[sflag:s23] =	ssyncadd.s32 $0xFFFFC000  }
0x116: {  	[spmem:s3] =	stream.indirect.scatter.add.f32 [tilespmem:s21], [sflag:$0x3], $0x80, s24, s18, $0xb8;
	[tilespmem:$0x1EA80] =	vst v63  }
0x117: {  	_ =	swait.ge [sflag:s16], $0x4000  }
0x118: {  	s31 =	sshll.u32 s2, $0x6;
	s25 =	sadd.s32 $0x1, s25;
	[sflag:s16] =	ssyncset.done $0x0  }
0x119: {  	s28 =	sshrl.u32 s6, $0x3;
	p0 =	sne.s32 s25, s11;
	[sflag:s16] =	ssyncadd.s32 $0xFFFFC000  }
.Ltmp2:
0x11a: {  	s26 =	sor.u32 $0x1C03, s31;
	[bflag:$0x0] =	sbarrier.arrive $0xFFFF;
	(pc) =	sbr.rel @p0 .LBB2_1-.Ltmp2, $4  }
0x11b: {  	[hbm:s12], [sflag:s26] =	dma.local [spmem:s28], $0x2800  }
0x11c: {  	_ =	swait.ge [sflag:s16], $0x2800  }
0x11d: {  	[sflag:s16] =	ssyncset.done $0x0  }
0x11e: {  	[sflag:s16] =	ssyncadd.s32 $0xFFFFD800  }
0x11f: {  	_ =	sfence.sel $0x180000  }
0x120: {  	[bflag:$0x0] =	sbarrier.arrive $0xFFFF  }
0x121: {  	p0 =	sne.s32 s2, $0x0;
	_ =	strace $0x9000004A  }
0x122: {  	s0 =	sadd.s32 @!p0 $0x100000, s1;
	[bflag:$0x2] =	sbarrier.arrive $0xFFFF  }
0x123: {  	[sflag:s0] =	ssyncadd.tile.s32 @!p0 $0x1;
	_ =	shalt  }
.Lfunc_end2:
_tile_overlayer_lowered:
.L_overlay_start_2:
0x124: {  	(tag) =	ssettag $0x2  }
0x125: {  	s0 =	rddreg [dreg:$0x0];
	s2 =	stileid.u32  }
0x126: {  	s1 =	rddreg [dreg:$0x1];
	p0 =	sne.s32 s2, $0x0  }
0x127: {  	s3 =	rddreg [dreg:$0x2];
	[bflag:$0x3] =	sbarrier.arrive $0xFFFF;
	s2 =	simm.s32 @!p0 $0x1C03  }
0x128: {  	[timem:s3], [sflag:s2] =	dma.local @!p0 [hbm:s0], s1  }
0x129: {  	s0 =	simm.s32 @!p0 $0x3  }
0x12a: {  	_ =	swait.ge @!p0 [sflag:s0], s1  }
0x12b: {  	s1 =	ssub.s32 @!p0 $0x0, s1;
	[sflag:s0] =	ssyncset.done @!p0 $0x0  }
0x12c: {  	[sflag:s0] =	ssyncadd.s32 @!p0 s1  }
0x12d: {  	[bflag:$0x3] =	sbarrier.arrive $0xFFFF  }
0x12e: {  	_ =	shalt  }

</sc_bundles>
